<compile_context>
chip_gen: v7x
topology: tpu7x:2x2x1
jax: 0.10.2.dev20260603
libtpu: 0.0.44.dev20260713+nightly
codegen_flags: <defaults>
</compile_context>

<pallas_src>
import functools

import jax
import jax.numpy as jnp
from jax import lax
from jax.experimental import pallas as pl
from jax.experimental.pallas import tpu as pltpu
from jax.experimental.pallas import tpu_sc as plsc

N = 10000
E = 320000
F_IN = 128
HID = 128
HEADS = 8
OUT = 16
MLP_H = 256

NC = 2
NS = 16
NW = NC * NS
EPW = E // NW
CH = 80
NCHUNK = EPW // CH
RB = 400
NRB = N // RB

BM = 1000
GRID = N // BM

_mesh = plsc.VectorSubcoreMesh(core_axis_name="c", subcore_axis_name="s")


_DNUMS = lax.GatherDimensionNumbers(
    offset_dims=(), collapsed_slice_dims=(0,), start_index_map=(0,))


def _lane_gather(x, idx):
    return lax.gather(x, idx[:, None], _DNUMS, (1,),
                      mode=lax.GatherScatterMode.PROMISE_IN_BOUNDS)


def _splat(vec, j):
    return _lane_gather(vec, jnp.full((16,), j, jnp.int32))


def _lane_allsum(x):
    lanes = lax.iota(jnp.int32, 16)
    for sh in (8, 4, 2, 1):
        x = x + _lane_gather(x, lanes ^ sh)
    return x



def _k1_body(x_ref, w_ref, a_ref, ar_ref, h_ref, e_ref, er_ref):
    h = jnp.dot(x_ref[...], w_ref[...], preferred_element_type=jnp.float32)
    h_ref[...] = h
    e_ref[...] = jnp.dot(h, a_ref[...], preferred_element_type=jnp.float32)
    er_ref[...] = jnp.dot(h, ar_ref[...], preferred_element_type=jnp.float32)


def _merge(acc_ref, den_ref, h_ref, e_ref, b_ref, erep_ref):
    e = e_ref[...]
    v = e[:, :HEADS] + e[:, HEADS:]
    v = jnp.where(v >= 0.0, v, 0.2 * v)
    exs = jnp.exp(v)
    erep = erep_ref[...]
    exs_w = jnp.dot(exs, erep, preferred_element_type=jnp.float32)
    num = acc_ref[0] + acc_ref[1] + h_ref[...] * exs_w
    den8 = den_ref[0][:, :HEADS] + den_ref[1][:, :HEADS] + exs
    den = jnp.dot(den8, erep, preferred_element_type=jnp.float32) + 1e-16
    return jnp.maximum(num / den + b_ref[...], 0.0)


def _k2_body(acc_ref, den_ref, h_ref, e_ref, b_ref, erep_ref,
             w_ref, a_ref, ar_ref, h2_ref, e2_ref, e2r_ref):
    x1 = _merge(acc_ref, den_ref, h_ref, e_ref, b_ref, erep_ref)
    h2 = jnp.dot(x1, w_ref[...], preferred_element_type=jnp.float32)
    h2_ref[...] = h2
    e2_ref[...] = jnp.dot(h2, a_ref[...], preferred_element_type=jnp.float32)
    e2r_ref[...] = jnp.dot(h2, ar_ref[...], preferred_element_type=jnp.float32)


def _k3_body(acc_ref, den_ref, h_ref, e_ref, b_ref, erep_ref,
             wma_ref, wmb_ref, bm1_ref, p_ref, q_ref):
    x2 = _merge(acc_ref, den_ref, h_ref, e_ref, b_ref, erep_ref)
    p_ref[...] = jnp.dot(x2, wma_ref[...], preferred_element_type=jnp.float32)
    q_ref[...] = (jnp.dot(x2, wmb_ref[...], preferred_element_type=jnp.float32)
                  + bm1_ref[...])


def _row_spec(w):
    return pl.BlockSpec((BM, w), lambda i: (i, 0))


def _full_spec(shape):
    return pl.BlockSpec(shape, lambda i: tuple(0 for _ in shape))


def _tc_k1(x, w1, a1, a1r):
    return pl.pallas_call(
        _k1_body,
        grid=(GRID,),
        in_specs=[_row_spec(F_IN), _full_spec((F_IN, HID)),
                  _full_spec((HID, 16)), _full_spec((HID, 16))],
        out_specs=[_row_spec(HID), _row_spec(16), _row_spec(16)],
        out_shape=[jax.ShapeDtypeStruct((N, HID), jnp.float32),
                   jax.ShapeDtypeStruct((N, 16), jnp.float32),
                   jax.ShapeDtypeStruct((N, 16), jnp.float32)],
    )(x, w1, a1, a1r)


def _tc_k2(acc, den, h, esd, b, erep, w2, a2, a2r):
    return pl.pallas_call(
        _k2_body,
        grid=(GRID,),
        in_specs=[pl.BlockSpec((2, BM, HID), lambda i: (0, i, 0)),
                  pl.BlockSpec((2, BM, 16), lambda i: (0, i, 0)),
                  _row_spec(HID), _row_spec(16), _full_spec((1, HID)),
                  _full_spec((HEADS, HID)), _full_spec((HID, HID)),
                  _full_spec((HID, 16)), _full_spec((HID, 16))],
        out_specs=[_row_spec(HID), _row_spec(16), _row_spec(16)],
        out_shape=[jax.ShapeDtypeStruct((N, HID), jnp.float32),
                   jax.ShapeDtypeStruct((N, 16), jnp.float32),
                   jax.ShapeDtypeStruct((N, 16), jnp.float32)],
    )(acc, den, h, esd, b, erep, w2, a2, a2r)


def _tc_k3(acc, den, h, esd, b, erep, wma, wmb, bm1):
    return pl.pallas_call(
        _k3_body,
        grid=(GRID,),
        in_specs=[pl.BlockSpec((2, BM, HID), lambda i: (0, i, 0)),
                  pl.BlockSpec((2, BM, 16), lambda i: (0, i, 0)),
                  _row_spec(HID), _row_spec(16), _full_spec((1, HID)),
                  _full_spec((HEADS, HID)), _full_spec((HID, MLP_H)),
                  _full_spec((HID, MLP_H)), _full_spec((1, MLP_H))],
        out_specs=[_row_spec(MLP_H), _row_spec(MLP_H)],
        out_shape=[jax.ShapeDtypeStruct((N, MLP_H), jnp.float32),
                   jax.ShapeDtypeStruct((N, MLP_H), jnp.float32)],
    )(acc, den, h, esd, b, erep, wma, wmb, bm1)



def _sc_layer_body(esd_hbm, esdr_hbm, h_hbm, src_hbm, dst_hbm, z128_hbm,
                   z16_hbm, acc_hbm, den_hbm,
                   idx_s, idx_d, gs, gd, hrow, msg, exb, acc_sh, den_sh, sem):
    c = lax.axis_index("c")
    s = lax.axis_index("s")
    wid = s * NC + c

    for k in range((NRB + NS - 1) // NS):
        blk = s + k * NS

        @pl.when(blk < NRB)
        def _init():
            r0 = blk * RB
            pltpu.sync_copy(z128_hbm.at[pl.ds(r0, RB)],
                            acc_sh.at[pl.ds(r0, RB)])
            pltpu.sync_copy(z16_hbm.at[pl.ds(r0, RB)],
                            den_sh.at[pl.ds(r0, RB)])

    plsc.subcore_barrier()

    base = wid * EPW

    def chunk_body(ci, _):
        off = base + ci * CH
        pltpu.sync_copy(src_hbm.at[pl.ds(off, CH)], idx_s)
        pltpu.sync_copy(dst_hbm.at[pl.ds(off, CH)], idx_d)
        pltpu.async_copy(esd_hbm.at[idx_s], gs, sem).wait()
        pltpu.async_copy(esdr_hbm.at[idx_d], gd, sem).wait()
        pltpu.async_copy(h_hbm.at[idx_s], hrow, sem).wait()

        def edge_body(e, carry):
            v = gs[e] + gd[e]
            v = jnp.where(v >= 0.0, v, 0.2 * v)
            ex = jnp.exp(v)
            exb[e] = ex
            for j in range(HEADS):
                sp = _splat(ex, j)
                msg[e, pl.ds(j * OUT, OUT)] = hrow[e, pl.ds(j * OUT, OUT)] * sp
            return carry

        lax.fori_loop(0, CH, edge_body, 0)
        pltpu.sync_copy(msg, acc_sh.at[idx_d], add=True)
        pltpu.sync_copy(exb, den_sh.at[idx_d], add=True)
        return _

    lax.fori_loop(0, NCHUNK, chunk_body, 0)
    plsc.subcore_barrier()

    for k in range((NRB + NS - 1) // NS):
        blk = s + k * NS

        @pl.when(blk < NRB)
        def _out():
            r0 = blk * RB
            pltpu.sync_copy(acc_sh.at[pl.ds(r0, RB)],
                            acc_hbm.at[c, pl.ds(r0, RB)])
            pltpu.sync_copy(den_sh.at[pl.ds(r0, RB)],
                            den_hbm.at[c, pl.ds(r0, RB)])


@functools.partial(
    pl.kernel,
    out_type=[jax.ShapeDtypeStruct((NC, N, HID), jnp.float32),
              jax.ShapeDtypeStruct((NC, N, 16), jnp.float32)],
    mesh=_mesh,
    compiler_params=pltpu.CompilerParams(use_tc_tiling_on_sc=False),
    scratch_types=[
        pltpu.VMEM((CH,), jnp.int32),
        pltpu.VMEM((CH,), jnp.int32),
        pltpu.VMEM((CH, 16), jnp.float32),
        pltpu.VMEM((CH, 16), jnp.float32),
        pltpu.VMEM((CH, HID), jnp.float32),
        pltpu.VMEM((CH, HID), jnp.float32),
        pltpu.VMEM((CH, 16), jnp.float32),
        pltpu.VMEM_SHARED((N, HID), jnp.float32),
        pltpu.VMEM_SHARED((N, 16), jnp.float32),
        pltpu.SemaphoreType.DMA,
    ],
)
def _sc_layer(esd, esdr, h, src, dst, z128, z16, acc, den, *scratch):
    _sc_layer_body(esd, esdr, h, src, dst, z128, z16, acc, den, *scratch)


def _sc_mlp_body(p_hbm, q_hbm, src_hbm, dst_hbm, wm2_hbm, bm2_hbm, pred_hbm,
                 idx_s, idx_d, pbuf, qbuf, wv, bv, predb, sem):
    c = lax.axis_index("c")
    s = lax.axis_index("s")
    wid = s * NC + c
    base = wid * EPW

    pltpu.sync_copy(wm2_hbm, wv)
    pltpu.sync_copy(bm2_hbm, bv)

    def chunk_body(ci, _):
        off = base + ci * CH
        pltpu.sync_copy(src_hbm.at[pl.ds(off, CH)], idx_s)
        pltpu.sync_copy(dst_hbm.at[pl.ds(off, CH)], idx_d)
        pltpu.async_copy(p_hbm.at[idx_s], pbuf, sem).wait()
        pltpu.async_copy(q_hbm.at[idx_d], qbuf, sem).wait()

        lanes = lax.iota(jnp.int32, 16)

        def grp_body(g, _g):
            def edge_body(k, res):
                e = g * 16 + k
                acc = jnp.zeros((16,), jnp.float32)
                for j in range(MLP_H // 16):
                    hj = jnp.maximum(
                        pbuf[e, pl.ds(j * 16, 16)] + qbuf[e, pl.ds(j * 16, 16)],
                        0.0)
                    acc = acc + hj * wv[pl.ds(j * 16, 16)]
                sfull = _lane_allsum(acc)
                return jnp.where(lanes == k, sfull, res)

            res = lax.fori_loop(0, 16, edge_body, jnp.zeros((16,), jnp.float32))
            predb[pl.ds(g * 16, 16)] = res + bv[...]
            return _g

        lax.fori_loop(0, CH // 16, grp_body, 0)
        pltpu.sync_copy(predb, pred_hbm.at[pl.ds(off, CH)])
        return _

    lax.fori_loop(0, NCHUNK, chunk_body, 0)


@functools.partial(
    pl.kernel,
    out_type=jax.ShapeDtypeStruct((E,), jnp.float32),
    mesh=_mesh,
    scratch_types=[
        pltpu.VMEM((CH,), jnp.int32),
        pltpu.VMEM((CH,), jnp.int32),
        pltpu.VMEM((CH, MLP_H), jnp.float32),
        pltpu.VMEM((CH, MLP_H), jnp.float32),
        pltpu.VMEM((MLP_H,), jnp.float32),
        pltpu.VMEM((16,), jnp.float32),
        pltpu.VMEM((CH,), jnp.float32),
        pltpu.SemaphoreType.DMA,
    ],
)
def _sc_mlp(p, q, src, dst, wm2, bm2, pred, *scratch):
    _sc_mlp_body(p, q, src, dst, wm2, bm2, pred, *scratch)



def _pack_a(a_src, a_dst):
    eye = jnp.eye(HEADS, dtype=jnp.float32)
    a_es = (a_src[:, :, None] * eye[:, None, :]).reshape(HID, HEADS)
    a_ed = (a_dst[:, :, None] * eye[:, None, :]).reshape(HID, HEADS)
    return (jnp.concatenate([a_es, a_ed], axis=1),
            jnp.concatenate([a_ed, a_es], axis=1))


def kernel(x, edge_index, W1, a_src1, a_dst1, b1, W2, a_src2, a_dst2, b2,
           Wm1, bm1, Wm2, bm2):
    src = edge_index[0]
    dst = edge_index[1]
    a1, a1r = _pack_a(a_src1, a_dst1)
    a2, a2r = _pack_a(a_src2, a_dst2)
    erep = jnp.kron(jnp.eye(HEADS, dtype=jnp.float32),
                    jnp.ones((1, OUT), jnp.float32))
    z128 = jnp.zeros((N, HID), jnp.float32)
    z16 = jnp.zeros((N, 16), jnp.float32)

    h1, esd1, esd1r = _tc_k1(x, W1, a1, a1r)
    acc1, den1 = _sc_layer(esd1, esd1r, h1, src, dst, z128, z16)
    h2, esd2, esd2r = _tc_k2(acc1, den1, h1, esd1, b1.reshape(1, HID), erep,
                             W2, a2, a2r)
    acc2, den2 = _sc_layer(esd2, esd2r, h2, src, dst, z128, z16)
    p, q = _tc_k3(acc2, den2, h2, esd2, b2.reshape(1, HID), erep,
                  Wm1[:HID], Wm1[HID:], bm1.reshape(1, MLP_H))
    pred = _sc_mlp(p, q, src, dst, Wm2.reshape(-1),
                   jnp.broadcast_to(bm2, (16,)))
    return pred

# --- scband reference (transcript-rebuilt; emitter-appended) ---
"""Pipeline reference for scband-graph-net-35089882808442 (READ-ONLY COPY).

The authoritative reference and input builder live on the scoring server;
editing this copy changes nothing except your own understanding.
"""

import jax, jax.numpy as jnp
import numpy as np

N = 10000
E = 320000
F_IN = 128
HID = 128
HEADS = 8
OUT = HID // HEADS
MLP_H = 256


def setup_inputs(seed: int = 0):
    key = jax.random.key(seed)
    ks = jax.random.split(key, 12)
    s_in = 1.0 / np.sqrt(F_IN)
    s_hid = 1.0 / np.sqrt(HID)
    s_mlp_in = 1.0 / np.sqrt(2 * HID)
    s_mlp_h = 1.0 / np.sqrt(MLP_H)
    return {
        "x": jax.random.normal(ks[0], (N, F_IN), jnp.float32),
        "edge_index": jax.random.randint(ks[1], (2, E), 0, N, dtype=jnp.int32),
        "W1": jax.random.normal(ks[2], (F_IN, HID), jnp.float32) * s_in,
        "a_src1": jax.random.normal(ks[3], (HEADS, OUT), jnp.float32) * s_hid,
        "a_dst1": jax.random.normal(ks[4], (HEADS, OUT), jnp.float32) * s_hid,
        "b1": jnp.zeros((HID,), jnp.float32),
        "W2": jax.random.normal(ks[5], (HID, HID), jnp.float32) * s_hid,
        "a_src2": jax.random.normal(ks[6], (HEADS, OUT), jnp.float32) * s_hid,
        "a_dst2": jax.random.normal(ks[7], (HEADS, OUT), jnp.float32) * s_hid,
        "b2": jnp.zeros((HID,), jnp.float32),
        "Wm1": jax.random.normal(ks[8], (2 * HID, MLP_H), jnp.float32) * s_mlp_in,
        "bm1": jnp.zeros((MLP_H,), jnp.float32),
        "Wm2": jax.random.normal(ks[9], (MLP_H, 1), jnp.float32) * s_mlp_h,
        "bm2": jnp.zeros((1,), jnp.float32),
    }


def _gat_conv(x, src, dst, W, a_src, a_dst, b):
    # PyG-style GATConv (concat=True, negative_slope=0.2); self-loops already in src/dst
    h = (x @ W).reshape(N, HEADS, OUT)
    e = jax.nn.leaky_relu((h * a_src).sum(-1)[src] + (h * a_dst).sum(-1)[dst], 0.2)
    m = jax.lax.stop_gradient(jax.ops.segment_max(e, dst, num_segments=N))
    m = jnp.where(jnp.isfinite(m), m, 0.0)
    ex = jnp.exp(e - m[dst])
    den = jax.ops.segment_sum(ex, dst, num_segments=N)
    alpha = ex / (den[dst] + 1e-16)
    out = jax.ops.segment_sum(h[src] * alpha[:, :, None], dst, num_segments=N)
    return out.reshape(N, HID) + b


def reference(x, edge_index, W1, a_src1, a_dst1, b1, W2, a_src2, a_dst2, b2, Wm1, bm1, Wm2, bm2):
    loop = jnp.arange(N, dtype=edge_index.dtype)
    src = jnp.concatenate([edge_index[0], loop])
    dst = jnp.concatenate([edge_index[1], loop])
    x1 = jax.nn.relu(_gat_conv(x, src, dst, W1, a_src1, a_dst1, b1))
    x2 = jax.nn.relu(_gat_conv(x1, src, dst, W2, a_src2, a_dst2, b2))
    ef = jnp.concatenate([x2[edge_index[0]], x2[edge_index[1]]], axis=-1)
    hh = jax.nn.relu(ef @ Wm1 + bm1)
    pred = hh @ Wm2 + bm2
    return pred.reshape(-1)

if __name__ == "__main__":
    import jax
    _d = setup_inputs()
    print(jax.jit(kernel)(*tuple(_d.values())))

</pallas_src>

<mosaic_0001>
#map = affine_map<(d0, d1) -> (0, 0)>
#map1 = affine_map<(d0, d1) -> (0)>
#map2 = affine_map<(d0, d1) -> (0, 0, 0)>
module attributes {stable_mosaic.version = 14 : i64} {
  func.func @_sc_layer(%arg0: i32, %arg1: i32, %arg2: memref<10000x16xf32, #tpu.memory_space<hbm>>, %arg3: memref<10000x16xf32, #tpu.memory_space<hbm>>, %arg4: memref<10000x128xf32, #tpu.memory_space<hbm>>, %arg5: memref<320000xi32, #tpu.memory_space<hbm>>, %arg6: memref<320000xi32, #tpu.memory_space<hbm>>, %arg7: memref<10000x128xf32, #tpu.memory_space<hbm>>, %arg8: memref<10000x16xf32, #tpu.memory_space<hbm>>, %arg9: memref<2x10000x128xf32, #tpu.memory_space<hbm>>, %arg10: memref<2x10000x16xf32, #tpu.memory_space<hbm>>, %arg11: memref<80xi32, #tpu.memory_space<vmem>>, %arg12: memref<80xi32, #tpu.memory_space<vmem>>, %arg13: memref<80x16xf32, #tpu.memory_space<vmem>>, %arg14: memref<80x16xf32, #tpu.memory_space<vmem>>, %arg15: memref<80x128xf32, #tpu.memory_space<vmem>>, %arg16: memref<80x128xf32, #tpu.memory_space<vmem>>, %arg17: memref<80x16xf32, #tpu.memory_space<vmem>>, %arg18: memref<10000x128xf32, #tpu.memory_space<vmem_shared>>, %arg19: memref<10000x16xf32, #tpu.memory_space<vmem_shared>>, %arg20: memref<!tpu.dma_semaphore, #tpu.memory_space<semaphore_mem>>) attributes {dimension_semantics = [#tpu.dimension_semantics<core_parallel>, #tpu.dimension_semantics<subcore_parallel>], iteration_bounds = array<i64: 2, 16>, scalar_prefetch = 0 : i64, scratch_operands = 10 : i64, tpu.core_type = #tpu.core_type<sc_vector_subcore>, window_params = [{transform_indices = #map}, {transform_indices = #map}, {transform_indices = #map}, {transform_indices = #map1}, {transform_indices = #map1}, {transform_indices = #map}, {transform_indices = #map}, {transform_indices = #map2}, {transform_indices = #map2}]} {
    %mul3A = arith.constant 2 : i32
    %mul3A_0 = arith.muli %arg1, %mul3A : i32
    %add3A = arith.addi %mul3A_0, %arg0 : i32
    %add3A_1 = arith.constant 0 : i32
    %add3A_2 = arith.addi %arg1, %add3A_1 : i32
    %lt3A = arith.constant 25 : i32
    %lt3A_3 = arith.cmpi slt, %add3A_2, %lt3A : i32
    %convert_element_type3A = arith.extui %lt3A_3 : i1 to i32
    %cond3A = arith.constant 0 : i32
    %cond3A_4 = arith.cmpi ne, %convert_element_type3A, %cond3A : i32
    scf.if %cond3A_4 {
      %mul3A_34 = arith.constant 400 : i32
      %mul3A_35 = arith.muli %add3A_2, %mul3A_34 : i32
      "tpu.region"() ({
        %run_scoped3A = tpu.sem_alloc : memref<!tpu.dma_semaphore, #tpu.memory_space<semaphore_mem>>
        %dma_start3A = arith.constant 0 : i32
        %dma_start3A_36 = tpu.memref_slice %arg18[%mul3A_35, %dma_start3A] : memref<10000x128xf32, #tpu.memory_space<vmem_shared>> -> memref<400x128xf32, #tpu.memory_space<vmem_shared>>
        %dma_start3A_37 = arith.constant 0 : i32
        %dma_start3A_38 = tpu.memref_slice %arg7[%mul3A_35, %dma_start3A_37] : memref<10000x128xf32, #tpu.memory_space<hbm>> -> memref<400x128xf32, #tpu.memory_space<hbm>>
        tpu.enqueue_dma source(%dma_start3A_38 : memref<400x128xf32, #tpu.memory_space<hbm>>) target(%dma_start3A_36 : memref<400x128xf32, #tpu.memory_space<vmem_shared>>) target_semaphore(%run_scoped3A : memref<!tpu.dma_semaphore, #tpu.memory_space<semaphore_mem>>)
        %dma_wait3A = arith.constant 0 : i32
        %dma_wait3A_39 = tpu.memref_slice %arg18[%mul3A_35, %dma_wait3A] : memref<10000x128xf32, #tpu.memory_space<vmem_shared>> -> memref<400x128xf32, #tpu.memory_space<vmem_shared>>
        %dma_wait3A_40 = arith.constant 0 : i32
        %dma_wait3A_41 = tpu.memref_slice %arg7[%mul3A_35, %dma_wait3A_40] : memref<10000x128xf32, #tpu.memory_space<hbm>> -> memref<400x128xf32, #tpu.memory_space<hbm>>
        tpu.wait_dma2 semaphore(%run_scoped3A : memref<!tpu.dma_semaphore, #tpu.memory_space<semaphore_mem>>) src(%dma_wait3A_41 : memref<400x128xf32, #tpu.memory_space<hbm>>) dst(%dma_wait3A_39 : memref<400x128xf32, #tpu.memory_space<vmem_shared>>)
        tpu.yield
      }) : () -> ()
      "tpu.region"() ({
        %run_scoped3A = tpu.sem_alloc : memref<!tpu.dma_semaphore, #tpu.memory_space<semaphore_mem>>
        %dma_start3A = arith.constant 0 : i32
        %dma_start3A_36 = tpu.memref_slice %arg19[%mul3A_35, %dma_start3A] : memref<10000x16xf32, #tpu.memory_space<vmem_shared>> -> memref<400x16xf32, #tpu.memory_space<vmem_shared>>
        %dma_start3A_37 = arith.constant 0 : i32
        %dma_start3A_38 = tpu.memref_slice %arg8[%mul3A_35, %dma_start3A_37] : memref<10000x16xf32, #tpu.memory_space<hbm>> -> memref<400x16xf32, #tpu.memory_space<hbm>>
        tpu.enqueue_dma source(%dma_start3A_38 : memref<400x16xf32, #tpu.memory_space<hbm>>) target(%dma_start3A_36 : memref<400x16xf32, #tpu.memory_space<vmem_shared>>) target_semaphore(%run_scoped3A : memref<!tpu.dma_semaphore, #tpu.memory_space<semaphore_mem>>)
        %dma_wait3A = arith.constant 0 : i32
        %dma_wait3A_39 = tpu.memref_slice %arg19[%mul3A_35, %dma_wait3A] : memref<10000x16xf32, #tpu.memory_space<vmem_shared>> -> memref<400x16xf32, #tpu.memory_space<vmem_shared>>
        %dma_wait3A_40 = arith.constant 0 : i32
        %dma_wait3A_41 = tpu.memref_slice %arg8[%mul3A_35, %dma_wait3A_40] : memref<10000x16xf32, #tpu.memory_space<hbm>> -> memref<400x16xf32, #tpu.memory_space<hbm>>
        tpu.wait_dma2 semaphore(%run_scoped3A : memref<!tpu.dma_semaphore, #tpu.memory_space<semaphore_mem>>) src(%dma_wait3A_41 : memref<400x16xf32, #tpu.memory_space<hbm>>) dst(%dma_wait3A_39 : memref<400x16xf32, #tpu.memory_space<vmem_shared>>)
        tpu.yield
      }) : () -> ()
    } else {
    }
    %add3A_5 = arith.constant 16 : i32
    %add3A_6 = arith.addi %arg1, %add3A_5 : i32
    %lt3A_7 = arith.constant 25 : i32
    %lt3A_8 = arith.cmpi slt, %add3A_6, %lt3A_7 : i32
    %convert_element_type3A_9 = arith.extui %lt3A_8 : i1 to i32
    %cond3A_10 = arith.constant 0 : i32
    %cond3A_11 = arith.cmpi ne, %convert_element_type3A_9, %cond3A_10 : i32
    scf.if %cond3A_11 {
      %mul3A_34 = arith.constant 400 : i32
      %mul3A_35 = arith.muli %add3A_6, %mul3A_34 : i32
      "tpu.region"() ({
        %run_scoped3A = tpu.sem_alloc : memref<!tpu.dma_semaphore, #tpu.memory_space<semaphore_mem>>
        %dma_start3A = arith.constant 0 : i32
        %dma_start3A_36 = tpu.memref_slice %arg18[%mul3A_35, %dma_start3A] : memref<10000x128xf32, #tpu.memory_space<vmem_shared>> -> memref<400x128xf32, #tpu.memory_space<vmem_shared>>
        %dma_start3A_37 = arith.constant 0 : i32
        %dma_start3A_38 = tpu.memref_slice %arg7[%mul3A_35, %dma_start3A_37] : memref<10000x128xf32, #tpu.memory_space<hbm>> -> memref<400x128xf32, #tpu.memory_space<hbm>>
        tpu.enqueue_dma source(%dma_start3A_38 : memref<400x128xf32, #tpu.memory_space<hbm>>) target(%dma_start3A_36 : memref<400x128xf32, #tpu.memory_space<vmem_shared>>) target_semaphore(%run_scoped3A : memref<!tpu.dma_semaphore, #tpu.memory_space<semaphore_mem>>)
        %dma_wait3A = arith.constant 0 : i32
        %dma_wait3A_39 = tpu.memref_slice %arg18[%mul3A_35, %dma_wait3A] : memref<10000x128xf32, #tpu.memory_space<vmem_shared>> -> memref<400x128xf32, #tpu.memory_space<vmem_shared>>
        %dma_wait3A_40 = arith.constant 0 : i32
        %dma_wait3A_41 = tpu.memref_slice %arg7[%mul3A_35, %dma_wait3A_40] : memref<10000x128xf32, #tpu.memory_space<hbm>> -> memref<400x128xf32, #tpu.memory_space<hbm>>
        tpu.wait_dma2 semaphore(%run_scoped3A : memref<!tpu.dma_semaphore, #tpu.memory_space<semaphore_mem>>) src(%dma_wait3A_41 : memref<400x128xf32, #tpu.memory_space<hbm>>) dst(%dma_wait3A_39 : memref<400x128xf32, #tpu.memory_space<vmem_shared>>)
        tpu.yield
      }) : () -> ()
      "tpu.region"() ({
        %run_scoped3A = tpu.sem_alloc : memref<!tpu.dma_semaphore, #tpu.memory_space<semaphore_mem>>
        %dma_start3A = arith.constant 0 : i32
        %dma_start3A_36 = tpu.memref_slice %arg19[%mul3A_35, %dma_start3A] : memref<10000x16xf32, #tpu.memory_space<vmem_shared>> -> memref<400x16xf32, #tpu.memory_space<vmem_shared>>
        %dma_start3A_37 = arith.constant 0 : i32
        %dma_start3A_38 = tpu.memref_slice %arg8[%mul3A_35, %dma_start3A_37] : memref<10000x16xf32, #tpu.memory_space<hbm>> -> memref<400x16xf32, #tpu.memory_space<hbm>>
        tpu.enqueue_dma source(%dma_start3A_38 : memref<400x16xf32, #tpu.memory_space<hbm>>) target(%dma_start3A_36 : memref<400x16xf32, #tpu.memory_space<vmem_shared>>) target_semaphore(%run_scoped3A : memref<!tpu.dma_semaphore, #tpu.memory_space<semaphore_mem>>)
        %dma_wait3A = arith.constant 0 : i32
        %dma_wait3A_39 = tpu.memref_slice %arg19[%mul3A_35, %dma_wait3A] : memref<10000x16xf32, #tpu.memory_space<vmem_shared>> -> memref<400x16xf32, #tpu.memory_space<vmem_shared>>
        %dma_wait3A_40 = arith.constant 0 : i32
        %dma_wait3A_41 = tpu.memref_slice %arg8[%mul3A_35, %dma_wait3A_40] : memref<10000x16xf32, #tpu.memory_space<hbm>> -> memref<400x16xf32, #tpu.memory_space<hbm>>
        tpu.wait_dma2 semaphore(%run_scoped3A : memref<!tpu.dma_semaphore, #tpu.memory_space<semaphore_mem>>) src(%dma_wait3A_41 : memref<400x16xf32, #tpu.memory_space<hbm>>) dst(%dma_wait3A_39 : memref<400x16xf32, #tpu.memory_space<vmem_shared>>)
        tpu.yield
      }) : () -> ()
    } else {
    }
    %barrier3A = arith.constant 0 : index
    tpu.barrier barrier_id(%barrier3A)
    %mul3A_12 = arith.constant 10000 : i32
    %mul3A_13 = arith.muli %add3A, %mul3A_12 : i32
    %scan3A = arith.constant 0 : i32
    %scan3A_14 = arith.constant 0 : i32
    %scan3A_15 = arith.constant 125 : i32
    %scan3A_16 = arith.addi %scan3A_14, %scan3A_15 : i32
    %scan3A_17 = arith.constant 1 : i32
    scf.for %scan3A_34 = %scan3A_14 to %scan3A_16 step %scan3A_17  : i32 {
      %mul3A_35 = arith.constant 80 : i32
      %mul3A_36 = arith.muli %scan3A_34, %mul3A_35 : i32
      %add3A_37 = arith.addi %mul3A_13, %mul3A_36 : i32
      "tpu.region"() ({
        %run_scoped3A = tpu.sem_alloc : memref<!tpu.dma_semaphore, #tpu.memory_space<semaphore_mem>>
        %dma_start3A_60 = tpu.memref_slice %arg5[%add3A_37] : memref<320000xi32, #tpu.memory_space<hbm>> -> memref<80xi32, #tpu.memory_space<hbm>>
        %dma_start3A_61 = tpu.memref_slice %arg5[%add3A_37] : memref<320000xi32, #tpu.memory_space<hbm>> -> memref<80xi32, #tpu.memory_space<hbm>>
        tpu.enqueue_dma source(%dma_start3A_61 : memref<80xi32, #tpu.memory_space<hbm>>) target(%arg11 : memref<80xi32, #tpu.memory_space<vmem>>) target_semaphore(%run_scoped3A : memref<!tpu.dma_semaphore, #tpu.memory_space<semaphore_mem>>)
        %dma_wait3A_62 = tpu.memref_slice %arg5[%add3A_37] : memref<320000xi32, #tpu.memory_space<hbm>> -> memref<80xi32, #tpu.memory_space<hbm>>
        %dma_wait3A_63 = tpu.memref_slice %arg5[%add3A_37] : memref<320000xi32, #tpu.memory_space<hbm>> -> memref<80xi32, #tpu.memory_space<hbm>>
        tpu.wait_dma2 semaphore(%run_scoped3A : memref<!tpu.dma_semaphore, #tpu.memory_space<semaphore_mem>>) src(%dma_wait3A_63 : memref<80xi32, #tpu.memory_space<hbm>>) dst(%arg11 : memref<80xi32, #tpu.memory_space<vmem>>)
        tpu.yield
      }) : () -> ()
      "tpu.region"() ({
        %run_scoped3A = tpu.sem_alloc : memref<!tpu.dma_semaphore, #tpu.memory_space<semaphore_mem>>
        %dma_start3A_60 = tpu.memref_slice %arg6[%add3A_37] : memref<320000xi32, #tpu.memory_space<hbm>> -> memref<80xi32, #tpu.memory_space<hbm>>
        %dma_start3A_61 = tpu.memref_slice %arg6[%add3A_37] : memref<320000xi32, #tpu.memory_space<hbm>> -> memref<80xi32, #tpu.memory_space<hbm>>
        tpu.enqueue_dma source(%dma_start3A_61 : memref<80xi32, #tpu.memory_space<hbm>>) target(%arg12 : memref<80xi32, #tpu.memory_space<vmem>>) target_semaphore(%run_scoped3A : memref<!tpu.dma_semaphore, #tpu.memory_space<semaphore_mem>>)
        %dma_wait3A_62 = tpu.memref_slice %arg6[%add3A_37] : memref<320000xi32, #tpu.memory_space<hbm>> -> memref<80xi32, #tpu.memory_space<hbm>>
        %dma_wait3A_63 = tpu.memref_slice %arg6[%add3A_37] : memref<320000xi32, #tpu.memory_space<hbm>> -> memref<80xi32, #tpu.memory_space<hbm>>
        tpu.wait_dma2 semaphore(%run_scoped3A : memref<!tpu.dma_semaphore, #tpu.memory_space<semaphore_mem>>) src(%dma_wait3A_63 : memref<80xi32, #tpu.memory_space<hbm>>) dst(%arg12 : memref<80xi32, #tpu.memory_space<vmem>>)
        tpu.yield
      }) : () -> ()
      %dma_start3A = arith.constant 0 : i32
      %dma_start3A_38 = arith.constant 0 : i32
      %dma_start3A_39 = tpu.memref_slice %arg2[%dma_start3A, %dma_start3A_38] : memref<10000x16xf32, #tpu.memory_space<hbm>> -> memref<10000x16xf32, #tpu.memory_space<hbm>>
      tpu.enqueue_indirect_dma source(%dma_start3A_39 : memref<10000x16xf32, #tpu.memory_space<hbm>>) target(%arg13 : memref<80x16xf32, #tpu.memory_space<vmem>>) offsets(%arg11 : memref<80xi32, #tpu.memory_space<vmem>>) semaphore(%arg20 : memref<!tpu.dma_semaphore, #tpu.memory_space<semaphore_mem>>)
      %dma_wait3A = arith.constant 0 : i32
      %dma_wait3A_40 = arith.constant 0 : i32
      %dma_wait3A_41 = tpu.memref_slice %arg2[%dma_wait3A, %dma_wait3A_40] : memref<10000x16xf32, #tpu.memory_space<hbm>> -> memref<10000x16xf32, #tpu.memory_space<hbm>>
      tpu.wait_indirect_dma semaphore(%arg20 : memref<!tpu.dma_semaphore, #tpu.memory_space<semaphore_mem>>) src(%dma_wait3A_41 : memref<10000x16xf32, #tpu.memory_space<hbm>>) dst(%arg13 : memref<80x16xf32, #tpu.memory_space<vmem>>)
      %dma_start3A_42 = arith.constant 0 : i32
      %dma_start3A_43 = arith.constant 0 : i32
      %dma_start3A_44 = tpu.memref_slice %arg3[%dma_start3A_42, %dma_start3A_43] : memref<10000x16xf32, #tpu.memory_space<hbm>> -> memref<10000x16xf32, #tpu.memory_space<hbm>>
      tpu.enqueue_indirect_dma source(%dma_start3A_44 : memref<10000x16xf32, #tpu.memory_space<hbm>>) target(%arg14 : memref<80x16xf32, #tpu.memory_space<vmem>>) offsets(%arg12 : memref<80xi32, #tpu.memory_space<vmem>>) semaphore(%arg20 : memref<!tpu.dma_semaphore, #tpu.memory_space<semaphore_mem>>)
      %dma_wait3A_45 = arith.constant 0 : i32
      %dma_wait3A_46 = arith.constant 0 : i32
      %dma_wait3A_47 = tpu.memref_slice %arg3[%dma_wait3A_45, %dma_wait3A_46] : memref<10000x16xf32, #tpu.memory_space<hbm>> -> memref<10000x16xf32, #tpu.memory_space<hbm>>
      tpu.wait_indirect_dma semaphore(%arg20 : memref<!tpu.dma_semaphore, #tpu.memory_space<semaphore_mem>>) src(%dma_wait3A_47 : memref<10000x16xf32, #tpu.memory_space<hbm>>) dst(%arg14 : memref<80x16xf32, #tpu.memory_space<vmem>>)
      %dma_start3A_48 = arith.constant 0 : i32
      %dma_start3A_49 = arith.constant 0 : i32
      %dma_start3A_50 = tpu.memref_slice %arg4[%dma_start3A_48, %dma_start3A_49] : memref<10000x128xf32, #tpu.memory_space<hbm>> -> memref<10000x128xf32, #tpu.memory_space<hbm>>
      tpu.enqueue_indirect_dma source(%dma_start3A_50 : memref<10000x128xf32, #tpu.memory_space<hbm>>) target(%arg15 : memref<80x128xf32, #tpu.memory_space<vmem>>) offsets(%arg11 : memref<80xi32, #tpu.memory_space<vmem>>) semaphore(%arg20 : memref<!tpu.dma_semaphore, #tpu.memory_space<semaphore_mem>>)
      %dma_wait3A_51 = arith.constant 0 : i32
      %dma_wait3A_52 = arith.constant 0 : i32
      %dma_wait3A_53 = tpu.memref_slice %arg4[%dma_wait3A_51, %dma_wait3A_52] : memref<10000x128xf32, #tpu.memory_space<hbm>> -> memref<10000x128xf32, #tpu.memory_space<hbm>>
      tpu.wait_indirect_dma semaphore(%arg20 : memref<!tpu.dma_semaphore, #tpu.memory_space<semaphore_mem>>) src(%dma_wait3A_53 : memref<10000x128xf32, #tpu.memory_space<hbm>>) dst(%arg15 : memref<80x128xf32, #tpu.memory_space<vmem>>)
      %scan3A_54 = arith.constant 0 : i32
      %scan3A_55 = arith.constant 0 : i32
      %scan3A_56 = arith.constant 80 : i32
      %scan3A_57 = arith.addi %scan3A_55, %scan3A_56 : i32
      %scan3A_58 = arith.constant 1 : i32
      scf.for %scan3A_60 = %scan3A_55 to %scan3A_57 step %scan3A_58  : i32 {
        %get3A = arith.index_cast %scan3A_60 : i32 to index
        %get3A_61 = arith.constant 0 : index
        %get3A_62 = tpu.vector_load %arg13[%get3A, %get3A_61] {strides = array<i32>} : memref<80x16xf32, #tpu.memory_space<vmem>>, vector<1x16xf32>,
        %get3A_63 = vector.shape_cast %get3A_62 : vector<1x16xf32> to vector<16xf32>
        %get3A_64 = arith.index_cast %scan3A_60 : i32 to index
        %get3A_65 = arith.constant 0 : index
        %get3A_66 = tpu.vector_load %arg14[%get3A_64, %get3A_65] {strides = array<i32>} : memref<80x16xf32, #tpu.memory_space<vmem>>, vector<1x16xf32>,
        %get3A_67 = vector.shape_cast %get3A_66 : vector<1x16xf32> to vector<16xf32>
        %add3A_68 = arith.addf %get3A_63, %get3A_67 : vector<16xf32>
        %ge3A = arith.constant 0.000000e+00 : f32
        %ge3A_69 = vector.broadcast %ge3A : f32 to vector<16xf32>
        %ge3A_70 = arith.cmpf oge, %add3A_68, %ge3A_69 : vector<16xf32>
        %mul3A_71 = arith.constant 2.000000e-01 : f32
        %mul3A_72 = vector.broadcast %mul3A_71 : f32 to vector<16xf32>
        %mul3A_73 = arith.mulf %mul3A_72, %add3A_68 : vector<16xf32>
        %select_n3A = arith.select %ge3A_70, %add3A_68, %mul3A_73 : vector<16xi1>, vector<16xf32>
        %exp3A = math.exp %select_n3A : vector<16xf32>
        %swap3A = arith.index_cast %scan3A_60 : i32 to index
        %swap3A_74 = arith.constant 0 : index
        %swap3A_75 = tpu.vector_load %arg17[%swap3A, %swap3A_74] {strides = array<i32>} : memref<80x16xf32, #tpu.memory_space<vmem>>, vector<1x16xf32>,
        %swap3A_76 = vector.shape_cast %swap3A_75 : vector<1x16xf32> to vector<16xf32>
        %swap3A_77 = vector.shape_cast %exp3A : vector<16xf32> to vector<1x16xf32>
        tpu.vector_store %arg17[%swap3A, %swap3A_74], %swap3A_77 {strides = array<i32>} : memref<80x16xf32, #tpu.memory_space<vmem>>, vector<1x16xf32>,
        %broadcast_in_dim3A = arith.constant 0 : i32
        %broadcast_in_dim3A_78 = vector.broadcast %broadcast_in_dim3A : i32 to vector<16xi32>
        %broadcast_in_dim3A_79 = vector.shape_cast %broadcast_in_dim3A_78 : vector<16xi32> to vector<16x1xi32>
        %gather3A = vector.shape_cast %broadcast_in_dim3A_79 : vector<16x1xi32> to vector<16xi32>
        %gather3A_80 = tpu.dynamic_gather %exp3A[%gather3A] in [0] : vector<16xf32>, vector<16xi32> -> vector<16xf32>
        %get3A_81 = arith.index_cast %scan3A_60 : i32 to index
        %get3A_82 = arith.constant 0 : index
        %get3A_83 = tpu.vector_load %arg15[%get3A_81, %get3A_82] {strides = array<i32>} : memref<80x128xf32, #tpu.memory_space<vmem>>, vector<1x16xf32>,
        %get3A_84 = vector.shape_cast %get3A_83 : vector<1x16xf32> to vector<16xf32>
        %mul3A_85 = arith.mulf %get3A_84, %gather3A_80 : vector<16xf32>
        %swap3A_86 = arith.index_cast %scan3A_60 : i32 to index
        %swap3A_87 = arith.constant 0 : index
        %swap3A_88 = tpu.vector_load %arg16[%swap3A_86, %swap3A_87] {strides = array<i32>} : memref<80x128xf32, #tpu.memory_space<vmem>>, vector<1x16xf32>,
        %swap3A_89 = vector.shape_cast %swap3A_88 : vector<1x16xf32> to vector<16xf32>
        %swap3A_90 = vector.shape_cast %mul3A_85 : vector<16xf32> to vector<1x16xf32>
        tpu.vector_store %arg16[%swap3A_86, %swap3A_87], %swap3A_90 {strides = array<i32>} : memref<80x128xf32, #tpu.memory_space<vmem>>, vector<1x16xf32>,
        %broadcast_in_dim3A_91 = arith.constant 1 : i32
        %broadcast_in_dim3A_92 = vector.broadcast %broadcast_in_dim3A_91 : i32 to vector<16xi32>
        %broadcast_in_dim3A_93 = vector.shape_cast %broadcast_in_dim3A_92 : vector<16xi32> to vector<16x1xi32>
        %gather3A_94 = vector.shape_cast %broadcast_in_dim3A_93 : vector<16x1xi32> to vector<16xi32>
        %gather3A_95 = tpu.dynamic_gather %exp3A[%gather3A_94] in [0] : vector<16xf32>, vector<16xi32> -> vector<16xf32>
        %get3A_96 = arith.index_cast %scan3A_60 : i32 to index
        %get3A_97 = arith.constant 16 : index
        %get3A_98 = tpu.vector_load %arg15[%get3A_96, %get3A_97] {strides = array<i32>} : memref<80x128xf32, #tpu.memory_space<vmem>>, vector<1x16xf32>,
        %get3A_99 = vector.shape_cast %get3A_98 : vector<1x16xf32> to vector<16xf32>
        %mul3A_100 = arith.mulf %get3A_99, %gather3A_95 : vector<16xf32>
        %swap3A_101 = arith.index_cast %scan3A_60 : i32 to index
        %swap3A_102 = arith.constant 16 : index
        %swap3A_103 = tpu.vector_load %arg16[%swap3A_101, %swap3A_102] {strides = array<i32>} : memref<80x128xf32, #tpu.memory_space<vmem>>, vector<1x16xf32>,
        %swap3A_104 = vector.shape_cast %swap3A_103 : vector<1x16xf32> to vector<16xf32>
        %swap3A_105 = vector.shape_cast %mul3A_100 : vector<16xf32> to vector<1x16xf32>
        tpu.vector_store %arg16[%swap3A_101, %swap3A_102], %swap3A_105 {strides = array<i32>} : memref<80x128xf32, #tpu.memory_space<vmem>>, vector<1x16xf32>,
        %broadcast_in_dim3A_106 = arith.constant 2 : i32
        %broadcast_in_dim3A_107 = vector.broadcast %broadcast_in_dim3A_106 : i32 to vector<16xi32>
        %broadcast_in_dim3A_108 = vector.shape_cast %broadcast_in_dim3A_107 : vector<16xi32> to vector<16x1xi32>
        %gather3A_109 = vector.shape_cast %broadcast_in_dim3A_108 : vector<16x1xi32> to vector<16xi32>
        %gather3A_110 = tpu.dynamic_gather %exp3A[%gather3A_109] in [0] : vector<16xf32>, vector<16xi32> -> vector<16xf32>
        %get3A_111 = arith.index_cast %scan3A_60 : i32 to index
        %get3A_112 = arith.constant 32 : index
        %get3A_113 = tpu.vector_load %arg15[%get3A_111, %get3A_112] {strides = array<i32>} : memref<80x128xf32, #tpu.memory_space<vmem>>, vector<1x16xf32>,
        %get3A_114 = vector.shape_cast %get3A_113 : vector<1x16xf32> to vector<16xf32>
        %mul3A_115 = arith.mulf %get3A_114, %gather3A_110 : vector<16xf32>
        %swap3A_116 = arith.index_cast %scan3A_60 : i32 to index
        %swap3A_117 = arith.constant 32 : index
        %swap3A_118 = tpu.vector_load %arg16[%swap3A_116, %swap3A_117] {strides = array<i32>} : memref<80x128xf32, #tpu.memory_space<vmem>>, vector<1x16xf32>,
        %swap3A_119 = vector.shape_cast %swap3A_118 : vector<1x16xf32> to vector<16xf32>
        %swap3A_120 = vector.shape_cast %mul3A_115 : vector<16xf32> to vector<1x16xf32>
        tpu.vector_store %arg16[%swap3A_116, %swap3A_117], %swap3A_120 {strides = array<i32>} : memref<80x128xf32, #tpu.memory_space<vmem>>, vector<1x16xf32>,
        %broadcast_in_dim3A_121 = arith.constant 3 : i32
        %broadcast_in_dim3A_122 = vector.broadcast %broadcast_in_dim3A_121 : i32 to vector<16xi32>
        %broadcast_in_dim3A_123 = vector.shape_cast %broadcast_in_dim3A_122 : vector<16xi32> to vector<16x1xi32>
        %gather3A_124 = vector.shape_cast %broadcast_in_dim3A_123 : vector<16x1xi32> to vector<16xi32>
        %gather3A_125 = tpu.dynamic_gather %exp3A[%gather3A_124] in [0] : vector<16xf32>, vector<16xi32> -> vector<16xf32>
        %get3A_126 = arith.index_cast %scan3A_60 : i32 to index
        %get3A_127 = arith.constant 48 : index
        %get3A_128 = tpu.vector_load %arg15[%get3A_126, %get3A_127] {strides = array<i32>} : memref<80x128xf32, #tpu.memory_space<vmem>>, vector<1x16xf32>,
        %get3A_129 = vector.shape_cast %get3A_128 : vector<1x16xf32> to vector<16xf32>
        %mul3A_130 = arith.mulf %get3A_129, %gather3A_125 : vector<16xf32>
        %swap3A_131 = arith.index_cast %scan3A_60 : i32 to index
        %swap3A_132 = arith.constant 48 : index
        %swap3A_133 = tpu.vector_load %arg16[%swap3A_131, %swap3A_132] {strides = array<i32>} : memref<80x128xf32, #tpu.memory_space<vmem>>, vector<1x16xf32>,
        %swap3A_134 = vector.shape_cast %swap3A_133 : vector<1x16xf32> to vector<16xf32>
        %swap3A_135 = vector.shape_cast %mul3A_130 : vector<16xf32> to vector<1x16xf32>
        tpu.vector_store %arg16[%swap3A_131, %swap3A_132], %swap3A_135 {strides = array<i32>} : memref<80x128xf32, #tpu.memory_space<vmem>>, vector<1x16xf32>,
        %broadcast_in_dim3A_136 = arith.constant 4 : i32
        %broadcast_in_dim3A_137 = vector.broadcast %broadcast_in_dim3A_136 : i32 to vector<16xi32>
        %broadcast_in_dim3A_138 = vector.shape_cast %broadcast_in_dim3A_137 : vector<16xi32> to vector<16x1xi32>
        %gather3A_139 = vector.shape_cast %broadcast_in_dim3A_138 : vector<16x1xi32> to vector<16xi32>
        %gather3A_140 = tpu.dynamic_gather %exp3A[%gather3A_139] in [0] : vector<16xf32>, vector<16xi32> -> vector<16xf32>
        %get3A_141 = arith.index_cast %scan3A_60 : i32 to index
        %get3A_142 = arith.constant 64 : index
        %get3A_143 = tpu.vector_load %arg15[%get3A_141, %get3A_142] {strides = array<i32>} : memref<80x128xf32, #tpu.memory_space<vmem>>, vector<1x16xf32>,
        %get3A_144 = vector.shape_cast %get3A_143 : vector<1x16xf32> to vector<16xf32>
        %mul3A_145 = arith.mulf %get3A_144, %gather3A_140 : vector<16xf32>
        %swap3A_146 = arith.index_cast %scan3A_60 : i32 to index
        %swap3A_147 = arith.constant 64 : index
        %swap3A_148 = tpu.vector_load %arg16[%swap3A_146, %swap3A_147] {strides = array<i32>} : memref<80x128xf32, #tpu.memory_space<vmem>>, vector<1x16xf32>,
        %swap3A_149 = vector.shape_cast %swap3A_148 : vector<1x16xf32> to vector<16xf32>
        %swap3A_150 = vector.shape_cast %mul3A_145 : vector<16xf32> to vector<1x16xf32>
        tpu.vector_store %arg16[%swap3A_146, %swap3A_147], %swap3A_150 {strides = array<i32>} : memref<80x128xf32, #tpu.memory_space<vmem>>, vector<1x16xf32>,
        %broadcast_in_dim3A_151 = arith.constant 5 : i32
        %broadcast_in_dim3A_152 = vector.broadcast %broadcast_in_dim3A_151 : i32 to vector<16xi32>
        %broadcast_in_dim3A_153 = vector.shape_cast %broadcast_in_dim3A_152 : vector<16xi32> to vector<16x1xi32>
        %gather3A_154 = vector.shape_cast %broadcast_in_dim3A_153 : vector<16x1xi32> to vector<16xi32>
        %gather3A_155 = tpu.dynamic_gather %exp3A[%gather3A_154] in [0] : vector<16xf32>, vector<16xi32> -> vector<16xf32>
        %get3A_156 = arith.index_cast %scan3A_60 : i32 to index
        %get3A_157 = arith.constant 80 : index
        %get3A_158 = tpu.vector_load %arg15[%get3A_156, %get3A_157] {strides = array<i32>} : memref<80x128xf32, #tpu.memory_space<vmem>>, vector<1x16xf32>,
        %get3A_159 = vector.shape_cast %get3A_158 : vector<1x16xf32> to vector<16xf32>
        %mul3A_160 = arith.mulf %get3A_159, %gather3A_155 : vector<16xf32>
        %swap3A_161 = arith.index_cast %scan3A_60 : i32 to index
        %swap3A_162 = arith.constant 80 : index
        %swap3A_163 = tpu.vector_load %arg16[%swap3A_161, %swap3A_162] {strides = array<i32>} : memref<80x128xf32, #tpu.memory_space<vmem>>, vector<1x16xf32>,
        %swap3A_164 = vector.shape_cast %swap3A_163 : vector<1x16xf32> to vector<16xf32>
        %swap3A_165 = vector.shape_cast %mul3A_160 : vector<16xf32> to vector<1x16xf32>
        tpu.vector_store %arg16[%swap3A_161, %swap3A_162], %swap3A_165 {strides = array<i32>} : memref<80x128xf32, #tpu.memory_space<vmem>>, vector<1x16xf32>,
        %broadcast_in_dim3A_166 = arith.constant 6 : i32
        %broadcast_in_dim3A_167 = vector.broadcast %broadcast_in_dim3A_166 : i32 to vector<16xi32>
        %broadcast_in_dim3A_168 = vector.shape_cast %broadcast_in_dim3A_167 : vector<16xi32> to vector<16x1xi32>
        %gather3A_169 = vector.shape_cast %broadcast_in_dim3A_168 : vector<16x1xi32> to vector<16xi32>
        %gather3A_170 = tpu.dynamic_gather %exp3A[%gather3A_169] in [0] : vector<16xf32>, vector<16xi32> -> vector<16xf32>
        %get3A_171 = arith.index_cast %scan3A_60 : i32 to index
        %get3A_172 = arith.constant 96 : index
        %get3A_173 = tpu.vector_load %arg15[%get3A_171, %get3A_172] {strides = array<i32>} : memref<80x128xf32, #tpu.memory_space<vmem>>, vector<1x16xf32>,
        %get3A_174 = vector.shape_cast %get3A_173 : vector<1x16xf32> to vector<16xf32>
        %mul3A_175 = arith.mulf %get3A_174, %gather3A_170 : vector<16xf32>
        %swap3A_176 = arith.index_cast %scan3A_60 : i32 to index
        %swap3A_177 = arith.constant 96 : index
        %swap3A_178 = tpu.vector_load %arg16[%swap3A_176, %swap3A_177] {strides = array<i32>} : memref<80x128xf32, #tpu.memory_space<vmem>>, vector<1x16xf32>,
        %swap3A_179 = vector.shape_cast %swap3A_178 : vector<1x16xf32> to vector<16xf32>
        %swap3A_180 = vector.shape_cast %mul3A_175 : vector<16xf32> to vector<1x16xf32>
        tpu.vector_store %arg16[%swap3A_176, %swap3A_177], %swap3A_180 {strides = array<i32>} : memref<80x128xf32, #tpu.memory_space<vmem>>, vector<1x16xf32>,
        %broadcast_in_dim3A_181 = arith.constant 7 : i32
        %broadcast_in_dim3A_182 = vector.broadcast %broadcast_in_dim3A_181 : i32 to vector<16xi32>
        %broadcast_in_dim3A_183 = vector.shape_cast %broadcast_in_dim3A_182 : vector<16xi32> to vector<16x1xi32>
        %gather3A_184 = vector.shape_cast %broadcast_in_dim3A_183 : vector<16x1xi32> to vector<16xi32>
        %gather3A_185 = tpu.dynamic_gather %exp3A[%gather3A_184] in [0] : vector<16xf32>, vector<16xi32> -> vector<16xf32>
        %get3A_186 = arith.index_cast %scan3A_60 : i32 to index
        %get3A_187 = arith.constant 112 : index
        %get3A_188 = tpu.vector_load %arg15[%get3A_186, %get3A_187] {strides = array<i32>} : memref<80x128xf32, #tpu.memory_space<vmem>>, vector<1x16xf32>,
        %get3A_189 = vector.shape_cast %get3A_188 : vector<1x16xf32> to vector<16xf32>
        %mul3A_190 = arith.mulf %get3A_189, %gather3A_185 : vector<16xf32>
        %swap3A_191 = arith.index_cast %scan3A_60 : i32 to index
        %swap3A_192 = arith.constant 112 : index
        %swap3A_193 = tpu.vector_load %arg16[%swap3A_191, %swap3A_192] {strides = array<i32>} : memref<80x128xf32, #tpu.memory_space<vmem>>, vector<1x16xf32>,
        %swap3A_194 = vector.shape_cast %swap3A_193 : vector<1x16xf32> to vector<16xf32>
        %swap3A_195 = vector.shape_cast %mul3A_190 : vector<16xf32> to vector<1x16xf32>
        tpu.vector_store %arg16[%swap3A_191, %swap3A_192], %swap3A_195 {strides = array<i32>} : memref<80x128xf32, #tpu.memory_space<vmem>>, vector<1x16xf32>,
      }
      %scan3A_59 = arith.constant 80 : i32
      "tpu.region"() ({
        %run_scoped3A = tpu.sem_alloc : memref<!tpu.dma_semaphore, #tpu.memory_space<semaphore_mem>>
        %dma_start3A_60 = arith.constant 0 : i32
        %dma_start3A_61 = arith.constant 0 : i32
        %dma_start3A_62 = tpu.memref_slice %arg18[%dma_start3A_60, %dma_start3A_61] : memref<10000x128xf32, #tpu.memory_space<vmem_shared>> -> memref<10000x128xf32, #tpu.memory_space<vmem_shared>>
        tpu.enqueue_indirect_dma source(%arg16 : memref<80x128xf32, #tpu.memory_space<vmem>>) target(%dma_start3A_62 : memref<10000x128xf32, #tpu.memory_space<vmem_shared>>) offsets(%arg12 : memref<80xi32, #tpu.memory_space<vmem>>) semaphore(%run_scoped3A : memref<!tpu.dma_semaphore, #tpu.memory_space<semaphore_mem>>) {add = true}
        %dma_wait3A_63 = arith.constant 0 : i32
        %dma_wait3A_64 = arith.constant 0 : i32
        %dma_wait3A_65 = tpu.memref_slice %arg18[%dma_wait3A_63, %dma_wait3A_64] : memref<10000x128xf32, #tpu.memory_space<vmem_shared>> -> memref<10000x128xf32, #tpu.memory_space<vmem_shared>>
        tpu.wait_indirect_dma semaphore(%run_scoped3A : memref<!tpu.dma_semaphore, #tpu.memory_space<semaphore_mem>>) src(%arg16 : memref<80x128xf32, #tpu.memory_space<vmem>>) dst(%dma_wait3A_65 : memref<10000x128xf32, #tpu.memory_space<vmem_shared>>)
        tpu.yield
      }) : () -> ()
      "tpu.region"() ({
        %run_scoped3A = tpu.sem_alloc : memref<!tpu.dma_semaphore, #tpu.memory_space<semaphore_mem>>
        %dma_start3A_60 = arith.constant 0 : i32
        %dma_start3A_61 = arith.constant 0 : i32
        %dma_start3A_62 = tpu.memref_slice %arg19[%dma_start3A_60, %dma_start3A_61] : memref<10000x16xf32, #tpu.memory_space<vmem_shared>> -> memref<10000x16xf32, #tpu.memory_space<vmem_shared>>
        tpu.enqueue_indirect_dma source(%arg17 : memref<80x16xf32, #tpu.memory_space<vmem>>) target(%dma_start3A_62 : memref<10000x16xf32, #tpu.memory_space<vmem_shared>>) offsets(%arg12 : memref<80xi32, #tpu.memory_space<vmem>>) semaphore(%run_scoped3A : memref<!tpu.dma_semaphore, #tpu.memory_space<semaphore_mem>>) {add = true}
        %dma_wait3A_63 = arith.constant 0 : i32
        %dma_wait3A_64 = arith.constant 0 : i32
        %dma_wait3A_65 = tpu.memref_slice %arg19[%dma_wait3A_63, %dma_wait3A_64] : memref<10000x16xf32, #tpu.memory_space<vmem_shared>> -> memref<10000x16xf32, #tpu.memory_space<vmem_shared>>
        tpu.wait_indirect_dma semaphore(%run_scoped3A : memref<!tpu.dma_semaphore, #tpu.memory_space<semaphore_mem>>) src(%arg17 : memref<80x16xf32, #tpu.memory_space<vmem>>) dst(%dma_wait3A_65 : memref<10000x16xf32, #tpu.memory_space<vmem_shared>>)
        tpu.yield
      }) : () -> ()
    }
    %scan3A_18 = arith.constant 125 : i32
    %barrier3A_19 = arith.constant 0 : index
    tpu.barrier barrier_id(%barrier3A_19)
    %add3A_20 = arith.constant 0 : i32
    %add3A_21 = arith.addi %arg1, %add3A_20 : i32
    %lt3A_22 = arith.constant 25 : i32
    %lt3A_23 = arith.cmpi slt, %add3A_21, %lt3A_22 : i32
    %convert_element_type3A_24 = arith.extui %lt3A_23 : i1 to i32
    %cond3A_25 = arith.constant 0 : i32
    %cond3A_26 = arith.cmpi ne, %convert_element_type3A_24, %cond3A_25 : i32
    scf.if %cond3A_26 {
      %mul3A_34 = arith.constant 400 : i32
      %mul3A_35 = arith.muli %add3A_21, %mul3A_34 : i32
      "tpu.region"() ({
        %run_scoped3A = tpu.sem_alloc : memref<!tpu.dma_semaphore, #tpu.memory_space<semaphore_mem>>
        %dma_start3A = arith.constant 0 : i32
        %dma_start3A_36 = tpu.memref_slice %arg9[%arg0, %mul3A_35, %dma_start3A] : memref<2x10000x128xf32, #tpu.memory_space<hbm>> -> memref<1x400x128xf32, #tpu.memory_space<hbm>>
        %dma_start3A_37 = tpu.memref_squeeze %dma_start3A_36 : memref<1x400x128xf32, #tpu.memory_space<hbm>> -> memref<400x128xf32, #tpu.memory_space<hbm>>
        %dma_start3A_38 = arith.constant 0 : i32
        %dma_start3A_39 = tpu.memref_slice %arg18[%mul3A_35, %dma_start3A_38] : memref<10000x128xf32, #tpu.memory_space<vmem_shared>> -> memref<400x128xf32, #tpu.memory_space<vmem_shared>>
        tpu.enqueue_dma source(%dma_start3A_39 : memref<400x128xf32, #tpu.memory_space<vmem_shared>>) target(%dma_start3A_37 : memref<400x128xf32, #tpu.memory_space<hbm>>) target_semaphore(%run_scoped3A : memref<!tpu.dma_semaphore, #tpu.memory_space<semaphore_mem>>)
        %dma_wait3A = arith.constant 0 : i32
        %dma_wait3A_40 = tpu.memref_slice %arg9[%arg0, %mul3A_35, %dma_wait3A] : memref<2x10000x128xf32, #tpu.memory_space<hbm>> -> memref<1x400x128xf32, #tpu.memory_space<hbm>>
        %dma_wait3A_41 = tpu.memref_squeeze %dma_wait3A_40 : memref<1x400x128xf32, #tpu.memory_space<hbm>> -> memref<400x128xf32, #tpu.memory_space<hbm>>
        %dma_wait3A_42 = arith.constant 0 : i32
        %dma_wait3A_43 = tpu.memref_slice %arg18[%mul3A_35, %dma_wait3A_42] : memref<10000x128xf32, #tpu.memory_space<vmem_shared>> -> memref<400x128xf32, #tpu.memory_space<vmem_shared>>
        tpu.wait_dma2 semaphore(%run_scoped3A : memref<!tpu.dma_semaphore, #tpu.memory_space<semaphore_mem>>) src(%dma_wait3A_43 : memref<400x128xf32, #tpu.memory_space<vmem_shared>>) dst(%dma_wait3A_41 : memref<400x128xf32, #tpu.memory_space<hbm>>)
        tpu.yield
      }) : () -> ()
      "tpu.region"() ({
        %run_scoped3A = tpu.sem_alloc : memref<!tpu.dma_semaphore, #tpu.memory_space<semaphore_mem>>
        %dma_start3A = arith.constant 0 : i32
        %dma_start3A_36 = tpu.memref_slice %arg10[%arg0, %mul3A_35, %dma_start3A] : memref<2x10000x16xf32, #tpu.memory_space<hbm>> -> memref<1x400x16xf32, #tpu.memory_space<hbm>>
        %dma_start3A_37 = tpu.memref_squeeze %dma_start3A_36 : memref<1x400x16xf32, #tpu.memory_space<hbm>> -> memref<400x16xf32, #tpu.memory_space<hbm>>
        %dma_start3A_38 = arith.constant 0 : i32
        %dma_start3A_39 = tpu.memref_slice %arg19[%mul3A_35, %dma_start3A_38] : memref<10000x16xf32, #tpu.memory_space<vmem_shared>> -> memref<400x16xf32, #tpu.memory_space<vmem_shared>>
        tpu.enqueue_dma source(%dma_start3A_39 : memref<400x16xf32, #tpu.memory_space<vmem_shared>>) target(%dma_start3A_37 : memref<400x16xf32, #tpu.memory_space<hbm>>) target_semaphore(%run_scoped3A : memref<!tpu.dma_semaphore, #tpu.memory_space<semaphore_mem>>)
        %dma_wait3A = arith.constant 0 : i32
        %dma_wait3A_40 = tpu.memref_slice %arg10[%arg0, %mul3A_35, %dma_wait3A] : memref<2x10000x16xf32, #tpu.memory_space<hbm>> -> memref<1x400x16xf32, #tpu.memory_space<hbm>>
        %dma_wait3A_41 = tpu.memref_squeeze %dma_wait3A_40 : memref<1x400x16xf32, #tpu.memory_space<hbm>> -> memref<400x16xf32, #tpu.memory_space<hbm>>
        %dma_wait3A_42 = arith.constant 0 : i32
        %dma_wait3A_43 = tpu.memref_slice %arg19[%mul3A_35, %dma_wait3A_42] : memref<10000x16xf32, #tpu.memory_space<vmem_shared>> -> memref<400x16xf32, #tpu.memory_space<vmem_shared>>
        tpu.wait_dma2 semaphore(%run_scoped3A : memref<!tpu.dma_semaphore, #tpu.memory_space<semaphore_mem>>) src(%dma_wait3A_43 : memref<400x16xf32, #tpu.memory_space<vmem_shared>>) dst(%dma_wait3A_41 : memref<400x16xf32, #tpu.memory_space<hbm>>)
        tpu.yield
      }) : () -> ()
    } else {
    }
    %add3A_27 = arith.constant 16 : i32
    %add3A_28 = arith.addi %arg1, %add3A_27 : i32
    %lt3A_29 = arith.constant 25 : i32
    %lt3A_30 = arith.cmpi slt, %add3A_28, %lt3A_29 : i32
    %convert_element_type3A_31 = arith.extui %lt3A_30 : i1 to i32
    %cond3A_32 = arith.constant 0 : i32
    %cond3A_33 = arith.cmpi ne, %convert_element_type3A_31, %cond3A_32 : i32
    scf.if %cond3A_33 {
      %mul3A_34 = arith.constant 400 : i32
      %mul3A_35 = arith.muli %add3A_28, %mul3A_34 : i32
      "tpu.region"() ({
        %run_scoped3A = tpu.sem_alloc : memref<!tpu.dma_semaphore, #tpu.memory_space<semaphore_mem>>
        %dma_start3A = arith.constant 0 : i32
        %dma_start3A_36 = tpu.memref_slice %arg9[%arg0, %mul3A_35, %dma_start3A] : memref<2x10000x128xf32, #tpu.memory_space<hbm>> -> memref<1x400x128xf32, #tpu.memory_space<hbm>>
        %dma_start3A_37 = tpu.memref_squeeze %dma_start3A_36 : memref<1x400x128xf32, #tpu.memory_space<hbm>> -> memref<400x128xf32, #tpu.memory_space<hbm>>
        %dma_start3A_38 = arith.constant 0 : i32
        %dma_start3A_39 = tpu.memref_slice %arg18[%mul3A_35, %dma_start3A_38] : memref<10000x128xf32, #tpu.memory_space<vmem_shared>> -> memref<400x128xf32, #tpu.memory_space<vmem_shared>>
        tpu.enqueue_dma source(%dma_start3A_39 : memref<400x128xf32, #tpu.memory_space<vmem_shared>>) target(%dma_start3A_37 : memref<400x128xf32, #tpu.memory_space<hbm>>) target_semaphore(%run_scoped3A : memref<!tpu.dma_semaphore, #tpu.memory_space<semaphore_mem>>)
        %dma_wait3A = arith.constant 0 : i32
        %dma_wait3A_40 = tpu.memref_slice %arg9[%arg0, %mul3A_35, %dma_wait3A] : memref<2x10000x128xf32, #tpu.memory_space<hbm>> -> memref<1x400x128xf32, #tpu.memory_space<hbm>>
        %dma_wait3A_41 = tpu.memref_squeeze %dma_wait3A_40 : memref<1x400x128xf32, #tpu.memory_space<hbm>> -> memref<400x128xf32, #tpu.memory_space<hbm>>
        %dma_wait3A_42 = arith.constant 0 : i32
        %dma_wait3A_43 = tpu.memref_slice %arg18[%mul3A_35, %dma_wait3A_42] : memref<10000x128xf32, #tpu.memory_space<vmem_shared>> -> memref<400x128xf32, #tpu.memory_space<vmem_shared>>
        tpu.wait_dma2 semaphore(%run_scoped3A : memref<!tpu.dma_semaphore, #tpu.memory_space<semaphore_mem>>) src(%dma_wait3A_43 : memref<400x128xf32, #tpu.memory_space<vmem_shared>>) dst(%dma_wait3A_41 : memref<400x128xf32, #tpu.memory_space<hbm>>)
        tpu.yield
      }) : () -> ()
      "tpu.region"() ({
        %run_scoped3A = tpu.sem_alloc : memref<!tpu.dma_semaphore, #tpu.memory_space<semaphore_mem>>
        %dma_start3A = arith.constant 0 : i32
        %dma_start3A_36 = tpu.memref_slice %arg10[%arg0, %mul3A_35, %dma_start3A] : memref<2x10000x16xf32, #tpu.memory_space<hbm>> -> memref<1x400x16xf32, #tpu.memory_space<hbm>>
        %dma_start3A_37 = tpu.memref_squeeze %dma_start3A_36 : memref<1x400x16xf32, #tpu.memory_space<hbm>> -> memref<400x16xf32, #tpu.memory_space<hbm>>
        %dma_start3A_38 = arith.constant 0 : i32
        %dma_start3A_39 = tpu.memref_slice %arg19[%mul3A_35, %dma_start3A_38] : memref<10000x16xf32, #tpu.memory_space<vmem_shared>> -> memref<400x16xf32, #tpu.memory_space<vmem_shared>>
        tpu.enqueue_dma source(%dma_start3A_39 : memref<400x16xf32, #tpu.memory_space<vmem_shared>>) target(%dma_start3A_37 : memref<400x16xf32, #tpu.memory_space<hbm>>) target_semaphore(%run_scoped3A : memref<!tpu.dma_semaphore, #tpu.memory_space<semaphore_mem>>)
        %dma_wait3A = arith.constant 0 : i32
        %dma_wait3A_40 = tpu.memref_slice %arg10[%arg0, %mul3A_35, %dma_wait3A] : memref<2x10000x16xf32, #tpu.memory_space<hbm>> -> memref<1x400x16xf32, #tpu.memory_space<hbm>>
        %dma_wait3A_41 = tpu.memref_squeeze %dma_wait3A_40 : memref<1x400x16xf32, #tpu.memory_space<hbm>> -> memref<400x16xf32, #tpu.memory_space<hbm>>
        %dma_wait3A_42 = arith.constant 0 : i32
        %dma_wait3A_43 = tpu.memref_slice %arg19[%mul3A_35, %dma_wait3A_42] : memref<10000x16xf32, #tpu.memory_space<vmem_shared>> -> memref<400x16xf32, #tpu.memory_space<vmem_shared>>
        tpu.wait_dma2 semaphore(%run_scoped3A : memref<!tpu.dma_semaphore, #tpu.memory_space<semaphore_mem>>) src(%dma_wait3A_43 : memref<400x16xf32, #tpu.memory_space<vmem_shared>>) dst(%dma_wait3A_41 : memref<400x16xf32, #tpu.memory_space<hbm>>)
        tpu.yield
      }) : () -> ()
    } else {
    }
    return
  }
}

#map = affine_map<(d0, d1) -> (0, 0)>
#map1 = affine_map<(d0, d1) -> (0)>
#map2 = affine_map<(d0, d1) -> (0, 0, 0)>
module attributes {stable_mosaic.version = 14 : i64} {
  func.func @_sc_layer(%arg0: i32, %arg1: i32, %arg2: memref<10000x16xf32, #tpu.memory_space<hbm>>, %arg3: memref<10000x16xf32, #tpu.memory_space<hbm>>, %arg4: memref<10000x128xf32, #tpu.memory_space<hbm>>, %arg5: memref<320000xi32, #tpu.memory_space<hbm>>, %arg6: memref<320000xi32, #tpu.memory_space<hbm>>, %arg7: memref<10000x128xf32, #tpu.memory_space<hbm>>, %arg8: memref<10000x16xf32, #tpu.memory_space<hbm>>, %arg9: memref<2x10000x128xf32, #tpu.memory_space<hbm>>, %arg10: memref<2x10000x16xf32, #tpu.memory_space<hbm>>, %arg11: memref<80xi32, #tpu.memory_space<vmem>>, %arg12: memref<80xi32, #tpu.memory_space<vmem>>, %arg13: memref<80x16xf32, #tpu.memory_space<vmem>>, %arg14: memref<80x16xf32, #tpu.memory_space<vmem>>, %arg15: memref<80x128xf32, #tpu.memory_space<vmem>>, %arg16: memref<80x128xf32, #tpu.memory_space<vmem>>, %arg17: memref<80x16xf32, #tpu.memory_space<vmem>>, %arg18: memref<10000x128xf32, #tpu.memory_space<vmem_shared>>, %arg19: memref<10000x16xf32, #tpu.memory_space<vmem_shared>>, %arg20: memref<!tpu.dma_semaphore, #tpu.memory_space<semaphore_mem>>) attributes {dimension_semantics = [#tpu.dimension_semantics<core_parallel>, #tpu.dimension_semantics<subcore_parallel>], iteration_bounds = array<i64: 2, 16>, scalar_prefetch = 0 : i64, scratch_operands = 10 : i64, tpu.core_type = #tpu.core_type<sc_vector_subcore>, window_params = [{transform_indices = #map}, {transform_indices = #map}, {transform_indices = #map}, {transform_indices = #map1}, {transform_indices = #map1}, {transform_indices = #map}, {transform_indices = #map}, {transform_indices = #map2}, {transform_indices = #map2}]} {
    %mul3A = arith.constant 2 : i32
    %mul3A_0 = arith.muli %arg1, %mul3A : i32
    %add3A = arith.addi %mul3A_0, %arg0 : i32
    %add3A_1 = arith.constant 0 : i32
    %add3A_2 = arith.addi %arg1, %add3A_1 : i32
    %lt3A = arith.constant 25 : i32
    %lt3A_3 = arith.cmpi slt, %add3A_2, %lt3A : i32
    %convert_element_type3A = arith.extui %lt3A_3 : i1 to i32
    %cond3A = arith.constant 0 : i32
    %cond3A_4 = arith.cmpi ne, %convert_element_type3A, %cond3A : i32
    scf.if %cond3A_4 {
      %mul3A_34 = arith.constant 400 : i32
      %mul3A_35 = arith.muli %add3A_2, %mul3A_34 : i32
      "tpu.region"() ({
        %run_scoped3A = tpu.sem_alloc : memref<!tpu.dma_semaphore, #tpu.memory_space<semaphore_mem>>
        %dma_start3A = arith.constant 0 : i32
        %dma_start3A_36 = tpu.memref_slice %arg18[%mul3A_35, %dma_start3A] : memref<10000x128xf32, #tpu.memory_space<vmem_shared>> -> memref<400x128xf32, #tpu.memory_space<vmem_shared>>
        %dma_start3A_37 = arith.constant 0 : i32
        %dma_start3A_38 = tpu.memref_slice %arg7[%mul3A_35, %dma_start3A_37] : memref<10000x128xf32, #tpu.memory_space<hbm>> -> memref<400x128xf32, #tpu.memory_space<hbm>>
        tpu.enqueue_dma source(%dma_start3A_38 : memref<400x128xf32, #tpu.memory_space<hbm>>) target(%dma_start3A_36 : memref<400x128xf32, #tpu.memory_space<vmem_shared>>) target_semaphore(%run_scoped3A : memref<!tpu.dma_semaphore, #tpu.memory_space<semaphore_mem>>)
        %dma_wait3A = arith.constant 0 : i32
        %dma_wait3A_39 = tpu.memref_slice %arg18[%mul3A_35, %dma_wait3A] : memref<10000x128xf32, #tpu.memory_space<vmem_shared>> -> memref<400x128xf32, #tpu.memory_space<vmem_shared>>
        %dma_wait3A_40 = arith.constant 0 : i32
        %dma_wait3A_41 = tpu.memref_slice %arg7[%mul3A_35, %dma_wait3A_40] : memref<10000x128xf32, #tpu.memory_space<hbm>> -> memref<400x128xf32, #tpu.memory_space<hbm>>
        tpu.wait_dma2 semaphore(%run_scoped3A : memref<!tpu.dma_semaphore, #tpu.memory_space<semaphore_mem>>) src(%dma_wait3A_41 : memref<400x128xf32, #tpu.memory_space<hbm>>) dst(%dma_wait3A_39 : memref<400x128xf32, #tpu.memory_space<vmem_shared>>)
        tpu.yield
      }) : () -> ()
      "tpu.region"() ({
        %run_scoped3A = tpu.sem_alloc : memref<!tpu.dma_semaphore, #tpu.memory_space<semaphore_mem>>
        %dma_start3A = arith.constant 0 : i32
        %dma_start3A_36 = tpu.memref_slice %arg19[%mul3A_35, %dma_start3A] : memref<10000x16xf32, #tpu.memory_space<vmem_shared>> -> memref<400x16xf32, #tpu.memory_space<vmem_shared>>
        %dma_start3A_37 = arith.constant 0 : i32
        %dma_start3A_38 = tpu.memref_slice %arg8[%mul3A_35, %dma_start3A_37] : memref<10000x16xf32, #tpu.memory_space<hbm>> -> memref<400x16xf32, #tpu.memory_space<hbm>>
        tpu.enqueue_dma source(%dma_start3A_38 : memref<400x16xf32, #tpu.memory_space<hbm>>) target(%dma_start3A_36 : memref<400x16xf32, #tpu.memory_space<vmem_shared>>) target_semaphore(%run_scoped3A : memref<!tpu.dma_semaphore, #tpu.memory_space<semaphore_mem>>)
        %dma_wait3A = arith.constant 0 : i32
        %dma_wait3A_39 = tpu.memref_slice %arg19[%mul3A_35, %dma_wait3A] : memref<10000x16xf32, #tpu.memory_space<vmem_shared>> -> memref<400x16xf32, #tpu.memory_space<vmem_shared>>
        %dma_wait3A_40 = arith.constant 0 : i32
        %dma_wait3A_41 = tpu.memref_slice %arg8[%mul3A_35, %dma_wait3A_40] : memref<10000x16xf32, #tpu.memory_space<hbm>> -> memref<400x16xf32, #tpu.memory_space<hbm>>
        tpu.wait_dma2 semaphore(%run_scoped3A : memref<!tpu.dma_semaphore, #tpu.memory_space<semaphore_mem>>) src(%dma_wait3A_41 : memref<400x16xf32, #tpu.memory_space<hbm>>) dst(%dma_wait3A_39 : memref<400x16xf32, #tpu.memory_space<vmem_shared>>)
        tpu.yield
      }) : () -> ()
    } else {
    }
    %add3A_5 = arith.constant 16 : i32
    %add3A_6 = arith.addi %arg1, %add3A_5 : i32
    %lt3A_7 = arith.constant 25 : i32
    %lt3A_8 = arith.cmpi slt, %add3A_6, %lt3A_7 : i32
    %convert_element_type3A_9 = arith.extui %lt3A_8 : i1 to i32
    %cond3A_10 = arith.constant 0 : i32
    %cond3A_11 = arith.cmpi ne, %convert_element_type3A_9, %cond3A_10 : i32
    scf.if %cond3A_11 {
      %mul3A_34 = arith.constant 400 : i32
      %mul3A_35 = arith.muli %add3A_6, %mul3A_34 : i32
      "tpu.region"() ({
        %run_scoped3A = tpu.sem_alloc : memref<!tpu.dma_semaphore, #tpu.memory_space<semaphore_mem>>
        %dma_start3A = arith.constant 0 : i32
        %dma_start3A_36 = tpu.memref_slice %arg18[%mul3A_35, %dma_start3A] : memref<10000x128xf32, #tpu.memory_space<vmem_shared>> -> memref<400x128xf32, #tpu.memory_space<vmem_shared>>
        %dma_start3A_37 = arith.constant 0 : i32
        %dma_start3A_38 = tpu.memref_slice %arg7[%mul3A_35, %dma_start3A_37] : memref<10000x128xf32, #tpu.memory_space<hbm>> -> memref<400x128xf32, #tpu.memory_space<hbm>>
        tpu.enqueue_dma source(%dma_start3A_38 : memref<400x128xf32, #tpu.memory_space<hbm>>) target(%dma_start3A_36 : memref<400x128xf32, #tpu.memory_space<vmem_shared>>) target_semaphore(%run_scoped3A : memref<!tpu.dma_semaphore, #tpu.memory_space<semaphore_mem>>)
        %dma_wait3A = arith.constant 0 : i32
        %dma_wait3A_39 = tpu.memref_slice %arg18[%mul3A_35, %dma_wait3A] : memref<10000x128xf32, #tpu.memory_space<vmem_shared>> -> memref<400x128xf32, #tpu.memory_space<vmem_shared>>
        %dma_wait3A_40 = arith.constant 0 : i32
        %dma_wait3A_41 = tpu.memref_slice %arg7[%mul3A_35, %dma_wait3A_40] : memref<10000x128xf32, #tpu.memory_space<hbm>> -> memref<400x128xf32, #tpu.memory_space<hbm>>
        tpu.wait_dma2 semaphore(%run_scoped3A : memref<!tpu.dma_semaphore, #tpu.memory_space<semaphore_mem>>) src(%dma_wait3A_41 : memref<400x128xf32, #tpu.memory_space<hbm>>) dst(%dma_wait3A_39 : memref<400x128xf32, #tpu.memory_space<vmem_shared>>)
        tpu.yield
      }) : () -> ()
      "tpu.region"() ({
        %run_scoped3A = tpu.sem_alloc : memref<!tpu.dma_semaphore, #tpu.memory_space<semaphore_mem>>
        %dma_start3A = arith.constant 0 : i32
        %dma_start3A_36 = tpu.memref_slice %arg19[%mul3A_35, %dma_start3A] : memref<10000x16xf32, #tpu.memory_space<vmem_shared>> -> memref<400x16xf32, #tpu.memory_space<vmem_shared>>
        %dma_start3A_37 = arith.constant 0 : i32
        %dma_start3A_38 = tpu.memref_slice %arg8[%mul3A_35, %dma_start3A_37] : memref<10000x16xf32, #tpu.memory_space<hbm>> -> memref<400x16xf32, #tpu.memory_space<hbm>>
        tpu.enqueue_dma source(%dma_start3A_38 : memref<400x16xf32, #tpu.memory_space<hbm>>) target(%dma_start3A_36 : memref<400x16xf32, #tpu.memory_space<vmem_shared>>) target_semaphore(%run_scoped3A : memref<!tpu.dma_semaphore, #tpu.memory_space<semaphore_mem>>)
        %dma_wait3A = arith.constant 0 : i32
        %dma_wait3A_39 = tpu.memref_slice %arg19[%mul3A_35, %dma_wait3A] : memref<10000x16xf32, #tpu.memory_space<vmem_shared>> -> memref<400x16xf32, #tpu.memory_space<vmem_shared>>
        %dma_wait3A_40 = arith.constant 0 : i32
        %dma_wait3A_41 = tpu.memref_slice %arg8[%mul3A_35, %dma_wait3A_40] : memref<10000x16xf32, #tpu.memory_space<hbm>> -> memref<400x16xf32, #tpu.memory_space<hbm>>
        tpu.wait_dma2 semaphore(%run_scoped3A : memref<!tpu.dma_semaphore, #tpu.memory_space<semaphore_mem>>) src(%dma_wait3A_41 : memref<400x16xf32, #tpu.memory_space<hbm>>) dst(%dma_wait3A_39 : memref<400x16xf32, #tpu.memory_space<vmem_shared>>)
        tpu.yield
      }) : () -> ()
    } else {
    }
    %barrier3A = arith.constant 0 : index
    tpu.barrier barrier_id(%barrier3A)
    %mul3A_12 = arith.constant 10000 : i32
    %mul3A_13 = arith.muli %add3A, %mul3A_12 : i32
    %scan3A = arith.constant 0 : i32
    %scan3A_14 = arith.constant 0 : i32
    %scan3A_15 = arith.constant 125 : i32
    %scan3A_16 = arith.addi %scan3A_14, %scan3A_15 : i32
    %scan3A_17 = arith.constant 1 : i32
    scf.for %scan3A_34 = %scan3A_14 to %scan3A_16 step %scan3A_17  : i32 {
      %mul3A_35 = arith.constant 80 : i32
      %mul3A_36 = arith.muli %scan3A_34, %mul3A_35 : i32
      %add3A_37 = arith.addi %mul3A_13, %mul3A_36 : i32
      "tpu.region"() ({
        %run_scoped3A = tpu.sem_alloc : memref<!tpu.dma_semaphore, #tpu.memory_space<semaphore_mem>>
        %dma_start3A_60 = tpu.memref_slice %arg5[%add3A_37] : memref<320000xi32, #tpu.memory_space<hbm>> -> memref<80xi32, #tpu.memory_space<hbm>>
        %dma_start3A_61 = tpu.memref_slice %arg5[%add3A_37] : memref<320000xi32, #tpu.memory_space<hbm>> -> memref<80xi32, #tpu.memory_space<hbm>>
        tpu.enqueue_dma source(%dma_start3A_61 : memref<80xi32, #tpu.memory_space<hbm>>) target(%arg11 : memref<80xi32, #tpu.memory_space<vmem>>) target_semaphore(%run_scoped3A : memref<!tpu.dma_semaphore, #tpu.memory_space<semaphore_mem>>)
        %dma_wait3A_62 = tpu.memref_slice %arg5[%add3A_37] : memref<320000xi32, #tpu.memory_space<hbm>> -> memref<80xi32, #tpu.memory_space<hbm>>
        %dma_wait3A_63 = tpu.memref_slice %arg5[%add3A_37] : memref<320000xi32, #tpu.memory_space<hbm>> -> memref<80xi32, #tpu.memory_space<hbm>>
        tpu.wait_dma2 semaphore(%run_scoped3A : memref<!tpu.dma_semaphore, #tpu.memory_space<semaphore_mem>>) src(%dma_wait3A_63 : memref<80xi32, #tpu.memory_space<hbm>>) dst(%arg11 : memref<80xi32, #tpu.memory_space<vmem>>)
        tpu.yield
      }) : () -> ()
      "tpu.region"() ({
        %run_scoped3A = tpu.sem_alloc : memref<!tpu.dma_semaphore, #tpu.memory_space<semaphore_mem>>
        %dma_start3A_60 = tpu.memref_slice %arg6[%add3A_37] : memref<320000xi32, #tpu.memory_space<hbm>> -> memref<80xi32, #tpu.memory_space<hbm>>
        %dma_start3A_61 = tpu.memref_slice %arg6[%add3A_37] : memref<320000xi32, #tpu.memory_space<hbm>> -> memref<80xi32, #tpu.memory_space<hbm>>
        tpu.enqueue_dma source(%dma_start3A_61 : memref<80xi32, #tpu.memory_space<hbm>>) target(%arg12 : memref<80xi32, #tpu.memory_space<vmem>>) target_semaphore(%run_scoped3A : memref<!tpu.dma_semaphore, #tpu.memory_space<semaphore_mem>>)
        %dma_wait3A_62 = tpu.memref_slice %arg6[%add3A_37] : memref<320000xi32, #tpu.memory_space<hbm>> -> memref<80xi32, #tpu.memory_space<hbm>>
        %dma_wait3A_63 = tpu.memref_slice %arg6[%add3A_37] : memref<320000xi32, #tpu.memory_space<hbm>> -> memref<80xi32, #tpu.memory_space<hbm>>
        tpu.wait_dma2 semaphore(%run_scoped3A : memref<!tpu.dma_semaphore, #tpu.memory_space<semaphore_mem>>) src(%dma_wait3A_63 : memref<80xi32, #tpu.memory_space<hbm>>) dst(%arg12 : memref<80xi32, #tpu.memory_space<vmem>>)
        tpu.yield
      }) : () -> ()
      %dma_start3A = arith.constant 0 : i32
      %dma_start3A_38 = arith.constant 0 : i32
      %dma_start3A_39 = tpu.memref_slice %arg2[%dma_start3A, %dma_start3A_38] : memref<10000x16xf32, #tpu.memory_space<hbm>> -> memref<10000x16xf32, #tpu.memory_space<hbm>>
      tpu.enqueue_indirect_dma source(%dma_start3A_39 : memref<10000x16xf32, #tpu.memory_space<hbm>>) target(%arg13 : memref<80x16xf32, #tpu.memory_space<vmem>>) offsets(%arg11 : memref<80xi32, #tpu.memory_space<vmem>>) semaphore(%arg20 : memref<!tpu.dma_semaphore, #tpu.memory_space<semaphore_mem>>)
      %dma_wait3A = arith.constant 0 : i32
      %dma_wait3A_40 = arith.constant 0 : i32
      %dma_wait3A_41 = tpu.memref_slice %arg2[%dma_wait3A, %dma_wait3A_40] : memref<10000x16xf32, #tpu.memory_space<hbm>> -> memref<10000x16xf32, #tpu.memory_space<hbm>>
      tpu.wait_indirect_dma semaphore(%arg20 : memref<!tpu.dma_semaphore, #tpu.memory_space<semaphore_mem>>) src(%dma_wait3A_41 : memref<10000x16xf32, #tpu.memory_space<hbm>>) dst(%arg13 : memref<80x16xf32, #tpu.memory_space<vmem>>)
      %dma_start3A_42 = arith.constant 0 : i32
      %dma_start3A_43 = arith.constant 0 : i32
      %dma_start3A_44 = tpu.memref_slice %arg3[%dma_start3A_42, %dma_start3A_43] : memref<10000x16xf32, #tpu.memory_space<hbm>> -> memref<10000x16xf32, #tpu.memory_space<hbm>>
      tpu.enqueue_indirect_dma source(%dma_start3A_44 : memref<10000x16xf32, #tpu.memory_space<hbm>>) target(%arg14 : memref<80x16xf32, #tpu.memory_space<vmem>>) offsets(%arg12 : memref<80xi32, #tpu.memory_space<vmem>>) semaphore(%arg20 : memref<!tpu.dma_semaphore, #tpu.memory_space<semaphore_mem>>)
      %dma_wait3A_45 = arith.constant 0 : i32
      %dma_wait3A_46 = arith.constant 0 : i32
      %dma_wait3A_47 = tpu.memref_slice %arg3[%dma_wait3A_45, %dma_wait3A_46] : memref<10000x16xf32, #tpu.memory_space<hbm>> -> memref<10000x16xf32, #tpu.memory_space<hbm>>
      tpu.wait_indirect_dma semaphore(%arg20 : memref<!tpu.dma_semaphore, #tpu.memory_space<semaphore_mem>>) src(%dma_wait3A_47 : memref<10000x16xf32, #tpu.memory_space<hbm>>) dst(%arg14 : memref<80x16xf32, #tpu.memory_space<vmem>>)
      %dma_start3A_48 = arith.constant 0 : i32
      %dma_start3A_49 = arith.constant 0 : i32
      %dma_start3A_50 = tpu.memref_slice %arg4[%dma_start3A_48, %dma_start3A_49] : memref<10000x128xf32, #tpu.memory_space<hbm>> -> memref<10000x128xf32, #tpu.memory_space<hbm>>
      tpu.enqueue_indirect_dma source(%dma_start3A_50 : memref<10000x128xf32, #tpu.memory_space<hbm>>) target(%arg15 : memref<80x128xf32, #tpu.memory_space<vmem>>) offsets(%arg11 : memref<80xi32, #tpu.memory_space<vmem>>) semaphore(%arg20 : memref<!tpu.dma_semaphore, #tpu.memory_space<semaphore_mem>>)
      %dma_wait3A_51 = arith.constant 0 : i32
      %dma_wait3A_52 = arith.constant 0 : i32
      %dma_wait3A_53 = tpu.memref_slice %arg4[%dma_wait3A_51, %dma_wait3A_52] : memref<10000x128xf32, #tpu.memory_space<hbm>> -> memref<10000x128xf32, #tpu.memory_space<hbm>>
      tpu.wait_indirect_dma semaphore(%arg20 : memref<!tpu.dma_semaphore, #tpu.memory_space<semaphore_mem>>) src(%dma_wait3A_53 : memref<10000x128xf32, #tpu.memory_space<hbm>>) dst(%arg15 : memref<80x128xf32, #tpu.memory_space<vmem>>)
      %scan3A_54 = arith.constant 0 : i32
      %scan3A_55 = arith.constant 0 : i32
      %scan3A_56 = arith.constant 80 : i32
      %scan3A_57 = arith.addi %scan3A_55, %scan3A_56 : i32
      %scan3A_58 = arith.constant 1 : i32
      scf.for %scan3A_60 = %scan3A_55 to %scan3A_57 step %scan3A_58  : i32 {
        %get3A = arith.index_cast %scan3A_60 : i32 to index
        %get3A_61 = arith.constant 0 : index
        %get3A_62 = tpu.vector_load %arg13[%get3A, %get3A_61] {strides = array<i32>} : memref<80x16xf32, #tpu.memory_space<vmem>>, vector<1x16xf32>,
        %get3A_63 = vector.shape_cast %get3A_62 : vector<1x16xf32> to vector<16xf32>
        %get3A_64 = arith.index_cast %scan3A_60 : i32 to index
        %get3A_65 = arith.constant 0 : index
        %get3A_66 = tpu.vector_load %arg14[%get3A_64, %get3A_65] {strides = array<i32>} : memref<80x16xf32, #tpu.memory_space<vmem>>, vector<1x16xf32>,
        %get3A_67 = vector.shape_cast %get3A_66 : vector<1x16xf32> to vector<16xf32>
        %add3A_68 = arith.addf %get3A_63, %get3A_67 : vector<16xf32>
        %ge3A = arith.constant 0.000000e+00 : f32
        %ge3A_69 = vector.broadcast %ge3A : f32 to vector<16xf32>
        %ge3A_70 = arith.cmpf oge, %add3A_68, %ge3A_69 : vector<16xf32>
        %mul3A_71 = arith.constant 2.000000e-01 : f32
        %mul3A_72 = vector.broadcast %mul3A_71 : f32 to vector<16xf32>
        %mul3A_73 = arith.mulf %mul3A_72, %add3A_68 : vector<16xf32>
        %select_n3A = arith.select %ge3A_70, %add3A_68, %mul3A_73 : vector<16xi1>, vector<16xf32>
        %exp3A = math.exp %select_n3A : vector<16xf32>
        %swap3A = arith.index_cast %scan3A_60 : i32 to index
        %swap3A_74 = arith.constant 0 : index
        %swap3A_75 = tpu.vector_load %arg17[%swap3A, %swap3A_74] {strides = array<i32>} : memref<80x16xf32, #tpu.memory_space<vmem>>, vector<1x16xf32>,
        %swap3A_76 = vector.shape_cast %swap3A_75 : vector<1x16xf32> to vector<16xf32>
        %swap3A_77 = vector.shape_cast %exp3A : vector<16xf32> to vector<1x16xf32>
        tpu.vector_store %arg17[%swap3A, %swap3A_74], %swap3A_77 {strides = array<i32>} : memref<80x16xf32, #tpu.memory_space<vmem>>, vector<1x16xf32>,
        %broadcast_in_dim3A = arith.constant 0 : i32
        %broadcast_in_dim3A_78 = vector.broadcast %broadcast_in_dim3A : i32 to vector<16xi32>
        %broadcast_in_dim3A_79 = vector.shape_cast %broadcast_in_dim3A_78 : vector<16xi32> to vector<16x1xi32>
        %gather3A = vector.shape_cast %broadcast_in_dim3A_79 : vector<16x1xi32> to vector<16xi32>
        %gather3A_80 = tpu.dynamic_gather %exp3A[%gather3A] in [0] : vector<16xf32>, vector<16xi32> -> vector<16xf32>
        %get3A_81 = arith.index_cast %scan3A_60 : i32 to index
        %get3A_82 = arith.constant 0 : index
        %get3A_83 = tpu.vector_load %arg15[%get3A_81, %get3A_82] {strides = array<i32>} : memref<80x128xf32, #tpu.memory_space<vmem>>, vector<1x16xf32>,
        %get3A_84 = vector.shape_cast %get3A_83 : vector<1x16xf32> to vector<16xf32>
        %mul3A_85 = arith.mulf %get3A_84, %gather3A_80 : vector<16xf32>
        %swap3A_86 = arith.index_cast %scan3A_60 : i32 to index
        %swap3A_87 = arith.constant 0 : index
        %swap3A_88 = tpu.vector_load %arg16[%swap3A_86, %swap3A_87] {strides = array<i32>} : memref<80x128xf32, #tpu.memory_space<vmem>>, vector<1x16xf32>,
        %swap3A_89 = vector.shape_cast %swap3A_88 : vector<1x16xf32> to vector<16xf32>
        %swap3A_90 = vector.shape_cast %mul3A_85 : vector<16xf32> to vector<1x16xf32>
        tpu.vector_store %arg16[%swap3A_86, %swap3A_87], %swap3A_90 {strides = array<i32>} : memref<80x128xf32, #tpu.memory_space<vmem>>, vector<1x16xf32>,
        %broadcast_in_dim3A_91 = arith.constant 1 : i32
        %broadcast_in_dim3A_92 = vector.broadcast %broadcast_in_dim3A_91 : i32 to vector<16xi32>
        %broadcast_in_dim3A_93 = vector.shape_cast %broadcast_in_dim3A_92 : vector<16xi32> to vector<16x1xi32>
        %gather3A_94 = vector.shape_cast %broadcast_in_dim3A_93 : vector<16x1xi32> to vector<16xi32>
        %gather3A_95 = tpu.dynamic_gather %exp3A[%gather3A_94] in [0] : vector<16xf32>, vector<16xi32> -> vector<16xf32>
        %get3A_96 = arith.index_cast %scan3A_60 : i32 to index
        %get3A_97 = arith.constant 16 : index
        %get3A_98 = tpu.vector_load %arg15[%get3A_96, %get3A_97] {strides = array<i32>} : memref<80x128xf32, #tpu.memory_space<vmem>>, vector<1x16xf32>,
        %get3A_99 = vector.shape_cast %get3A_98 : vector<1x16xf32> to vector<16xf32>
        %mul3A_100 = arith.mulf %get3A_99, %gather3A_95 : vector<16xf32>
        %swap3A_101 = arith.index_cast %scan3A_60 : i32 to index
        %swap3A_102 = arith.constant 16 : index
        %swap3A_103 = tpu.vector_load %arg16[%swap3A_101, %swap3A_102] {strides = array<i32>} : memref<80x128xf32, #tpu.memory_space<vmem>>, vector<1x16xf32>,
        %swap3A_104 = vector.shape_cast %swap3A_103 : vector<1x16xf32> to vector<16xf32>
        %swap3A_105 = vector.shape_cast %mul3A_100 : vector<16xf32> to vector<1x16xf32>
        tpu.vector_store %arg16[%swap3A_101, %swap3A_102], %swap3A_105 {strides = array<i32>} : memref<80x128xf32, #tpu.memory_space<vmem>>, vector<1x16xf32>,
        %broadcast_in_dim3A_106 = arith.constant 2 : i32
        %broadcast_in_dim3A_107 = vector.broadcast %broadcast_in_dim3A_106 : i32 to vector<16xi32>
        %broadcast_in_dim3A_108 = vector.shape_cast %broadcast_in_dim3A_107 : vector<16xi32> to vector<16x1xi32>
        %gather3A_109 = vector.shape_cast %broadcast_in_dim3A_108 : vector<16x1xi32> to vector<16xi32>
        %gather3A_110 = tpu.dynamic_gather %exp3A[%gather3A_109] in [0] : vector<16xf32>, vector<16xi32> -> vector<16xf32>
        %get3A_111 = arith.index_cast %scan3A_60 : i32 to index
        %get3A_112 = arith.constant 32 : index
        %get3A_113 = tpu.vector_load %arg15[%get3A_111, %get3A_112] {strides = array<i32>} : memref<80x128xf32, #tpu.memory_space<vmem>>, vector<1x16xf32>,
        %get3A_114 = vector.shape_cast %get3A_113 : vector<1x16xf32> to vector<16xf32>
        %mul3A_115 = arith.mulf %get3A_114, %gather3A_110 : vector<16xf32>
        %swap3A_116 = arith.index_cast %scan3A_60 : i32 to index
        %swap3A_117 = arith.constant 32 : index
        %swap3A_118 = tpu.vector_load %arg16[%swap3A_116, %swap3A_117] {strides = array<i32>} : memref<80x128xf32, #tpu.memory_space<vmem>>, vector<1x16xf32>,
        %swap3A_119 = vector.shape_cast %swap3A_118 : vector<1x16xf32> to vector<16xf32>
        %swap3A_120 = vector.shape_cast %mul3A_115 : vector<16xf32> to vector<1x16xf32>
        tpu.vector_store %arg16[%swap3A_116, %swap3A_117], %swap3A_120 {strides = array<i32>} : memref<80x128xf32, #tpu.memory_space<vmem>>, vector<1x16xf32>,
        %broadcast_in_dim3A_121 = arith.constant 3 : i32
        %broadcast_in_dim3A_122 = vector.broadcast %broadcast_in_dim3A_121 : i32 to vector<16xi32>
        %broadcast_in_dim3A_123 = vector.shape_cast %broadcast_in_dim3A_122 : vector<16xi32> to vector<16x1xi32>
        %gather3A_124 = vector.shape_cast %broadcast_in_dim3A_123 : vector<16x1xi32> to vector<16xi32>
        %gather3A_125 = tpu.dynamic_gather %exp3A[%gather3A_124] in [0] : vector<16xf32>, vector<16xi32> -> vector<16xf32>
        %get3A_126 = arith.index_cast %scan3A_60 : i32 to index
        %get3A_127 = arith.constant 48 : index
        %get3A_128 = tpu.vector_load %arg15[%get3A_126, %get3A_127] {strides = array<i32>} : memref<80x128xf32, #tpu.memory_space<vmem>>, vector<1x16xf32>,
        %get3A_129 = vector.shape_cast %get3A_128 : vector<1x16xf32> to vector<16xf32>
        %mul3A_130 = arith.mulf %get3A_129, %gather3A_125 : vector<16xf32>
        %swap3A_131 = arith.index_cast %scan3A_60 : i32 to index
        %swap3A_132 = arith.constant 48 : index
        %swap3A_133 = tpu.vector_load %arg16[%swap3A_131, %swap3A_132] {strides = array<i32>} : memref<80x128xf32, #tpu.memory_space<vmem>>, vector<1x16xf32>,
        %swap3A_134 = vector.shape_cast %swap3A_133 : vector<1x16xf32> to vector<16xf32>
        %swap3A_135 = vector.shape_cast %mul3A_130 : vector<16xf32> to vector<1x16xf32>
        tpu.vector_store %arg16[%swap3A_131, %swap3A_132], %swap3A_135 {strides = array<i32>} : memref<80x128xf32, #tpu.memory_space<vmem>>, vector<1x16xf32>,
        %broadcast_in_dim3A_136 = arith.constant 4 : i32
        %broadcast_in_dim3A_137 = vector.broadcast %broadcast_in_dim3A_136 : i32 to vector<16xi32>
        %broadcast_in_dim3A_138 = vector.shape_cast %broadcast_in_dim3A_137 : vector<16xi32> to vector<16x1xi32>
        %gather3A_139 = vector.shape_cast %broadcast_in_dim3A_138 : vector<16x1xi32> to vector<16xi32>
        %gather3A_140 = tpu.dynamic_gather %exp3A[%gather3A_139] in [0] : vector<16xf32>, vector<16xi32> -> vector<16xf32>
        %get3A_141 = arith.index_cast %scan3A_60 : i32 to index
        %get3A_142 = arith.constant 64 : index
        %get3A_143 = tpu.vector_load %arg15[%get3A_141, %get3A_142] {strides = array<i32>} : memref<80x128xf32, #tpu.memory_space<vmem>>, vector<1x16xf32>,
        %get3A_144 = vector.shape_cast %get3A_143 : vector<1x16xf32> to vector<16xf32>
        %mul3A_145 = arith.mulf %get3A_144, %gather3A_140 : vector<16xf32>
        %swap3A_146 = arith.index_cast %scan3A_60 : i32 to index
        %swap3A_147 = arith.constant 64 : index
        %swap3A_148 = tpu.vector_load %arg16[%swap3A_146, %swap3A_147] {strides = array<i32>} : memref<80x128xf32, #tpu.memory_space<vmem>>, vector<1x16xf32>,
        %swap3A_149 = vector.shape_cast %swap3A_148 : vector<1x16xf32> to vector<16xf32>
        %swap3A_150 = vector.shape_cast %mul3A_145 : vector<16xf32> to vector<1x16xf32>
        tpu.vector_store %arg16[%swap3A_146, %swap3A_147], %swap3A_150 {strides = array<i32>} : memref<80x128xf32, #tpu.memory_space<vmem>>, vector<1x16xf32>,
        %broadcast_in_dim3A_151 = arith.constant 5 : i32
        %broadcast_in_dim3A_152 = vector.broadcast %broadcast_in_dim3A_151 : i32 to vector<16xi32>
        %broadcast_in_dim3A_153 = vector.shape_cast %broadcast_in_dim3A_152 : vector<16xi32> to vector<16x1xi32>
        %gather3A_154 = vector.shape_cast %broadcast_in_dim3A_153 : vector<16x1xi32> to vector<16xi32>
        %gather3A_155 = tpu.dynamic_gather %exp3A[%gather3A_154] in [0] : vector<16xf32>, vector<16xi32> -> vector<16xf32>
        %get3A_156 = arith.index_cast %scan3A_60 : i32 to index
        %get3A_157 = arith.constant 80 : index
        %get3A_158 = tpu.vector_load %arg15[%get3A_156, %get3A_157] {strides = array<i32>} : memref<80x128xf32, #tpu.memory_space<vmem>>, vector<1x16xf32>,
        %get3A_159 = vector.shape_cast %get3A_158 : vector<1x16xf32> to vector<16xf32>
        %mul3A_160 = arith.mulf %get3A_159, %gather3A_155 : vector<16xf32>
        %swap3A_161 = arith.index_cast %scan3A_60 : i32 to index
        %swap3A_162 = arith.constant 80 : index
        %swap3A_163 = tpu.vector_load %arg16[%swap3A_161, %swap3A_162] {strides = array<i32>} : memref<80x128xf32, #tpu.memory_space<vmem>>, vector<1x16xf32>,
        %swap3A_164 = vector.shape_cast %swap3A_163 : vector<1x16xf32> to vector<16xf32>
        %swap3A_165 = vector.shape_cast %mul3A_160 : vector<16xf32> to vector<1x16xf32>
        tpu.vector_store %arg16[%swap3A_161, %swap3A_162], %swap3A_165 {strides = array<i32>} : memref<80x128xf32, #tpu.memory_space<vmem>>, vector<1x16xf32>,
        %broadcast_in_dim3A_166 = arith.constant 6 : i32
        %broadcast_in_dim3A_167 = vector.broadcast %broadcast_in_dim3A_166 : i32 to vector<16xi32>
        %broadcast_in_dim3A_168 = vector.shape_cast %broadcast_in_dim3A_167 : vector<16xi32> to vector<16x1xi32>
        %gather3A_169 = vector.shape_cast %broadcast_in_dim3A_168 : vector<16x1xi32> to vector<16xi32>
        %gather3A_170 = tpu.dynamic_gather %exp3A[%gather3A_169] in [0] : vector<16xf32>, vector<16xi32> -> vector<16xf32>
        %get3A_171 = arith.index_cast %scan3A_60 : i32 to index
        %get3A_172 = arith.constant 96 : index
        %get3A_173 = tpu.vector_load %arg15[%get3A_171, %get3A_172] {strides = array<i32>} : memref<80x128xf32, #tpu.memory_space<vmem>>, vector<1x16xf32>,
        %get3A_174 = vector.shape_cast %get3A_173 : vector<1x16xf32> to vector<16xf32>
        %mul3A_175 = arith.mulf %get3A_174, %gather3A_170 : vector<16xf32>
        %swap3A_176 = arith.index_cast %scan3A_60 : i32 to index
        %swap3A_177 = arith.constant 96 : index
        %swap3A_178 = tpu.vector_load %arg16[%swap3A_176, %swap3A_177] {strides = array<i32>} : memref<80x128xf32, #tpu.memory_space<vmem>>, vector<1x16xf32>,
        %swap3A_179 = vector.shape_cast %swap3A_178 : vector<1x16xf32> to vector<16xf32>
        %swap3A_180 = vector.shape_cast %mul3A_175 : vector<16xf32> to vector<1x16xf32>
        tpu.vector_store %arg16[%swap3A_176, %swap3A_177], %swap3A_180 {strides = array<i32>} : memref<80x128xf32, #tpu.memory_space<vmem>>, vector<1x16xf32>,
        %broadcast_in_dim3A_181 = arith.constant 7 : i32
        %broadcast_in_dim3A_182 = vector.broadcast %broadcast_in_dim3A_181 : i32 to vector<16xi32>
        %broadcast_in_dim3A_183 = vector.shape_cast %broadcast_in_dim3A_182 : vector<16xi32> to vector<16x1xi32>
        %gather3A_184 = vector.shape_cast %broadcast_in_dim3A_183 : vector<16x1xi32> to vector<16xi32>
        %gather3A_185 = tpu.dynamic_gather %exp3A[%gather3A_184] in [0] : vector<16xf32>, vector<16xi32> -> vector<16xf32>
        %get3A_186 = arith.index_cast %scan3A_60 : i32 to index
        %get3A_187 = arith.constant 112 : index
        %get3A_188 = tpu.vector_load %arg15[%get3A_186, %get3A_187] {strides = array<i32>} : memref<80x128xf32, #tpu.memory_space<vmem>>, vector<1x16xf32>,
        %get3A_189 = vector.shape_cast %get3A_188 : vector<1x16xf32> to vector<16xf32>
        %mul3A_190 = arith.mulf %get3A_189, %gather3A_185 : vector<16xf32>
        %swap3A_191 = arith.index_cast %scan3A_60 : i32 to index
        %swap3A_192 = arith.constant 112 : index
        %swap3A_193 = tpu.vector_load %arg16[%swap3A_191, %swap3A_192] {strides = array<i32>} : memref<80x128xf32, #tpu.memory_space<vmem>>, vector<1x16xf32>,
        %swap3A_194 = vector.shape_cast %swap3A_193 : vector<1x16xf32> to vector<16xf32>
        %swap3A_195 = vector.shape_cast %mul3A_190 : vector<16xf32> to vector<1x16xf32>
        tpu.vector_store %arg16[%swap3A_191, %swap3A_192], %swap3A_195 {strides = array<i32>} : memref<80x128xf32, #tpu.memory_space<vmem>>, vector<1x16xf32>,
      }
      %scan3A_59 = arith.constant 80 : i32
      "tpu.region"() ({
        %run_scoped3A = tpu.sem_alloc : memref<!tpu.dma_semaphore, #tpu.memory_space<semaphore_mem>>
        %dma_start3A_60 = arith.constant 0 : i32
        %dma_start3A_61 = arith.constant 0 : i32
        %dma_start3A_62 = tpu.memref_slice %arg18[%dma_start3A_60, %dma_start3A_61] : memref<10000x128xf32, #tpu.memory_space<vmem_shared>> -> memref<10000x128xf32, #tpu.memory_space<vmem_shared>>
        tpu.enqueue_indirect_dma source(%arg16 : memref<80x128xf32, #tpu.memory_space<vmem>>) target(%dma_start3A_62 : memref<10000x128xf32, #tpu.memory_space<vmem_shared>>) offsets(%arg12 : memref<80xi32, #tpu.memory_space<vmem>>) semaphore(%run_scoped3A : memref<!tpu.dma_semaphore, #tpu.memory_space<semaphore_mem>>) {add = true}
        %dma_wait3A_63 = arith.constant 0 : i32
        %dma_wait3A_64 = arith.constant 0 : i32
        %dma_wait3A_65 = tpu.memref_slice %arg18[%dma_wait3A_63, %dma_wait3A_64] : memref<10000x128xf32, #tpu.memory_space<vmem_shared>> -> memref<10000x128xf32, #tpu.memory_space<vmem_shared>>
        tpu.wait_indirect_dma semaphore(%run_scoped3A : memref<!tpu.dma_semaphore, #tpu.memory_space<semaphore_mem>>) src(%arg16 : memref<80x128xf32, #tpu.memory_space<vmem>>) dst(%dma_wait3A_65 : memref<10000x128xf32, #tpu.memory_space<vmem_shared>>)
        tpu.yield
      }) : () -> ()
      "tpu.region"() ({
        %run_scoped3A = tpu.sem_alloc : memref<!tpu.dma_semaphore, #tpu.memory_space<semaphore_mem>>
        %dma_start3A_60 = arith.constant 0 : i32
        %dma_start3A_61 = arith.constant 0 : i32
        %dma_start3A_62 = tpu.memref_slice %arg19[%dma_start3A_60, %dma_start3A_61] : memref<10000x16xf32, #tpu.memory_space<vmem_shared>> -> memref<10000x16xf32, #tpu.memory_space<vmem_shared>>
        tpu.enqueue_indirect_dma source(%arg17 : memref<80x16xf32, #tpu.memory_space<vmem>>) target(%dma_start3A_62 : memref<10000x16xf32, #tpu.memory_space<vmem_shared>>) offsets(%arg12 : memref<80xi32, #tpu.memory_space<vmem>>) semaphore(%run_scoped3A : memref<!tpu.dma_semaphore, #tpu.memory_space<semaphore_mem>>) {add = true}
        %dma_wait3A_63 = arith.constant 0 : i32
        %dma_wait3A_64 = arith.constant 0 : i32
        %dma_wait3A_65 = tpu.memref_slice %arg19[%dma_wait3A_63, %dma_wait3A_64] : memref<10000x16xf32, #tpu.memory_space<vmem_shared>> -> memref<10000x16xf32, #tpu.memory_space<vmem_shared>>
        tpu.wait_indirect_dma semaphore(%run_scoped3A : memref<!tpu.dma_semaphore, #tpu.memory_space<semaphore_mem>>) src(%arg17 : memref<80x16xf32, #tpu.memory_space<vmem>>) dst(%dma_wait3A_65 : memref<10000x16xf32, #tpu.memory_space<vmem_shared>>)
        tpu.yield
      }) : () -> ()
    }
    %scan3A_18 = arith.constant 125 : i32
    %barrier3A_19 = arith.constant 0 : index
    tpu.barrier barrier_id(%barrier3A_19)
    %add3A_20 = arith.constant 0 : i32
    %add3A_21 = arith.addi %arg1, %add3A_20 : i32
    %lt3A_22 = arith.constant 25 : i32
    %lt3A_23 = arith.cmpi slt, %add3A_21, %lt3A_22 : i32
    %convert_element_type3A_24 = arith.extui %lt3A_23 : i1 to i32
    %cond3A_25 = arith.constant 0 : i32
    %cond3A_26 = arith.cmpi ne, %convert_element_type3A_24, %cond3A_25 : i32
    scf.if %cond3A_26 {
      %mul3A_34 = arith.constant 400 : i32
      %mul3A_35 = arith.muli %add3A_21, %mul3A_34 : i32
      "tpu.region"() ({
        %run_scoped3A = tpu.sem_alloc : memref<!tpu.dma_semaphore, #tpu.memory_space<semaphore_mem>>
        %dma_start3A = arith.constant 0 : i32
        %dma_start3A_36 = tpu.memref_slice %arg9[%arg0, %mul3A_35, %dma_start3A] : memref<2x10000x128xf32, #tpu.memory_space<hbm>> -> memref<1x400x128xf32, #tpu.memory_space<hbm>>
        %dma_start3A_37 = tpu.memref_squeeze %dma_start3A_36 : memref<1x400x128xf32, #tpu.memory_space<hbm>> -> memref<400x128xf32, #tpu.memory_space<hbm>>
        %dma_start3A_38 = arith.constant 0 : i32
        %dma_start3A_39 = tpu.memref_slice %arg18[%mul3A_35, %dma_start3A_38] : memref<10000x128xf32, #tpu.memory_space<vmem_shared>> -> memref<400x128xf32, #tpu.memory_space<vmem_shared>>
        tpu.enqueue_dma source(%dma_start3A_39 : memref<400x128xf32, #tpu.memory_space<vmem_shared>>) target(%dma_start3A_37 : memref<400x128xf32, #tpu.memory_space<hbm>>) target_semaphore(%run_scoped3A : memref<!tpu.dma_semaphore, #tpu.memory_space<semaphore_mem>>)
        %dma_wait3A = arith.constant 0 : i32
        %dma_wait3A_40 = tpu.memref_slice %arg9[%arg0, %mul3A_35, %dma_wait3A] : memref<2x10000x128xf32, #tpu.memory_space<hbm>> -> memref<1x400x128xf32, #tpu.memory_space<hbm>>
        %dma_wait3A_41 = tpu.memref_squeeze %dma_wait3A_40 : memref<1x400x128xf32, #tpu.memory_space<hbm>> -> memref<400x128xf32, #tpu.memory_space<hbm>>
        %dma_wait3A_42 = arith.constant 0 : i32
        %dma_wait3A_43 = tpu.memref_slice %arg18[%mul3A_35, %dma_wait3A_42] : memref<10000x128xf32, #tpu.memory_space<vmem_shared>> -> memref<400x128xf32, #tpu.memory_space<vmem_shared>>
        tpu.wait_dma2 semaphore(%run_scoped3A : memref<!tpu.dma_semaphore, #tpu.memory_space<semaphore_mem>>) src(%dma_wait3A_43 : memref<400x128xf32, #tpu.memory_space<vmem_shared>>) dst(%dma_wait3A_41 : memref<400x128xf32, #tpu.memory_space<hbm>>)
        tpu.yield
      }) : () -> ()
      "tpu.region"() ({
        %run_scoped3A = tpu.sem_alloc : memref<!tpu.dma_semaphore, #tpu.memory_space<semaphore_mem>>
        %dma_start3A = arith.constant 0 : i32
        %dma_start3A_36 = tpu.memref_slice %arg10[%arg0, %mul3A_35, %dma_start3A] : memref<2x10000x16xf32, #tpu.memory_space<hbm>> -> memref<1x400x16xf32, #tpu.memory_space<hbm>>
        %dma_start3A_37 = tpu.memref_squeeze %dma_start3A_36 : memref<1x400x16xf32, #tpu.memory_space<hbm>> -> memref<400x16xf32, #tpu.memory_space<hbm>>
        %dma_start3A_38 = arith.constant 0 : i32
        %dma_start3A_39 = tpu.memref_slice %arg19[%mul3A_35, %dma_start3A_38] : memref<10000x16xf32, #tpu.memory_space<vmem_shared>> -> memref<400x16xf32, #tpu.memory_space<vmem_shared>>
        tpu.enqueue_dma source(%dma_start3A_39 : memref<400x16xf32, #tpu.memory_space<vmem_shared>>) target(%dma_start3A_37 : memref<400x16xf32, #tpu.memory_space<hbm>>) target_semaphore(%run_scoped3A : memref<!tpu.dma_semaphore, #tpu.memory_space<semaphore_mem>>)
        %dma_wait3A = arith.constant 0 : i32
        %dma_wait3A_40 = tpu.memref_slice %arg10[%arg0, %mul3A_35, %dma_wait3A] : memref<2x10000x16xf32, #tpu.memory_space<hbm>> -> memref<1x400x16xf32, #tpu.memory_space<hbm>>
        %dma_wait3A_41 = tpu.memref_squeeze %dma_wait3A_40 : memref<1x400x16xf32, #tpu.memory_space<hbm>> -> memref<400x16xf32, #tpu.memory_space<hbm>>
        %dma_wait3A_42 = arith.constant 0 : i32
        %dma_wait3A_43 = tpu.memref_slice %arg19[%mul3A_35, %dma_wait3A_42] : memref<10000x16xf32, #tpu.memory_space<vmem_shared>> -> memref<400x16xf32, #tpu.memory_space<vmem_shared>>
        tpu.wait_dma2 semaphore(%run_scoped3A : memref<!tpu.dma_semaphore, #tpu.memory_space<semaphore_mem>>) src(%dma_wait3A_43 : memref<400x16xf32, #tpu.memory_space<vmem_shared>>) dst(%dma_wait3A_41 : memref<400x16xf32, #tpu.memory_space<hbm>>)
        tpu.yield
      }) : () -> ()
    } else {
    }
    %add3A_27 = arith.constant 16 : i32
    %add3A_28 = arith.addi %arg1, %add3A_27 : i32
    %lt3A_29 = arith.constant 25 : i32
    %lt3A_30 = arith.cmpi slt, %add3A_28, %lt3A_29 : i32
    %convert_element_type3A_31 = arith.extui %lt3A_30 : i1 to i32
    %cond3A_32 = arith.constant 0 : i32
    %cond3A_33 = arith.cmpi ne, %convert_element_type3A_31, %cond3A_32 : i32
    scf.if %cond3A_33 {
      %mul3A_34 = arith.constant 400 : i32
      %mul3A_35 = arith.muli %add3A_28, %mul3A_34 : i32
      "tpu.region"() ({
        %run_scoped3A = tpu.sem_alloc : memref<!tpu.dma_semaphore, #tpu.memory_space<semaphore_mem>>
        %dma_start3A = arith.constant 0 : i32
        %dma_start3A_36 = tpu.memref_slice %arg9[%arg0, %mul3A_35, %dma_start3A] : memref<2x10000x128xf32, #tpu.memory_space<hbm>> -> memref<1x400x128xf32, #tpu.memory_space<hbm>>
        %dma_start3A_37 = tpu.memref_squeeze %dma_start3A_36 : memref<1x400x128xf32, #tpu.memory_space<hbm>> -> memref<400x128xf32, #tpu.memory_space<hbm>>
        %dma_start3A_38 = arith.constant 0 : i32
        %dma_start3A_39 = tpu.memref_slice %arg18[%mul3A_35, %dma_start3A_38] : memref<10000x128xf32, #tpu.memory_space<vmem_shared>> -> memref<400x128xf32, #tpu.memory_space<vmem_shared>>
        tpu.enqueue_dma source(%dma_start3A_39 : memref<400x128xf32, #tpu.memory_space<vmem_shared>>) target(%dma_start3A_37 : memref<400x128xf32, #tpu.memory_space<hbm>>) target_semaphore(%run_scoped3A : memref<!tpu.dma_semaphore, #tpu.memory_space<semaphore_mem>>)
        %dma_wait3A = arith.constant 0 : i32
        %dma_wait3A_40 = tpu.memref_slice %arg9[%arg0, %mul3A_35, %dma_wait3A] : memref<2x10000x128xf32, #tpu.memory_space<hbm>> -> memref<1x400x128xf32, #tpu.memory_space<hbm>>
        %dma_wait3A_41 = tpu.memref_squeeze %dma_wait3A_40 : memref<1x400x128xf32, #tpu.memory_space<hbm>> -> memref<400x128xf32, #tpu.memory_space<hbm>>
        %dma_wait3A_42 = arith.constant 0 : i32
        %dma_wait3A_43 = tpu.memref_slice %arg18[%mul3A_35, %dma_wait3A_42] : memref<10000x128xf32, #tpu.memory_space<vmem_shared>> -> memref<400x128xf32, #tpu.memory_space<vmem_shared>>
        tpu.wait_dma2 semaphore(%run_scoped3A : memref<!tpu.dma_semaphore, #tpu.memory_space<semaphore_mem>>) src(%dma_wait3A_43 : memref<400x128xf32, #tpu.memory_space<vmem_shared>>) dst(%dma_wait3A_41 : memref<400x128xf32, #tpu.memory_space<hbm>>)
        tpu.yield
      }) : () -> ()
      "tpu.region"() ({
        %run_scoped3A = tpu.sem_alloc : memref<!tpu.dma_semaphore, #tpu.memory_space<semaphore_mem>>
        %dma_start3A = arith.constant 0 : i32
        %dma_start3A_36 = tpu.memref_slice %arg10[%arg0, %mul3A_35, %dma_start3A] : memref<2x10000x16xf32, #tpu.memory_space<hbm>> -> memref<1x400x16xf32, #tpu.memory_space<hbm>>
        %dma_start3A_37 = tpu.memref_squeeze %dma_start3A_36 : memref<1x400x16xf32, #tpu.memory_space<hbm>> -> memref<400x16xf32, #tpu.memory_space<hbm>>
        %dma_start3A_38 = arith.constant 0 : i32
        %dma_start3A_39 = tpu.memref_slice %arg19[%mul3A_35, %dma_start3A_38] : memref<10000x16xf32, #tpu.memory_space<vmem_shared>> -> memref<400x16xf32, #tpu.memory_space<vmem_shared>>
        tpu.enqueue_dma source(%dma_start3A_39 : memref<400x16xf32, #tpu.memory_space<vmem_shared>>) target(%dma_start3A_37 : memref<400x16xf32, #tpu.memory_space<hbm>>) target_semaphore(%run_scoped3A : memref<!tpu.dma_semaphore, #tpu.memory_space<semaphore_mem>>)
        %dma_wait3A = arith.constant 0 : i32
        %dma_wait3A_40 = tpu.memref_slice %arg10[%arg0, %mul3A_35, %dma_wait3A] : memref<2x10000x16xf32, #tpu.memory_space<hbm>> -> memref<1x400x16xf32, #tpu.memory_space<hbm>>
        %dma_wait3A_41 = tpu.memref_squeeze %dma_wait3A_40 : memref<1x400x16xf32, #tpu.memory_space<hbm>> -> memref<400x16xf32, #tpu.memory_space<hbm>>
        %dma_wait3A_42 = arith.constant 0 : i32
        %dma_wait3A_43 = tpu.memref_slice %arg19[%mul3A_35, %dma_wait3A_42] : memref<10000x16xf32, #tpu.memory_space<vmem_shared>> -> memref<400x16xf32, #tpu.memory_space<vmem_shared>>
        tpu.wait_dma2 semaphore(%run_scoped3A : memref<!tpu.dma_semaphore, #tpu.memory_space<semaphore_mem>>) src(%dma_wait3A_43 : memref<400x16xf32, #tpu.memory_space<vmem_shared>>) dst(%dma_wait3A_41 : memref<400x16xf32, #tpu.memory_space<hbm>>)
        tpu.yield
      }) : () -> ()
    } else {
    }
    return
  }
}

#map = affine_map<(d0, d1) -> (0, 0)>
#map1 = affine_map<(d0, d1) -> (0)>
module attributes {stable_mosaic.version = 14 : i64} {
  func.func @_sc_mlp(%arg0: i32, %arg1: i32, %arg2: memref<10000x256xf32, #tpu.memory_space<hbm>>, %arg3: memref<10000x256xf32, #tpu.memory_space<hbm>>, %arg4: memref<320000xi32, #tpu.memory_space<hbm>>, %arg5: memref<320000xi32, #tpu.memory_space<hbm>>, %arg6: memref<256xf32, #tpu.memory_space<hbm>>, %arg7: memref<16xf32, #tpu.memory_space<hbm>>, %arg8: memref<320000xf32, #tpu.memory_space<hbm>>, %arg9: memref<80xi32, #tpu.memory_space<vmem>>, %arg10: memref<80xi32, #tpu.memory_space<vmem>>, %arg11: memref<80x256xf32, #tpu.memory_space<vmem>>, %arg12: memref<80x256xf32, #tpu.memory_space<vmem>>, %arg13: memref<256xf32, #tpu.memory_space<vmem>>, %arg14: memref<16xf32, #tpu.memory_space<vmem>>, %arg15: memref<80xf32, #tpu.memory_space<vmem>>, %arg16: memref<!tpu.dma_semaphore, #tpu.memory_space<semaphore_mem>>) attributes {dimension_semantics = [#tpu.dimension_semantics<core_parallel>, #tpu.dimension_semantics<subcore_parallel>], iteration_bounds = array<i64: 2, 16>, scalar_prefetch = 0 : i64, scratch_operands = 8 : i64, tpu.core_type = #tpu.core_type<sc_vector_subcore>, window_params = [{transform_indices = #map}, {transform_indices = #map}, {transform_indices = #map1}, {transform_indices = #map1}, {transform_indices = #map1}, {transform_indices = #map1}, {transform_indices = #map1}]} {
    %mul3A = arith.constant 2 : i32
    %mul3A_0 = arith.muli %arg1, %mul3A : i32
    %add3A = arith.addi %mul3A_0, %arg0 : i32
    %mul3A_1 = arith.constant 10000 : i32
    %mul3A_2 = arith.muli %add3A, %mul3A_1 : i32
    "tpu.region"() ({
      %run_scoped3A = tpu.sem_alloc : memref<!tpu.dma_semaphore, #tpu.memory_space<semaphore_mem>>
      tpu.enqueue_dma source(%arg6 : memref<256xf32, #tpu.memory_space<hbm>>) target(%arg13 : memref<256xf32, #tpu.memory_space<vmem>>) target_semaphore(%run_scoped3A : memref<!tpu.dma_semaphore, #tpu.memory_space<semaphore_mem>>)
      tpu.wait_dma2 semaphore(%run_scoped3A : memref<!tpu.dma_semaphore, #tpu.memory_space<semaphore_mem>>) src(%arg6 : memref<256xf32, #tpu.memory_space<hbm>>) dst(%arg13 : memref<256xf32, #tpu.memory_space<vmem>>)
      tpu.yield
    }) : () -> ()
    "tpu.region"() ({
      %run_scoped3A = tpu.sem_alloc : memref<!tpu.dma_semaphore, #tpu.memory_space<semaphore_mem>>
      tpu.enqueue_dma source(%arg7 : memref<16xf32, #tpu.memory_space<hbm>>) target(%arg14 : memref<16xf32, #tpu.memory_space<vmem>>) target_semaphore(%run_scoped3A : memref<!tpu.dma_semaphore, #tpu.memory_space<semaphore_mem>>)
      tpu.wait_dma2 semaphore(%run_scoped3A : memref<!tpu.dma_semaphore, #tpu.memory_space<semaphore_mem>>) src(%arg7 : memref<16xf32, #tpu.memory_space<hbm>>) dst(%arg14 : memref<16xf32, #tpu.memory_space<vmem>>)
      tpu.yield
    }) : () -> ()
    %scan3A = arith.constant 0 : i32
    %scan3A_3 = arith.constant 0 : i32
    %scan3A_4 = arith.constant 125 : i32
    %scan3A_5 = arith.addi %scan3A_3, %scan3A_4 : i32
    %scan3A_6 = arith.constant 1 : i32
    scf.for %scan3A_8 = %scan3A_3 to %scan3A_5 step %scan3A_6  : i32 {
      %mul3A_9 = arith.constant 80 : i32
      %mul3A_10 = arith.muli %scan3A_8, %mul3A_9 : i32
      %add3A_11 = arith.addi %mul3A_2, %mul3A_10 : i32
      "tpu.region"() ({
        %run_scoped3A = tpu.sem_alloc : memref<!tpu.dma_semaphore, #tpu.memory_space<semaphore_mem>>
        %dma_start3A_28 = tpu.memref_slice %arg4[%add3A_11] : memref<320000xi32, #tpu.memory_space<hbm>> -> memref<80xi32, #tpu.memory_space<hbm>>
        %dma_start3A_29 = tpu.memref_slice %arg4[%add3A_11] : memref<320000xi32, #tpu.memory_space<hbm>> -> memref<80xi32, #tpu.memory_space<hbm>>
        tpu.enqueue_dma source(%dma_start3A_29 : memref<80xi32, #tpu.memory_space<hbm>>) target(%arg9 : memref<80xi32, #tpu.memory_space<vmem>>) target_semaphore(%run_scoped3A : memref<!tpu.dma_semaphore, #tpu.memory_space<semaphore_mem>>)
        %dma_wait3A_30 = tpu.memref_slice %arg4[%add3A_11] : memref<320000xi32, #tpu.memory_space<hbm>> -> memref<80xi32, #tpu.memory_space<hbm>>
        %dma_wait3A_31 = tpu.memref_slice %arg4[%add3A_11] : memref<320000xi32, #tpu.memory_space<hbm>> -> memref<80xi32, #tpu.memory_space<hbm>>
        tpu.wait_dma2 semaphore(%run_scoped3A : memref<!tpu.dma_semaphore, #tpu.memory_space<semaphore_mem>>) src(%dma_wait3A_31 : memref<80xi32, #tpu.memory_space<hbm>>) dst(%arg9 : memref<80xi32, #tpu.memory_space<vmem>>)
        tpu.yield
      }) : () -> ()
      "tpu.region"() ({
        %run_scoped3A = tpu.sem_alloc : memref<!tpu.dma_semaphore, #tpu.memory_space<semaphore_mem>>
        %dma_start3A_28 = tpu.memref_slice %arg5[%add3A_11] : memref<320000xi32, #tpu.memory_space<hbm>> -> memref<80xi32, #tpu.memory_space<hbm>>
        %dma_start3A_29 = tpu.memref_slice %arg5[%add3A_11] : memref<320000xi32, #tpu.memory_space<hbm>> -> memref<80xi32, #tpu.memory_space<hbm>>
        tpu.enqueue_dma source(%dma_start3A_29 : memref<80xi32, #tpu.memory_space<hbm>>) target(%arg10 : memref<80xi32, #tpu.memory_space<vmem>>) target_semaphore(%run_scoped3A : memref<!tpu.dma_semaphore, #tpu.memory_space<semaphore_mem>>)
        %dma_wait3A_30 = tpu.memref_slice %arg5[%add3A_11] : memref<320000xi32, #tpu.memory_space<hbm>> -> memref<80xi32, #tpu.memory_space<hbm>>
        %dma_wait3A_31 = tpu.memref_slice %arg5[%add3A_11] : memref<320000xi32, #tpu.memory_space<hbm>> -> memref<80xi32, #tpu.memory_space<hbm>>
        tpu.wait_dma2 semaphore(%run_scoped3A : memref<!tpu.dma_semaphore, #tpu.memory_space<semaphore_mem>>) src(%dma_wait3A_31 : memref<80xi32, #tpu.memory_space<hbm>>) dst(%arg10 : memref<80xi32, #tpu.memory_space<vmem>>)
        tpu.yield
      }) : () -> ()
      %dma_start3A = arith.constant 0 : i32
      %dma_start3A_12 = arith.constant 0 : i32
      %dma_start3A_13 = tpu.memref_slice %arg2[%dma_start3A, %dma_start3A_12] : memref<10000x256xf32, #tpu.memory_space<hbm>> -> memref<10000x256xf32, #tpu.memory_space<hbm>>
      tpu.enqueue_indirect_dma source(%dma_start3A_13 : memref<10000x256xf32, #tpu.memory_space<hbm>>) target(%arg11 : memref<80x256xf32, #tpu.memory_space<vmem>>) offsets(%arg9 : memref<80xi32, #tpu.memory_space<vmem>>) semaphore(%arg16 : memref<!tpu.dma_semaphore, #tpu.memory_space<semaphore_mem>>)
      %dma_wait3A = arith.constant 0 : i32
      %dma_wait3A_14 = arith.constant 0 : i32
      %dma_wait3A_15 = tpu.memref_slice %arg2[%dma_wait3A, %dma_wait3A_14] : memref<10000x256xf32, #tpu.memory_space<hbm>> -> memref<10000x256xf32, #tpu.memory_space<hbm>>
      tpu.wait_indirect_dma semaphore(%arg16 : memref<!tpu.dma_semaphore, #tpu.memory_space<semaphore_mem>>) src(%dma_wait3A_15 : memref<10000x256xf32, #tpu.memory_space<hbm>>) dst(%arg11 : memref<80x256xf32, #tpu.memory_space<vmem>>)
      %dma_start3A_16 = arith.constant 0 : i32
      %dma_start3A_17 = arith.constant 0 : i32
      %dma_start3A_18 = tpu.memref_slice %arg3[%dma_start3A_16, %dma_start3A_17] : memref<10000x256xf32, #tpu.memory_space<hbm>> -> memref<10000x256xf32, #tpu.memory_space<hbm>>
      tpu.enqueue_indirect_dma source(%dma_start3A_18 : memref<10000x256xf32, #tpu.memory_space<hbm>>) target(%arg12 : memref<80x256xf32, #tpu.memory_space<vmem>>) offsets(%arg10 : memref<80xi32, #tpu.memory_space<vmem>>) semaphore(%arg16 : memref<!tpu.dma_semaphore, #tpu.memory_space<semaphore_mem>>)
      %dma_wait3A_19 = arith.constant 0 : i32
      %dma_wait3A_20 = arith.constant 0 : i32
      %dma_wait3A_21 = tpu.memref_slice %arg3[%dma_wait3A_19, %dma_wait3A_20] : memref<10000x256xf32, #tpu.memory_space<hbm>> -> memref<10000x256xf32, #tpu.memory_space<hbm>>
      tpu.wait_indirect_dma semaphore(%arg16 : memref<!tpu.dma_semaphore, #tpu.memory_space<semaphore_mem>>) src(%dma_wait3A_21 : memref<10000x256xf32, #tpu.memory_space<hbm>>) dst(%arg12 : memref<80x256xf32, #tpu.memory_space<vmem>>)
      %iota3A = tpu.iota {dimensions = array<i32: 0>} : vector<16xi32>
      %scan3A_22 = arith.constant 0 : i32
      %scan3A_23 = arith.constant 0 : i32
      %scan3A_24 = arith.constant 5 : i32
      %scan3A_25 = arith.addi %scan3A_23, %scan3A_24 : i32
      %scan3A_26 = arith.constant 1 : i32
      scf.for %scan3A_28 = %scan3A_23 to %scan3A_25 step %scan3A_26  : i32 {
        %broadcast_in_dim3A = arith.constant 0.000000e+00 : f32
        %broadcast_in_dim3A_29 = vector.broadcast %broadcast_in_dim3A : f32 to vector<16xf32>
        %scan3A_30 = arith.constant 0 : i32
        %scan3A_31 = arith.constant 16 : i32
        %scan3A_32 = arith.addi %scan3A_30, %scan3A_31 : i32
        %scan3A_33 = arith.constant 1 : i32
        %scan3A_34 = scf.for %scan3A_44 = %scan3A_30 to %scan3A_32 step %scan3A_33 iter_args(%scan3A_45 = %broadcast_in_dim3A_29) -> (vector<16xf32>)  : i32 {
          %mul3A_46 = arith.constant 16 : i32
          %mul3A_47 = arith.muli %scan3A_28, %mul3A_46 : i32
          %add3A_48 = arith.addi %mul3A_47, %scan3A_44 : i32
          %broadcast_in_dim3A_49 = arith.constant 0.000000e+00 : f32
          %broadcast_in_dim3A_50 = vector.broadcast %broadcast_in_dim3A_49 : f32 to vector<16xf32>
          %get3A_51 = arith.index_cast %add3A_48 : i32 to index
          %get3A_52 = arith.constant 0 : index
          %get3A_53 = tpu.vector_load %arg11[%get3A_51, %get3A_52] {strides = array<i32>} : memref<80x256xf32, #tpu.memory_space<vmem>>, vector<1x16xf32>,
          %get3A_54 = vector.shape_cast %get3A_53 : vector<1x16xf32> to vector<16xf32>
          %get3A_55 = arith.index_cast %add3A_48 : i32 to index
          %get3A_56 = arith.constant 0 : index
          %get3A_57 = tpu.vector_load %arg12[%get3A_55, %get3A_56] {strides = array<i32>} : memref<80x256xf32, #tpu.memory_space<vmem>>, vector<1x16xf32>,
          %get3A_58 = vector.shape_cast %get3A_57 : vector<1x16xf32> to vector<16xf32>
          %add3A_59 = arith.addf %get3A_54, %get3A_58 : vector<16xf32>
          %max3A = arith.constant 0.000000e+00 : f32
          %max3A_60 = vector.broadcast %max3A : f32 to vector<16xf32>
          %max3A_61 = arith.maximumf %add3A_59, %max3A_60 : vector<16xf32>
          %get3A_62 = arith.constant 0 : index
          %get3A_63 = tpu.vector_load %arg13[%get3A_62] {strides = array<i32>} : memref<256xf32, #tpu.memory_space<vmem>>, vector<16xf32>,
          %get3A_64 = vector.shape_cast %get3A_63 : vector<16xf32> to vector<16xf32>
          %mul3A_65 = arith.mulf %max3A_61, %get3A_64 : vector<16xf32>
          %add3A_66 = arith.addf %broadcast_in_dim3A_50, %mul3A_65 : vector<16xf32>
          %get3A_67 = arith.index_cast %add3A_48 : i32 to index
          %get3A_68 = arith.constant 16 : index
          %get3A_69 = tpu.vector_load %arg11[%get3A_67, %get3A_68] {strides = array<i32>} : memref<80x256xf32, #tpu.memory_space<vmem>>, vector<1x16xf32>,
          %get3A_70 = vector.shape_cast %get3A_69 : vector<1x16xf32> to vector<16xf32>
          %get3A_71 = arith.index_cast %add3A_48 : i32 to index
          %get3A_72 = arith.constant 16 : index
          %get3A_73 = tpu.vector_load %arg12[%get3A_71, %get3A_72] {strides = array<i32>} : memref<80x256xf32, #tpu.memory_space<vmem>>, vector<1x16xf32>,
          %get3A_74 = vector.shape_cast %get3A_73 : vector<1x16xf32> to vector<16xf32>
          %add3A_75 = arith.addf %get3A_70, %get3A_74 : vector<16xf32>
          %max3A_76 = arith.constant 0.000000e+00 : f32
          %max3A_77 = vector.broadcast %max3A_76 : f32 to vector<16xf32>
          %max3A_78 = arith.maximumf %add3A_75, %max3A_77 : vector<16xf32>
          %get3A_79 = arith.constant 16 : index
          %get3A_80 = tpu.vector_load %arg13[%get3A_79] {strides = array<i32>} : memref<256xf32, #tpu.memory_space<vmem>>, vector<16xf32>,
          %get3A_81 = vector.shape_cast %get3A_80 : vector<16xf32> to vector<16xf32>
          %mul3A_82 = arith.mulf %max3A_78, %get3A_81 : vector<16xf32>
          %add3A_83 = arith.addf %add3A_66, %mul3A_82 : vector<16xf32>
          %get3A_84 = arith.index_cast %add3A_48 : i32 to index
          %get3A_85 = arith.constant 32 : index
          %get3A_86 = tpu.vector_load %arg11[%get3A_84, %get3A_85] {strides = array<i32>} : memref<80x256xf32, #tpu.memory_space<vmem>>, vector<1x16xf32>,
          %get3A_87 = vector.shape_cast %get3A_86 : vector<1x16xf32> to vector<16xf32>
          %get3A_88 = arith.index_cast %add3A_48 : i32 to index
          %get3A_89 = arith.constant 32 : index
          %get3A_90 = tpu.vector_load %arg12[%get3A_88, %get3A_89] {strides = array<i32>} : memref<80x256xf32, #tpu.memory_space<vmem>>, vector<1x16xf32>,
          %get3A_91 = vector.shape_cast %get3A_90 : vector<1x16xf32> to vector<16xf32>
          %add3A_92 = arith.addf %get3A_87, %get3A_91 : vector<16xf32>
          %max3A_93 = arith.constant 0.000000e+00 : f32
          %max3A_94 = vector.broadcast %max3A_93 : f32 to vector<16xf32>
          %max3A_95 = arith.maximumf %add3A_92, %max3A_94 : vector<16xf32>
          %get3A_96 = arith.constant 32 : index
          %get3A_97 = tpu.vector_load %arg13[%get3A_96] {strides = array<i32>} : memref<256xf32, #tpu.memory_space<vmem>>, vector<16xf32>,
          %get3A_98 = vector.shape_cast %get3A_97 : vector<16xf32> to vector<16xf32>
          %mul3A_99 = arith.mulf %max3A_95, %get3A_98 : vector<16xf32>
          %add3A_100 = arith.addf %add3A_83, %mul3A_99 : vector<16xf32>
          %get3A_101 = arith.index_cast %add3A_48 : i32 to index
          %get3A_102 = arith.constant 48 : index
          %get3A_103 = tpu.vector_load %arg11[%get3A_101, %get3A_102] {strides = array<i32>} : memref<80x256xf32, #tpu.memory_space<vmem>>, vector<1x16xf32>,
          %get3A_104 = vector.shape_cast %get3A_103 : vector<1x16xf32> to vector<16xf32>
          %get3A_105 = arith.index_cast %add3A_48 : i32 to index
          %get3A_106 = arith.constant 48 : index
          %get3A_107 = tpu.vector_load %arg12[%get3A_105, %get3A_106] {strides = array<i32>} : memref<80x256xf32, #tpu.memory_space<vmem>>, vector<1x16xf32>,
          %get3A_108 = vector.shape_cast %get3A_107 : vector<1x16xf32> to vector<16xf32>
          %add3A_109 = arith.addf %get3A_104, %get3A_108 : vector<16xf32>
          %max3A_110 = arith.constant 0.000000e+00 : f32
          %max3A_111 = vector.broadcast %max3A_110 : f32 to vector<16xf32>
          %max3A_112 = arith.maximumf %add3A_109, %max3A_111 : vector<16xf32>
          %get3A_113 = arith.constant 48 : index
          %get3A_114 = tpu.vector_load %arg13[%get3A_113] {strides = array<i32>} : memref<256xf32, #tpu.memory_space<vmem>>, vector<16xf32>,
          %get3A_115 = vector.shape_cast %get3A_114 : vector<16xf32> to vector<16xf32>
          %mul3A_116 = arith.mulf %max3A_112, %get3A_115 : vector<16xf32>
          %add3A_117 = arith.addf %add3A_100, %mul3A_116 : vector<16xf32>
          %get3A_118 = arith.index_cast %add3A_48 : i32 to index
          %get3A_119 = arith.constant 64 : index
          %get3A_120 = tpu.vector_load %arg11[%get3A_118, %get3A_119] {strides = array<i32>} : memref<80x256xf32, #tpu.memory_space<vmem>>, vector<1x16xf32>,
          %get3A_121 = vector.shape_cast %get3A_120 : vector<1x16xf32> to vector<16xf32>
          %get3A_122 = arith.index_cast %add3A_48 : i32 to index
          %get3A_123 = arith.constant 64 : index
          %get3A_124 = tpu.vector_load %arg12[%get3A_122, %get3A_123] {strides = array<i32>} : memref<80x256xf32, #tpu.memory_space<vmem>>, vector<1x16xf32>,
          %get3A_125 = vector.shape_cast %get3A_124 : vector<1x16xf32> to vector<16xf32>
          %add3A_126 = arith.addf %get3A_121, %get3A_125 : vector<16xf32>
          %max3A_127 = arith.constant 0.000000e+00 : f32
          %max3A_128 = vector.broadcast %max3A_127 : f32 to vector<16xf32>
          %max3A_129 = arith.maximumf %add3A_126, %max3A_128 : vector<16xf32>
          %get3A_130 = arith.constant 64 : index
          %get3A_131 = tpu.vector_load %arg13[%get3A_130] {strides = array<i32>} : memref<256xf32, #tpu.memory_space<vmem>>, vector<16xf32>,
          %get3A_132 = vector.shape_cast %get3A_131 : vector<16xf32> to vector<16xf32>
          %mul3A_133 = arith.mulf %max3A_129, %get3A_132 : vector<16xf32>
          %add3A_134 = arith.addf %add3A_117, %mul3A_133 : vector<16xf32>
          %get3A_135 = arith.index_cast %add3A_48 : i32 to index
          %get3A_136 = arith.constant 80 : index
          %get3A_137 = tpu.vector_load %arg11[%get3A_135, %get3A_136] {strides = array<i32>} : memref<80x256xf32, #tpu.memory_space<vmem>>, vector<1x16xf32>,
          %get3A_138 = vector.shape_cast %get3A_137 : vector<1x16xf32> to vector<16xf32>
          %get3A_139 = arith.index_cast %add3A_48 : i32 to index
          %get3A_140 = arith.constant 80 : index
          %get3A_141 = tpu.vector_load %arg12[%get3A_139, %get3A_140] {strides = array<i32>} : memref<80x256xf32, #tpu.memory_space<vmem>>, vector<1x16xf32>,
          %get3A_142 = vector.shape_cast %get3A_141 : vector<1x16xf32> to vector<16xf32>
          %add3A_143 = arith.addf %get3A_138, %get3A_142 : vector<16xf32>
          %max3A_144 = arith.constant 0.000000e+00 : f32
          %max3A_145 = vector.broadcast %max3A_144 : f32 to vector<16xf32>
          %max3A_146 = arith.maximumf %add3A_143, %max3A_145 : vector<16xf32>
          %get3A_147 = arith.constant 80 : index
          %get3A_148 = tpu.vector_load %arg13[%get3A_147] {strides = array<i32>} : memref<256xf32, #tpu.memory_space<vmem>>, vector<16xf32>,
          %get3A_149 = vector.shape_cast %get3A_148 : vector<16xf32> to vector<16xf32>
          %mul3A_150 = arith.mulf %max3A_146, %get3A_149 : vector<16xf32>
          %add3A_151 = arith.addf %add3A_134, %mul3A_150 : vector<16xf32>
          %get3A_152 = arith.index_cast %add3A_48 : i32 to index
          %get3A_153 = arith.constant 96 : index
          %get3A_154 = tpu.vector_load %arg11[%get3A_152, %get3A_153] {strides = array<i32>} : memref<80x256xf32, #tpu.memory_space<vmem>>, vector<1x16xf32>,
          %get3A_155 = vector.shape_cast %get3A_154 : vector<1x16xf32> to vector<16xf32>
          %get3A_156 = arith.index_cast %add3A_48 : i32 to index
          %get3A_157 = arith.constant 96 : index
          %get3A_158 = tpu.vector_load %arg12[%get3A_156, %get3A_157] {strides = array<i32>} : memref<80x256xf32, #tpu.memory_space<vmem>>, vector<1x16xf32>,
          %get3A_159 = vector.shape_cast %get3A_158 : vector<1x16xf32> to vector<16xf32>
          %add3A_160 = arith.addf %get3A_155, %get3A_159 : vector<16xf32>
          %max3A_161 = arith.constant 0.000000e+00 : f32
          %max3A_162 = vector.broadcast %max3A_161 : f32 to vector<16xf32>
          %max3A_163 = arith.maximumf %add3A_160, %max3A_162 : vector<16xf32>
          %get3A_164 = arith.constant 96 : index
          %get3A_165 = tpu.vector_load %arg13[%get3A_164] {strides = array<i32>} : memref<256xf32, #tpu.memory_space<vmem>>, vector<16xf32>,
          %get3A_166 = vector.shape_cast %get3A_165 : vector<16xf32> to vector<16xf32>
          %mul3A_167 = arith.mulf %max3A_163, %get3A_166 : vector<16xf32>
          %add3A_168 = arith.addf %add3A_151, %mul3A_167 : vector<16xf32>
          %get3A_169 = arith.index_cast %add3A_48 : i32 to index
          %get3A_170 = arith.constant 112 : index
          %get3A_171 = tpu.vector_load %arg11[%get3A_169, %get3A_170] {strides = array<i32>} : memref<80x256xf32, #tpu.memory_space<vmem>>, vector<1x16xf32>,
          %get3A_172 = vector.shape_cast %get3A_171 : vector<1x16xf32> to vector<16xf32>
          %get3A_173 = arith.index_cast %add3A_48 : i32 to index
          %get3A_174 = arith.constant 112 : index
          %get3A_175 = tpu.vector_load %arg12[%get3A_173, %get3A_174] {strides = array<i32>} : memref<80x256xf32, #tpu.memory_space<vmem>>, vector<1x16xf32>,
          %get3A_176 = vector.shape_cast %get3A_175 : vector<1x16xf32> to vector<16xf32>
          %add3A_177 = arith.addf %get3A_172, %get3A_176 : vector<16xf32>
          %max3A_178 = arith.constant 0.000000e+00 : f32
          %max3A_179 = vector.broadcast %max3A_178 : f32 to vector<16xf32>
          %max3A_180 = arith.maximumf %add3A_177, %max3A_179 : vector<16xf32>
          %get3A_181 = arith.constant 112 : index
          %get3A_182 = tpu.vector_load %arg13[%get3A_181] {strides = array<i32>} : memref<256xf32, #tpu.memory_space<vmem>>, vector<16xf32>,
          %get3A_183 = vector.shape_cast %get3A_182 : vector<16xf32> to vector<16xf32>
          %mul3A_184 = arith.mulf %max3A_180, %get3A_183 : vector<16xf32>
          %add3A_185 = arith.addf %add3A_168, %mul3A_184 : vector<16xf32>
          %get3A_186 = arith.index_cast %add3A_48 : i32 to index
          %get3A_187 = arith.constant 128 : index
          %get3A_188 = tpu.vector_load %arg11[%get3A_186, %get3A_187] {strides = array<i32>} : memref<80x256xf32, #tpu.memory_space<vmem>>, vector<1x16xf32>,
          %get3A_189 = vector.shape_cast %get3A_188 : vector<1x16xf32> to vector<16xf32>
          %get3A_190 = arith.index_cast %add3A_48 : i32 to index
          %get3A_191 = arith.constant 128 : index
          %get3A_192 = tpu.vector_load %arg12[%get3A_190, %get3A_191] {strides = array<i32>} : memref<80x256xf32, #tpu.memory_space<vmem>>, vector<1x16xf32>,
          %get3A_193 = vector.shape_cast %get3A_192 : vector<1x16xf32> to vector<16xf32>
          %add3A_194 = arith.addf %get3A_189, %get3A_193 : vector<16xf32>
          %max3A_195 = arith.constant 0.000000e+00 : f32
          %max3A_196 = vector.broadcast %max3A_195 : f32 to vector<16xf32>
          %max3A_197 = arith.maximumf %add3A_194, %max3A_196 : vector<16xf32>
          %get3A_198 = arith.constant 128 : index
          %get3A_199 = tpu.vector_load %arg13[%get3A_198] {strides = array<i32>} : memref<256xf32, #tpu.memory_space<vmem>>, vector<16xf32>,
          %get3A_200 = vector.shape_cast %get3A_199 : vector<16xf32> to vector<16xf32>
          %mul3A_201 = arith.mulf %max3A_197, %get3A_200 : vector<16xf32>
          %add3A_202 = arith.addf %add3A_185, %mul3A_201 : vector<16xf32>
          %get3A_203 = arith.index_cast %add3A_48 : i32 to index
          %get3A_204 = arith.constant 144 : index
          %get3A_205 = tpu.vector_load %arg11[%get3A_203, %get3A_204] {strides = array<i32>} : memref<80x256xf32, #tpu.memory_space<vmem>>, vector<1x16xf32>,
          %get3A_206 = vector.shape_cast %get3A_205 : vector<1x16xf32> to vector<16xf32>
          %get3A_207 = arith.index_cast %add3A_48 : i32 to index
          %get3A_208 = arith.constant 144 : index
          %get3A_209 = tpu.vector_load %arg12[%get3A_207, %get3A_208] {strides = array<i32>} : memref<80x256xf32, #tpu.memory_space<vmem>>, vector<1x16xf32>,
          %get3A_210 = vector.shape_cast %get3A_209 : vector<1x16xf32> to vector<16xf32>
          %add3A_211 = arith.addf %get3A_206, %get3A_210 : vector<16xf32>
          %max3A_212 = arith.constant 0.000000e+00 : f32
          %max3A_213 = vector.broadcast %max3A_212 : f32 to vector<16xf32>
          %max3A_214 = arith.maximumf %add3A_211, %max3A_213 : vector<16xf32>
          %get3A_215 = arith.constant 144 : index
          %get3A_216 = tpu.vector_load %arg13[%get3A_215] {strides = array<i32>} : memref<256xf32, #tpu.memory_space<vmem>>, vector<16xf32>,
          %get3A_217 = vector.shape_cast %get3A_216 : vector<16xf32> to vector<16xf32>
          %mul3A_218 = arith.mulf %max3A_214, %get3A_217 : vector<16xf32>
          %add3A_219 = arith.addf %add3A_202, %mul3A_218 : vector<16xf32>
          %get3A_220 = arith.index_cast %add3A_48 : i32 to index
          %get3A_221 = arith.constant 160 : index
          %get3A_222 = tpu.vector_load %arg11[%get3A_220, %get3A_221] {strides = array<i32>} : memref<80x256xf32, #tpu.memory_space<vmem>>, vector<1x16xf32>,
          %get3A_223 = vector.shape_cast %get3A_222 : vector<1x16xf32> to vector<16xf32>
          %get3A_224 = arith.index_cast %add3A_48 : i32 to index
          %get3A_225 = arith.constant 160 : index
          %get3A_226 = tpu.vector_load %arg12[%get3A_224, %get3A_225] {strides = array<i32>} : memref<80x256xf32, #tpu.memory_space<vmem>>, vector<1x16xf32>,
          %get3A_227 = vector.shape_cast %get3A_226 : vector<1x16xf32> to vector<16xf32>
          %add3A_228 = arith.addf %get3A_223, %get3A_227 : vector<16xf32>
          %max3A_229 = arith.constant 0.000000e+00 : f32
          %max3A_230 = vector.broadcast %max3A_229 : f32 to vector<16xf32>
          %max3A_231 = arith.maximumf %add3A_228, %max3A_230 : vector<16xf32>
          %get3A_232 = arith.constant 160 : index
          %get3A_233 = tpu.vector_load %arg13[%get3A_232] {strides = array<i32>} : memref<256xf32, #tpu.memory_space<vmem>>, vector<16xf32>,
          %get3A_234 = vector.shape_cast %get3A_233 : vector<16xf32> to vector<16xf32>
          %mul3A_235 = arith.mulf %max3A_231, %get3A_234 : vector<16xf32>
          %add3A_236 = arith.addf %add3A_219, %mul3A_235 : vector<16xf32>
          %get3A_237 = arith.index_cast %add3A_48 : i32 to index
          %get3A_238 = arith.constant 176 : index
          %get3A_239 = tpu.vector_load %arg11[%get3A_237, %get3A_238] {strides = array<i32>} : memref<80x256xf32, #tpu.memory_space<vmem>>, vector<1x16xf32>,
          %get3A_240 = vector.shape_cast %get3A_239 : vector<1x16xf32> to vector<16xf32>
          %get3A_241 = arith.index_cast %add3A_48 : i32 to index
          %get3A_242 = arith.constant 176 : index
          %get3A_243 = tpu.vector_load %arg12[%get3A_241, %get3A_242] {strides = array<i32>} : memref<80x256xf32, #tpu.memory_space<vmem>>, vector<1x16xf32>,
          %get3A_244 = vector.shape_cast %get3A_243 : vector<1x16xf32> to vector<16xf32>
          %add3A_245 = arith.addf %get3A_240, %get3A_244 : vector<16xf32>
          %max3A_246 = arith.constant 0.000000e+00 : f32
          %max3A_247 = vector.broadcast %max3A_246 : f32 to vector<16xf32>
          %max3A_248 = arith.maximumf %add3A_245, %max3A_247 : vector<16xf32>
          %get3A_249 = arith.constant 176 : index
          %get3A_250 = tpu.vector_load %arg13[%get3A_249] {strides = array<i32>} : memref<256xf32, #tpu.memory_space<vmem>>, vector<16xf32>,
          %get3A_251 = vector.shape_cast %get3A_250 : vector<16xf32> to vector<16xf32>
          %mul3A_252 = arith.mulf %max3A_248, %get3A_251 : vector<16xf32>
          %add3A_253 = arith.addf %add3A_236, %mul3A_252 : vector<16xf32>
          %get3A_254 = arith.index_cast %add3A_48 : i32 to index
          %get3A_255 = arith.constant 192 : index
          %get3A_256 = tpu.vector_load %arg11[%get3A_254, %get3A_255] {strides = array<i32>} : memref<80x256xf32, #tpu.memory_space<vmem>>, vector<1x16xf32>,
          %get3A_257 = vector.shape_cast %get3A_256 : vector<1x16xf32> to vector<16xf32>
          %get3A_258 = arith.index_cast %add3A_48 : i32 to index
          %get3A_259 = arith.constant 192 : index
          %get3A_260 = tpu.vector_load %arg12[%get3A_258, %get3A_259] {strides = array<i32>} : memref<80x256xf32, #tpu.memory_space<vmem>>, vector<1x16xf32>,
          %get3A_261 = vector.shape_cast %get3A_260 : vector<1x16xf32> to vector<16xf32>
          %add3A_262 = arith.addf %get3A_257, %get3A_261 : vector<16xf32>
          %max3A_263 = arith.constant 0.000000e+00 : f32
          %max3A_264 = vector.broadcast %max3A_263 : f32 to vector<16xf32>
          %max3A_265 = arith.maximumf %add3A_262, %max3A_264 : vector<16xf32>
          %get3A_266 = arith.constant 192 : index
          %get3A_267 = tpu.vector_load %arg13[%get3A_266] {strides = array<i32>} : memref<256xf32, #tpu.memory_space<vmem>>, vector<16xf32>,
          %get3A_268 = vector.shape_cast %get3A_267 : vector<16xf32> to vector<16xf32>
          %mul3A_269 = arith.mulf %max3A_265, %get3A_268 : vector<16xf32>
          %add3A_270 = arith.addf %add3A_253, %mul3A_269 : vector<16xf32>
          %get3A_271 = arith.index_cast %add3A_48 : i32 to index
          %get3A_272 = arith.constant 208 : index
          %get3A_273 = tpu.vector_load %arg11[%get3A_271, %get3A_272] {strides = array<i32>} : memref<80x256xf32, #tpu.memory_space<vmem>>, vector<1x16xf32>,
          %get3A_274 = vector.shape_cast %get3A_273 : vector<1x16xf32> to vector<16xf32>
          %get3A_275 = arith.index_cast %add3A_48 : i32 to index
          %get3A_276 = arith.constant 208 : index
          %get3A_277 = tpu.vector_load %arg12[%get3A_275, %get3A_276] {strides = array<i32>} : memref<80x256xf32, #tpu.memory_space<vmem>>, vector<1x16xf32>,
          %get3A_278 = vector.shape_cast %get3A_277 : vector<1x16xf32> to vector<16xf32>
          %add3A_279 = arith.addf %get3A_274, %get3A_278 : vector<16xf32>
          %max3A_280 = arith.constant 0.000000e+00 : f32
          %max3A_281 = vector.broadcast %max3A_280 : f32 to vector<16xf32>
          %max3A_282 = arith.maximumf %add3A_279, %max3A_281 : vector<16xf32>
          %get3A_283 = arith.constant 208 : index
          %get3A_284 = tpu.vector_load %arg13[%get3A_283] {strides = array<i32>} : memref<256xf32, #tpu.memory_space<vmem>>, vector<16xf32>,
          %get3A_285 = vector.shape_cast %get3A_284 : vector<16xf32> to vector<16xf32>
          %mul3A_286 = arith.mulf %max3A_282, %get3A_285 : vector<16xf32>
          %add3A_287 = arith.addf %add3A_270, %mul3A_286 : vector<16xf32>
          %get3A_288 = arith.index_cast %add3A_48 : i32 to index
          %get3A_289 = arith.constant 224 : index
          %get3A_290 = tpu.vector_load %arg11[%get3A_288, %get3A_289] {strides = array<i32>} : memref<80x256xf32, #tpu.memory_space<vmem>>, vector<1x16xf32>,
          %get3A_291 = vector.shape_cast %get3A_290 : vector<1x16xf32> to vector<16xf32>
          %get3A_292 = arith.index_cast %add3A_48 : i32 to index
          %get3A_293 = arith.constant 224 : index
          %get3A_294 = tpu.vector_load %arg12[%get3A_292, %get3A_293] {strides = array<i32>} : memref<80x256xf32, #tpu.memory_space<vmem>>, vector<1x16xf32>,
          %get3A_295 = vector.shape_cast %get3A_294 : vector<1x16xf32> to vector<16xf32>
          %add3A_296 = arith.addf %get3A_291, %get3A_295 : vector<16xf32>
          %max3A_297 = arith.constant 0.000000e+00 : f32
          %max3A_298 = vector.broadcast %max3A_297 : f32 to vector<16xf32>
          %max3A_299 = arith.maximumf %add3A_296, %max3A_298 : vector<16xf32>
          %get3A_300 = arith.constant 224 : index
          %get3A_301 = tpu.vector_load %arg13[%get3A_300] {strides = array<i32>} : memref<256xf32, #tpu.memory_space<vmem>>, vector<16xf32>,
          %get3A_302 = vector.shape_cast %get3A_301 : vector<16xf32> to vector<16xf32>
          %mul3A_303 = arith.mulf %max3A_299, %get3A_302 : vector<16xf32>
          %add3A_304 = arith.addf %add3A_287, %mul3A_303 : vector<16xf32>
          %get3A_305 = arith.index_cast %add3A_48 : i32 to index
          %get3A_306 = arith.constant 240 : index
          %get3A_307 = tpu.vector_load %arg11[%get3A_305, %get3A_306] {strides = array<i32>} : memref<80x256xf32, #tpu.memory_space<vmem>>, vector<1x16xf32>,
          %get3A_308 = vector.shape_cast %get3A_307 : vector<1x16xf32> to vector<16xf32>
          %get3A_309 = arith.index_cast %add3A_48 : i32 to index
          %get3A_310 = arith.constant 240 : index
          %get3A_311 = tpu.vector_load %arg12[%get3A_309, %get3A_310] {strides = array<i32>} : memref<80x256xf32, #tpu.memory_space<vmem>>, vector<1x16xf32>,
          %get3A_312 = vector.shape_cast %get3A_311 : vector<1x16xf32> to vector<16xf32>
          %add3A_313 = arith.addf %get3A_308, %get3A_312 : vector<16xf32>
          %max3A_314 = arith.constant 0.000000e+00 : f32
          %max3A_315 = vector.broadcast %max3A_314 : f32 to vector<16xf32>
          %max3A_316 = arith.maximumf %add3A_313, %max3A_315 : vector<16xf32>
          %get3A_317 = arith.constant 240 : index
          %get3A_318 = tpu.vector_load %arg13[%get3A_317] {strides = array<i32>} : memref<256xf32, #tpu.memory_space<vmem>>, vector<16xf32>,
          %get3A_319 = vector.shape_cast %get3A_318 : vector<16xf32> to vector<16xf32>
          %mul3A_320 = arith.mulf %max3A_316, %get3A_319 : vector<16xf32>
          %add3A_321 = arith.addf %add3A_304, %mul3A_320 : vector<16xf32>
          %iota3A_322 = tpu.iota {dimensions = array<i32: 0>} : vector<16xi32>
          %xor3A = arith.constant 8 : i32
          %xor3A_323 = vector.broadcast %xor3A : i32 to vector<16xi32>
          %xor3A_324 = arith.xori %iota3A_322, %xor3A_323 : vector<16xi32>
          %broadcast_in_dim3A_325 = vector.shape_cast %xor3A_324 : vector<16xi32> to vector<16x1xi32>
          %gather3A = vector.shape_cast %broadcast_in_dim3A_325 : vector<16x1xi32> to vector<16xi32>
          %gather3A_326 = tpu.dynamic_gather %add3A_321[%gather3A] in [0] : vector<16xf32>, vector<16xi32> -> vector<16xf32>
          %add3A_327 = arith.addf %add3A_321, %gather3A_326 : vector<16xf32>
          %xor3A_328 = arith.constant 4 : i32
          %xor3A_329 = vector.broadcast %xor3A_328 : i32 to vector<16xi32>
          %xor3A_330 = arith.xori %iota3A_322, %xor3A_329 : vector<16xi32>
          %broadcast_in_dim3A_331 = vector.shape_cast %xor3A_330 : vector<16xi32> to vector<16x1xi32>
          %gather3A_332 = vector.shape_cast %broadcast_in_dim3A_331 : vector<16x1xi32> to vector<16xi32>
          %gather3A_333 = tpu.dynamic_gather %add3A_327[%gather3A_332] in [0] : vector<16xf32>, vector<16xi32> -> vector<16xf32>
          %add3A_334 = arith.addf %add3A_327, %gather3A_333 : vector<16xf32>
          %xor3A_335 = arith.constant 2 : i32
          %xor3A_336 = vector.broadcast %xor3A_335 : i32 to vector<16xi32>
          %xor3A_337 = arith.xori %iota3A_322, %xor3A_336 : vector<16xi32>
          %broadcast_in_dim3A_338 = vector.shape_cast %xor3A_337 : vector<16xi32> to vector<16x1xi32>
          %gather3A_339 = vector.shape_cast %broadcast_in_dim3A_338 : vector<16x1xi32> to vector<16xi32>
          %gather3A_340 = tpu.dynamic_gather %add3A_334[%gather3A_339] in [0] : vector<16xf32>, vector<16xi32> -> vector<16xf32>
          %add3A_341 = arith.addf %add3A_334, %gather3A_340 : vector<16xf32>
          %xor3A_342 = arith.constant 1 : i32
          %xor3A_343 = vector.broadcast %xor3A_342 : i32 to vector<16xi32>
          %xor3A_344 = arith.xori %iota3A_322, %xor3A_343 : vector<16xi32>
          %broadcast_in_dim3A_345 = vector.shape_cast %xor3A_344 : vector<16xi32> to vector<16x1xi32>
          %gather3A_346 = vector.shape_cast %broadcast_in_dim3A_345 : vector<16x1xi32> to vector<16xi32>
          %gather3A_347 = tpu.dynamic_gather %add3A_341[%gather3A_346] in [0] : vector<16xf32>, vector<16xi32> -> vector<16xf32>
          %add3A_348 = arith.addf %add3A_341, %gather3A_347 : vector<16xf32>
          %eq3A = vector.broadcast %scan3A_44 : i32 to vector<16xi32>
          %eq3A_349 = arith.cmpi eq, %iota3A, %eq3A : vector<16xi32>
          %select_n3A = arith.select %eq3A_349, %add3A_348, %scan3A_45 : vector<16xi1>, vector<16xf32>
          scf.yield %select_n3A : vector<16xf32>
        }
        %scan3A_35 = arith.constant 16 : i32
        %get3A = arith.constant 0 : index
        %get3A_36 = tpu.vector_load %arg14[%get3A] {strides = array<i32>} : memref<16xf32, #tpu.memory_space<vmem>>, vector<16xf32>,
        %get3A_37 = vector.shape_cast %get3A_36 : vector<16xf32> to vector<16xf32>
        %add3A_38 = arith.addf %scan3A_34, %get3A_37 : vector<16xf32>
        %mul3A_39 = arith.constant 16 : i32
        %mul3A_40 = arith.muli %scan3A_28, %mul3A_39 : i32
        %swap3A = arith.index_cast %mul3A_40 : i32 to index
        %swap3A_41 = tpu.vector_load %arg15[%swap3A] {strides = array<i32>} : memref<80xf32, #tpu.memory_space<vmem>>, vector<16xf32>,
        %swap3A_42 = vector.shape_cast %swap3A_41 : vector<16xf32> to vector<16xf32>
        %swap3A_43 = vector.shape_cast %add3A_38 : vector<16xf32> to vector<16xf32>
        tpu.vector_store %arg15[%swap3A], %swap3A_43 {strides = array<i32>} : memref<80xf32, #tpu.memory_space<vmem>>, vector<16xf32>,
      }
      %scan3A_27 = arith.constant 5 : i32
      "tpu.region"() ({
        %run_scoped3A = tpu.sem_alloc : memref<!tpu.dma_semaphore, #tpu.memory_space<semaphore_mem>>
        %dma_start3A_28 = tpu.memref_slice %arg8[%add3A_11] : memref<320000xf32, #tpu.memory_space<hbm>> -> memref<80xf32, #tpu.memory_space<hbm>>
        %dma_start3A_29 = tpu.memref_slice %arg8[%add3A_11] : memref<320000xf32, #tpu.memory_space<hbm>> -> memref<80xf32, #tpu.memory_space<hbm>>
        tpu.enqueue_dma source(%arg15 : memref<80xf32, #tpu.memory_space<vmem>>) target(%dma_start3A_29 : memref<80xf32, #tpu.memory_space<hbm>>) target_semaphore(%run_scoped3A : memref<!tpu.dma_semaphore, #tpu.memory_space<semaphore_mem>>)
        %dma_wait3A_30 = tpu.memref_slice %arg8[%add3A_11] : memref<320000xf32, #tpu.memory_space<hbm>> -> memref<80xf32, #tpu.memory_space<hbm>>
        %dma_wait3A_31 = tpu.memref_slice %arg8[%add3A_11] : memref<320000xf32, #tpu.memory_space<hbm>> -> memref<80xf32, #tpu.memory_space<hbm>>
        tpu.wait_dma2 semaphore(%run_scoped3A : memref<!tpu.dma_semaphore, #tpu.memory_space<semaphore_mem>>) src(%arg15 : memref<80xf32, #tpu.memory_space<vmem>>) dst(%dma_wait3A_31 : memref<80xf32, #tpu.memory_space<hbm>>)
        tpu.yield
      }) : () -> ()
    }
    %scan3A_7 = arith.constant 125 : i32
    return
  }
}

module attributes {stable_mosaic.version = 14 : i64} {
  func.func @_k1_body(%arg0: i32, %arg1: memref<1000x128xf32, #tpu.memory_space<vmem>>, %arg2: memref<128x128xf32, #tpu.memory_space<vmem>>, %arg3: memref<128x16xf32, #tpu.memory_space<vmem>>, %arg4: memref<128x16xf32, #tpu.memory_space<vmem>>, %arg5: memref<1000x128xf32, #tpu.memory_space<vmem>>, %arg6: memref<1000x16xf32, #tpu.memory_space<vmem>>, %arg7: memref<1000x16xf32, #tpu.memory_space<vmem>>) attributes {dimension_semantics = [#tpu.dimension_semantics<arbitrary>], iteration_bounds = array<i64: 10>, scalar_prefetch = 0 : i64, scratch_operands = 0 : i64, tpu.core_type = #tpu.core_type<tc>, window_params = [{transform_indices = @transform_0, window_bounds = array<i64: 1000, 128>}, {pipeline_mode = #tpu.pipeline_mode<synchronous>, transform_indices = @transform_1, window_bounds = array<i64: 128, 128>}, {pipeline_mode = #tpu.pipeline_mode<synchronous>, transform_indices = @transform_2, window_bounds = array<i64: 128, 16>}, {pipeline_mode = #tpu.pipeline_mode<synchronous>, transform_indices = @transform_3, window_bounds = array<i64: 128, 16>}, {transform_indices = @transform_4, window_bounds = array<i64: 1000, 128>}, {transform_indices = @transform_5, window_bounds = array<i64: 1000, 16>}, {transform_indices = @transform_6, window_bounds = array<i64: 1000, 16>}]} {
    %get3A = arith.constant 0 : index
    %get3A_0 = arith.constant 0 : index
    %get3A_1 = vector.load %arg1[%get3A, %get3A_0] : memref<1000x128xf32, #tpu.memory_space<vmem>>, vector<1000x128xf32>
    %get3A_2 = arith.constant 0 : index
    %get3A_3 = arith.constant 0 : index
    %get3A_4 = vector.load %arg2[%get3A_2, %get3A_3] : memref<128x128xf32, #tpu.memory_space<vmem>>, vector<128x128xf32>
    %dot_general3A = arith.constant dense<0.000000e+00> : vector<1000x128xf32>
    %dot_general3A_5 = tpu.matmul %get3A_1, %get3A_4, %dot_general3A {dimension_numbers = #tpu.dot_dimension_numbers<[1], [0], [0], [1], [0, 0, 1, 1], [], []>, transpose_lhs_hint = false} : vector<1000x128xf32>, vector<128x128xf32>, vector<1000x128xf32> -> vector<1000x128xf32>
    %swap3A = arith.constant 0 : index
    %swap3A_6 = arith.constant 0 : index
    %swap3A_7 = vector.load %arg5[%swap3A, %swap3A_6] : memref<1000x128xf32, #tpu.memory_space<vmem>>, vector<1000x128xf32>
    tpu.vector_store %arg5[%swap3A, %swap3A_6], %dot_general3A_5 {strides = array<i32>} : memref<1000x128xf32, #tpu.memory_space<vmem>>, vector<1000x128xf32>,
    %get3A_8 = arith.constant 0 : index
    %get3A_9 = arith.constant 0 : index
    %get3A_10 = vector.load %arg3[%get3A_8, %get3A_9] : memref<128x16xf32, #tpu.memory_space<vmem>>, vector<128x16xf32>
    %dot_general3A_11 = arith.constant dense<0.000000e+00> : vector<1000x16xf32>
    %dot_general3A_12 = tpu.matmul %dot_general3A_5, %get3A_10, %dot_general3A_11 {dimension_numbers = #tpu.dot_dimension_numbers<[1], [0], [0], [1], [0, 0, 1, 1], [], []>, transpose_lhs_hint = false} : vector<1000x128xf32>, vector<128x16xf32>, vector<1000x16xf32> -> vector<1000x16xf32>
    %swap3A_13 = arith.constant 0 : index
    %swap3A_14 = arith.constant 0 : index
    %swap3A_15 = vector.load %arg6[%swap3A_13, %swap3A_14] : memref<1000x16xf32, #tpu.memory_space<vmem>>, vector<1000x16xf32>
    tpu.vector_store %arg6[%swap3A_13, %swap3A_14], %dot_general3A_12 {strides = array<i32>} : memref<1000x16xf32, #tpu.memory_space<vmem>>, vector<1000x16xf32>,
    %get3A_16 = arith.constant 0 : index
    %get3A_17 = arith.constant 0 : index
    %get3A_18 = vector.load %arg4[%get3A_16, %get3A_17] : memref<128x16xf32, #tpu.memory_space<vmem>>, vector<128x16xf32>
    %dot_general3A_19 = arith.constant dense<0.000000e+00> : vector<1000x16xf32>
    %dot_general3A_20 = tpu.matmul %dot_general3A_5, %get3A_18, %dot_general3A_19 {dimension_numbers = #tpu.dot_dimension_numbers<[1], [0], [0], [1], [0, 0, 1, 1], [], []>, transpose_lhs_hint = false} : vector<1000x128xf32>, vector<128x16xf32>, vector<1000x16xf32> -> vector<1000x16xf32>
    %swap3A_21 = arith.constant 0 : index
    %swap3A_22 = arith.constant 0 : index
    %swap3A_23 = vector.load %arg7[%swap3A_21, %swap3A_22] : memref<1000x16xf32, #tpu.memory_space<vmem>>, vector<1000x16xf32>
    tpu.vector_store %arg7[%swap3A_21, %swap3A_22], %dot_general3A_20 {strides = array<i32>} : memref<1000x16xf32, #tpu.memory_space<vmem>>, vector<1000x16xf32>,
    return
  }
  func.func @transform_0(%arg0: i32) -> (i32, i32) {
    %c0_i32 = arith.constant 0 : i32
    %c0_i32_0 = arith.constant 0 : i32
    return %arg0, %c0_i32 : i32, i32
  }
  func.func @transform_1(%arg0: i32) -> (i32, i32) {
    %c0_i32 = arith.constant 0 : i32
    %c0_i32_0 = arith.constant 0 : i32
    %c0_i32_1 = arith.constant 0 : i32
    return %c0_i32, %c0_i32_0 : i32, i32
  }
  func.func @transform_2(%arg0: i32) -> (i32, i32) {
    %c0_i32 = arith.constant 0 : i32
    %c0_i32_0 = arith.constant 0 : i32
    %c0_i32_1 = arith.constant 0 : i32
    return %c0_i32, %c0_i32_0 : i32, i32
  }
  func.func @transform_3(%arg0: i32) -> (i32, i32) {
    %c0_i32 = arith.constant 0 : i32
    %c0_i32_0 = arith.constant 0 : i32
    %c0_i32_1 = arith.constant 0 : i32
    return %c0_i32, %c0_i32_0 : i32, i32
  }
  func.func @transform_4(%arg0: i32) -> (i32, i32) {
    %c0_i32 = arith.constant 0 : i32
    %c0_i32_0 = arith.constant 0 : i32
    return %arg0, %c0_i32 : i32, i32
  }
  func.func @transform_5(%arg0: i32) -> (i32, i32) {
    %c0_i32 = arith.constant 0 : i32
    %c0_i32_0 = arith.constant 0 : i32
    return %arg0, %c0_i32 : i32, i32
  }
  func.func @transform_6(%arg0: i32) -> (i32, i32) {
    %c0_i32 = arith.constant 0 : i32
    %c0_i32_0 = arith.constant 0 : i32
    return %arg0, %c0_i32 : i32, i32
  }
}

module attributes {stable_mosaic.version = 14 : i64} {
  func.func @_k2_body(%arg0: i32, %arg1: memref<2x1000x128xf32, #tpu.memory_space<vmem>>, %arg2: memref<2x1000x16xf32, #tpu.memory_space<vmem>>, %arg3: memref<1000x128xf32, #tpu.memory_space<vmem>>, %arg4: memref<1000x16xf32, #tpu.memory_space<vmem>>, %arg5: memref<1x128xf32, #tpu.memory_space<vmem>>, %arg6: memref<8x128xf32, #tpu.memory_space<vmem>>, %arg7: memref<128x128xf32, #tpu.memory_space<vmem>>, %arg8: memref<128x16xf32, #tpu.memory_space<vmem>>, %arg9: memref<128x16xf32, #tpu.memory_space<vmem>>, %arg10: memref<1000x128xf32, #tpu.memory_space<vmem>>, %arg11: memref<1000x16xf32, #tpu.memory_space<vmem>>, %arg12: memref<1000x16xf32, #tpu.memory_space<vmem>>) attributes {dimension_semantics = [#tpu.dimension_semantics<arbitrary>], iteration_bounds = array<i64: 10>, scalar_prefetch = 0 : i64, scratch_operands = 0 : i64, tpu.core_type = #tpu.core_type<tc>, window_params = [{transform_indices = @transform_0, window_bounds = array<i64: 2, 1000, 128>}, {transform_indices = @transform_1, window_bounds = array<i64: 2, 1000, 16>}, {transform_indices = @transform_2, window_bounds = array<i64: 1000, 128>}, {transform_indices = @transform_3, window_bounds = array<i64: 1000, 16>}, {pipeline_mode = #tpu.pipeline_mode<synchronous>, transform_indices = @transform_4, window_bounds = array<i64: 1, 128>}, {pipeline_mode = #tpu.pipeline_mode<synchronous>, transform_indices = @transform_5, window_bounds = array<i64: 8, 128>}, {pipeline_mode = #tpu.pipeline_mode<synchronous>, transform_indices = @transform_6, window_bounds = array<i64: 128, 128>}, {pipeline_mode = #tpu.pipeline_mode<synchronous>, transform_indices = @transform_7, window_bounds = array<i64: 128, 16>}, {pipeline_mode = #tpu.pipeline_mode<synchronous>, transform_indices = @transform_8, window_bounds = array<i64: 128, 16>}, {transform_indices = @transform_9, window_bounds = array<i64: 1000, 128>}, {transform_indices = @transform_10, window_bounds = array<i64: 1000, 16>}, {transform_indices = @transform_11, window_bounds = array<i64: 1000, 16>}]} {
    %get3A = arith.constant 0 : index
    %get3A_0 = arith.constant 0 : index
    %get3A_1 = vector.load %arg4[%get3A, %get3A_0] : memref<1000x16xf32, #tpu.memory_space<vmem>>, vector<1000x16xf32>
    %slice3A = vector.extract_strided_slice %get3A_1 {offsets = [0, 0], sizes = [1000, 8], strides = [1, 1]} : vector<1000x16xf32> to vector<1000x8xf32>
    %slice3A_2 = vector.extract_strided_slice %get3A_1 {offsets = [0, 8], sizes = [1000, 8], strides = [1, 1]} : vector<1000x16xf32> to vector<1000x8xf32>
    %add3A = arith.addf %slice3A, %slice3A_2 : vector<1000x8xf32>
    %ge3A = arith.constant 0.000000e+00 : f32
    %ge3A_3 = vector.broadcast %ge3A : f32 to vector<1000x8xf32>
    %ge3A_4 = arith.cmpf oge, %add3A, %ge3A_3 : vector<1000x8xf32>
    %mul3A = arith.constant 2.000000e-01 : f32
    %mul3A_5 = vector.broadcast %mul3A : f32 to vector<1000x8xf32>
    %mul3A_6 = arith.mulf %mul3A_5, %add3A : vector<1000x8xf32>
    %select_n3A = arith.select %ge3A_4, %add3A, %mul3A_6 : vector<1000x8xi1>, vector<1000x8xf32>
    %exp3A = math.exp %select_n3A : vector<1000x8xf32>
    %get3A_7 = arith.constant 0 : index
    %get3A_8 = arith.constant 0 : index
    %get3A_9 = vector.load %arg6[%get3A_7, %get3A_8] : memref<8x128xf32, #tpu.memory_space<vmem>>, vector<8x128xf32>
    %dot_general3A = arith.constant dense<0.000000e+00> : vector<1000x128xf32>
    %dot_general3A_10 = tpu.matmul %exp3A, %get3A_9, %dot_general3A {dimension_numbers = #tpu.dot_dimension_numbers<[1], [0], [0], [1], [0, 0, 1, 1], [], []>, transpose_lhs_hint = false} : vector<1000x8xf32>, vector<8x128xf32>, vector<1000x128xf32> -> vector<1000x128xf32>
    %get3A_11 = arith.constant 0 : index
    %get3A_12 = arith.constant 0 : index
    %get3A_13 = arith.constant 0 : index
    %get3A_14 = vector.load %arg1[%get3A_11, %get3A_12, %get3A_13] : memref<2x1000x128xf32, #tpu.memory_space<vmem>>, vector<1x1000x128xf32>
    %get3A_15 = vector.shape_cast %get3A_14 : vector<1x1000x128xf32> to vector<1000x128xf32>
    %get3A_16 = arith.constant 1 : index
    %get3A_17 = arith.constant 0 : index
    %get3A_18 = arith.constant 0 : index
    %get3A_19 = vector.load %arg1[%get3A_16, %get3A_17, %get3A_18] : memref<2x1000x128xf32, #tpu.memory_space<vmem>>, vector<1x1000x128xf32>
    %get3A_20 = vector.shape_cast %get3A_19 : vector<1x1000x128xf32> to vector<1000x128xf32>
    %add3A_21 = arith.addf %get3A_15, %get3A_20 : vector<1000x128xf32>
    %get3A_22 = arith.constant 0 : index
    %get3A_23 = arith.constant 0 : index
    %get3A_24 = vector.load %arg3[%get3A_22, %get3A_23] : memref<1000x128xf32, #tpu.memory_space<vmem>>, vector<1000x128xf32>
    %mul3A_25 = arith.mulf %get3A_24, %dot_general3A_10 : vector<1000x128xf32>
    %add3A_26 = arith.addf %add3A_21, %mul3A_25 : vector<1000x128xf32>
    %get3A_27 = arith.constant 0 : index
    %get3A_28 = arith.constant 0 : index
    %get3A_29 = arith.constant 0 : index
    %get3A_30 = vector.load %arg2[%get3A_27, %get3A_28, %get3A_29] : memref<2x1000x16xf32, #tpu.memory_space<vmem>>, vector<1x1000x16xf32>
    %get3A_31 = vector.shape_cast %get3A_30 : vector<1x1000x16xf32> to vector<1000x16xf32>
    %slice3A_32 = vector.extract_strided_slice %get3A_31 {offsets = [0, 0], sizes = [1000, 8], strides = [1, 1]} : vector<1000x16xf32> to vector<1000x8xf32>
    %get3A_33 = arith.constant 1 : index
    %get3A_34 = arith.constant 0 : index
    %get3A_35 = arith.constant 0 : index
    %get3A_36 = vector.load %arg2[%get3A_33, %get3A_34, %get3A_35] : memref<2x1000x16xf32, #tpu.memory_space<vmem>>, vector<1x1000x16xf32>
    %get3A_37 = vector.shape_cast %get3A_36 : vector<1x1000x16xf32> to vector<1000x16xf32>
    %slice3A_38 = vector.extract_strided_slice %get3A_37 {offsets = [0, 0], sizes = [1000, 8], strides = [1, 1]} : vector<1000x16xf32> to vector<1000x8xf32>
    %add3A_39 = arith.addf %slice3A_32, %slice3A_38 : vector<1000x8xf32>
    %add3A_40 = arith.addf %add3A_39, %exp3A : vector<1000x8xf32>
    %dot_general3A_41 = arith.constant dense<0.000000e+00> : vector<1000x128xf32>
    %dot_general3A_42 = tpu.matmul %add3A_40, %get3A_9, %dot_general3A_41 {dimension_numbers = #tpu.dot_dimension_numbers<[1], [0], [0], [1], [0, 0, 1, 1], [], []>, transpose_lhs_hint = false} : vector<1000x8xf32>, vector<8x128xf32>, vector<1000x128xf32> -> vector<1000x128xf32>
    %add3A_43 = arith.constant 1.000000e-16 : f32
    %add3A_44 = vector.broadcast %add3A_43 : f32 to vector<1000x128xf32>
    %add3A_45 = arith.addf %dot_general3A_42, %add3A_44 : vector<1000x128xf32>
    %div3A = arith.divf %add3A_26, %add3A_45 : vector<1000x128xf32>
    %get3A_46 = arith.constant 0 : index
    %get3A_47 = arith.constant 0 : index
    %get3A_48 = vector.load %arg5[%get3A_46, %get3A_47] : memref<1x128xf32, #tpu.memory_space<vmem>>, vector<1x128xf32>
    %add3A_49 = vector.broadcast %get3A_48 : vector<1x128xf32> to vector<1000x128xf32>
    %add3A_50 = arith.addf %div3A, %add3A_49 : vector<1000x128xf32>
    %max3A = arith.constant 0.000000e+00 : f32
    %max3A_51 = vector.broadcast %max3A : f32 to vector<1000x128xf32>
    %max3A_52 = arith.maximumf %add3A_50, %max3A_51 : vector<1000x128xf32>
    %get3A_53 = arith.constant 0 : index
    %get3A_54 = arith.constant 0 : index
    %get3A_55 = vector.load %arg7[%get3A_53, %get3A_54] : memref<128x128xf32, #tpu.memory_space<vmem>>, vector<128x128xf32>
    %dot_general3A_56 = arith.constant dense<0.000000e+00> : vector<1000x128xf32>
    %dot_general3A_57 = tpu.matmul %max3A_52, %get3A_55, %dot_general3A_56 {dimension_numbers = #tpu.dot_dimension_numbers<[1], [0], [0], [1], [0, 0, 1, 1], [], []>, transpose_lhs_hint = false} : vector<1000x128xf32>, vector<128x128xf32>, vector<1000x128xf32> -> vector<1000x128xf32>
    %swap3A = arith.constant 0 : index
    %swap3A_58 = arith.constant 0 : index
    %swap3A_59 = vector.load %arg10[%swap3A, %swap3A_58] : memref<1000x128xf32, #tpu.memory_space<vmem>>, vector<1000x128xf32>
    tpu.vector_store %arg10[%swap3A, %swap3A_58], %dot_general3A_57 {strides = array<i32>} : memref<1000x128xf32, #tpu.memory_space<vmem>>, vector<1000x128xf32>,
    %get3A_60 = arith.constant 0 : index
    %get3A_61 = arith.constant 0 : index
    %get3A_62 = vector.load %arg8[%get3A_60, %get3A_61] : memref<128x16xf32, #tpu.memory_space<vmem>>, vector<128x16xf32>
    %dot_general3A_63 = arith.constant dense<0.000000e+00> : vector<1000x16xf32>
    %dot_general3A_64 = tpu.matmul %dot_general3A_57, %get3A_62, %dot_general3A_63 {dimension_numbers = #tpu.dot_dimension_numbers<[1], [0], [0], [1], [0, 0, 1, 1], [], []>, transpose_lhs_hint = false} : vector<1000x128xf32>, vector<128x16xf32>, vector<1000x16xf32> -> vector<1000x16xf32>
    %swap3A_65 = arith.constant 0 : index
    %swap3A_66 = arith.constant 0 : index
    %swap3A_67 = vector.load %arg11[%swap3A_65, %swap3A_66] : memref<1000x16xf32, #tpu.memory_space<vmem>>, vector<1000x16xf32>
    tpu.vector_store %arg11[%swap3A_65, %swap3A_66], %dot_general3A_64 {strides = array<i32>} : memref<1000x16xf32, #tpu.memory_space<vmem>>, vector<1000x16xf32>,
    %get3A_68 = arith.constant 0 : index
    %get3A_69 = arith.constant 0 : index
    %get3A_70 = vector.load %arg9[%get3A_68, %get3A_69] : memref<128x16xf32, #tpu.memory_space<vmem>>, vector<128x16xf32>
    %dot_general3A_71 = arith.constant dense<0.000000e+00> : vector<1000x16xf32>
    %dot_general3A_72 = tpu.matmul %dot_general3A_57, %get3A_70, %dot_general3A_71 {dimension_numbers = #tpu.dot_dimension_numbers<[1], [0], [0], [1], [0, 0, 1, 1], [], []>, transpose_lhs_hint = false} : vector<1000x128xf32>, vector<128x16xf32>, vector<1000x16xf32> -> vector<1000x16xf32>
    %swap3A_73 = arith.constant 0 : index
    %swap3A_74 = arith.constant 0 : index
    %swap3A_75 = vector.load %arg12[%swap3A_73, %swap3A_74] : memref<1000x16xf32, #tpu.memory_space<vmem>>, vector<1000x16xf32>
    tpu.vector_store %arg12[%swap3A_73, %swap3A_74], %dot_general3A_72 {strides = array<i32>} : memref<1000x16xf32, #tpu.memory_space<vmem>>, vector<1000x16xf32>,
    return
  }
  func.func @transform_0(%arg0: i32) -> (i32, i32, i32) {
    %c0_i32 = arith.constant 0 : i32
    %c0_i32_0 = arith.constant 0 : i32
    %c0_i32_1 = arith.constant 0 : i32
    return %c0_i32, %arg0, %c0_i32_0 : i32, i32, i32
  }
  func.func @transform_1(%arg0: i32) -> (i32, i32, i32) {
    %c0_i32 = arith.constant 0 : i32
    %c0_i32_0 = arith.constant 0 : i32
    %c0_i32_1 = arith.constant 0 : i32
    return %c0_i32, %arg0, %c0_i32_0 : i32, i32, i32
  }
  func.func @transform_2(%arg0: i32) -> (i32, i32) {
    %c0_i32 = arith.constant 0 : i32
    %c0_i32_0 = arith.constant 0 : i32
    return %arg0, %c0_i32 : i32, i32
  }
  func.func @transform_3(%arg0: i32) -> (i32, i32) {
    %c0_i32 = arith.constant 0 : i32
    %c0_i32_0 = arith.constant 0 : i32
    return %arg0, %c0_i32 : i32, i32
  }
  func.func @transform_4(%arg0: i32) -> (i32, i32) {
    %c0_i32 = arith.constant 0 : i32
    %c0_i32_0 = arith.constant 0 : i32
    %c0_i32_1 = arith.constant 0 : i32
    return %c0_i32, %c0_i32_0 : i32, i32
  }
  func.func @transform_5(%arg0: i32) -> (i32, i32) {
    %c0_i32 = arith.constant 0 : i32
    %c0_i32_0 = arith.constant 0 : i32
    %c0_i32_1 = arith.constant 0 : i32
    return %c0_i32, %c0_i32_0 : i32, i32
  }
  func.func @transform_6(%arg0: i32) -> (i32, i32) {
    %c0_i32 = arith.constant 0 : i32
    %c0_i32_0 = arith.constant 0 : i32
    %c0_i32_1 = arith.constant 0 : i32
    return %c0_i32, %c0_i32_0 : i32, i32
  }
  func.func @transform_7(%arg0: i32) -> (i32, i32) {
    %c0_i32 = arith.constant 0 : i32
    %c0_i32_0 = arith.constant 0 : i32
    %c0_i32_1 = arith.constant 0 : i32
    return %c0_i32, %c0_i32_0 : i32, i32
  }
  func.func @transform_8(%arg0: i32) -> (i32, i32) {
    %c0_i32 = arith.constant 0 : i32
    %c0_i32_0 = arith.constant 0 : i32
    %c0_i32_1 = arith.constant 0 : i32
    return %c0_i32, %c0_i32_0 : i32, i32
  }
  func.func @transform_9(%arg0: i32) -> (i32, i32) {
    %c0_i32 = arith.constant 0 : i32
    %c0_i32_0 = arith.constant 0 : i32
    return %arg0, %c0_i32 : i32, i32
  }
  func.func @transform_10(%arg0: i32) -> (i32, i32) {
    %c0_i32 = arith.constant 0 : i32
    %c0_i32_0 = arith.constant 0 : i32
    return %arg0, %c0_i32 : i32, i32
  }
  func.func @transform_11(%arg0: i32) -> (i32, i32) {
    %c0_i32 = arith.constant 0 : i32
    %c0_i32_0 = arith.constant 0 : i32
    return %arg0, %c0_i32 : i32, i32
  }
}

module attributes {stable_mosaic.version = 14 : i64} {
  func.func @_k3_body(%arg0: i32, %arg1: memref<2x1000x128xf32, #tpu.memory_space<vmem>>, %arg2: memref<2x1000x16xf32, #tpu.memory_space<vmem>>, %arg3: memref<1000x128xf32, #tpu.memory_space<vmem>>, %arg4: memref<1000x16xf32, #tpu.memory_space<vmem>>, %arg5: memref<1x128xf32, #tpu.memory_space<vmem>>, %arg6: memref<8x128xf32, #tpu.memory_space<vmem>>, %arg7: memref<128x256xf32, #tpu.memory_space<vmem>>, %arg8: memref<128x256xf32, #tpu.memory_space<vmem>>, %arg9: memref<1x256xf32, #tpu.memory_space<vmem>>, %arg10: memref<1000x256xf32, #tpu.memory_space<vmem>>, %arg11: memref<1000x256xf32, #tpu.memory_space<vmem>>) attributes {dimension_semantics = [#tpu.dimension_semantics<arbitrary>], iteration_bounds = array<i64: 10>, scalar_prefetch = 0 : i64, scratch_operands = 0 : i64, tpu.core_type = #tpu.core_type<tc>, window_params = [{transform_indices = @transform_0, window_bounds = array<i64: 2, 1000, 128>}, {transform_indices = @transform_1, window_bounds = array<i64: 2, 1000, 16>}, {transform_indices = @transform_2, window_bounds = array<i64: 1000, 128>}, {transform_indices = @transform_3, window_bounds = array<i64: 1000, 16>}, {pipeline_mode = #tpu.pipeline_mode<synchronous>, transform_indices = @transform_4, window_bounds = array<i64: 1, 128>}, {pipeline_mode = #tpu.pipeline_mode<synchronous>, transform_indices = @transform_5, window_bounds = array<i64: 8, 128>}, {pipeline_mode = #tpu.pipeline_mode<synchronous>, transform_indices = @transform_6, window_bounds = array<i64: 128, 256>}, {pipeline_mode = #tpu.pipeline_mode<synchronous>, transform_indices = @transform_7, window_bounds = array<i64: 128, 256>}, {pipeline_mode = #tpu.pipeline_mode<synchronous>, transform_indices = @transform_8, window_bounds = array<i64: 1, 256>}, {transform_indices = @transform_9, window_bounds = array<i64: 1000, 256>}, {transform_indices = @transform_10, window_bounds = array<i64: 1000, 256>}]} {
    %get3A = arith.constant 0 : index
    %get3A_0 = arith.constant 0 : index
    %get3A_1 = vector.load %arg4[%get3A, %get3A_0] : memref<1000x16xf32, #tpu.memory_space<vmem>>, vector<1000x16xf32>
    %slice3A = vector.extract_strided_slice %get3A_1 {offsets = [0, 0], sizes = [1000, 8], strides = [1, 1]} : vector<1000x16xf32> to vector<1000x8xf32>
    %slice3A_2 = vector.extract_strided_slice %get3A_1 {offsets = [0, 8], sizes = [1000, 8], strides = [1, 1]} : vector<1000x16xf32> to vector<1000x8xf32>
    %add3A = arith.addf %slice3A, %slice3A_2 : vector<1000x8xf32>
    %ge3A = arith.constant 0.000000e+00 : f32
    %ge3A_3 = vector.broadcast %ge3A : f32 to vector<1000x8xf32>
    %ge3A_4 = arith.cmpf oge, %add3A, %ge3A_3 : vector<1000x8xf32>
    %mul3A = arith.constant 2.000000e-01 : f32
    %mul3A_5 = vector.broadcast %mul3A : f32 to vector<1000x8xf32>
    %mul3A_6 = arith.mulf %mul3A_5, %add3A : vector<1000x8xf32>
    %select_n3A = arith.select %ge3A_4, %add3A, %mul3A_6 : vector<1000x8xi1>, vector<1000x8xf32>
    %exp3A = math.exp %select_n3A : vector<1000x8xf32>
    %get3A_7 = arith.constant 0 : index
    %get3A_8 = arith.constant 0 : index
    %get3A_9 = vector.load %arg6[%get3A_7, %get3A_8] : memref<8x128xf32, #tpu.memory_space<vmem>>, vector<8x128xf32>
    %dot_general3A = arith.constant dense<0.000000e+00> : vector<1000x128xf32>
    %dot_general3A_10 = tpu.matmul %exp3A, %get3A_9, %dot_general3A {dimension_numbers = #tpu.dot_dimension_numbers<[1], [0], [0], [1], [0, 0, 1, 1], [], []>, transpose_lhs_hint = false} : vector<1000x8xf32>, vector<8x128xf32>, vector<1000x128xf32> -> vector<1000x128xf32>
    %get3A_11 = arith.constant 0 : index
    %get3A_12 = arith.constant 0 : index
    %get3A_13 = arith.constant 0 : index
    %get3A_14 = vector.load %arg1[%get3A_11, %get3A_12, %get3A_13] : memref<2x1000x128xf32, #tpu.memory_space<vmem>>, vector<1x1000x128xf32>
    %get3A_15 = vector.shape_cast %get3A_14 : vector<1x1000x128xf32> to vector<1000x128xf32>
    %get3A_16 = arith.constant 1 : index
    %get3A_17 = arith.constant 0 : index
    %get3A_18 = arith.constant 0 : index
    %get3A_19 = vector.load %arg1[%get3A_16, %get3A_17, %get3A_18] : memref<2x1000x128xf32, #tpu.memory_space<vmem>>, vector<1x1000x128xf32>
    %get3A_20 = vector.shape_cast %get3A_19 : vector<1x1000x128xf32> to vector<1000x128xf32>
    %add3A_21 = arith.addf %get3A_15, %get3A_20 : vector<1000x128xf32>
    %get3A_22 = arith.constant 0 : index
    %get3A_23 = arith.constant 0 : index
    %get3A_24 = vector.load %arg3[%get3A_22, %get3A_23] : memref<1000x128xf32, #tpu.memory_space<vmem>>, vector<1000x128xf32>
    %mul3A_25 = arith.mulf %get3A_24, %dot_general3A_10 : vector<1000x128xf32>
    %add3A_26 = arith.addf %add3A_21, %mul3A_25 : vector<1000x128xf32>
    %get3A_27 = arith.constant 0 : index
    %get3A_28 = arith.constant 0 : index
    %get3A_29 = arith.constant 0 : index
    %get3A_30 = vector.load %arg2[%get3A_27, %get3A_28, %get3A_29] : memref<2x1000x16xf32, #tpu.memory_space<vmem>>, vector<1x1000x16xf32>
    %get3A_31 = vector.shape_cast %get3A_30 : vector<1x1000x16xf32> to vector<1000x16xf32>
    %slice3A_32 = vector.extract_strided_slice %get3A_31 {offsets = [0, 0], sizes = [1000, 8], strides = [1, 1]} : vector<1000x16xf32> to vector<1000x8xf32>
    %get3A_33 = arith.constant 1 : index
    %get3A_34 = arith.constant 0 : index
    %get3A_35 = arith.constant 0 : index
    %get3A_36 = vector.load %arg2[%get3A_33, %get3A_34, %get3A_35] : memref<2x1000x16xf32, #tpu.memory_space<vmem>>, vector<1x1000x16xf32>
    %get3A_37 = vector.shape_cast %get3A_36 : vector<1x1000x16xf32> to vector<1000x16xf32>
    %slice3A_38 = vector.extract_strided_slice %get3A_37 {offsets = [0, 0], sizes = [1000, 8], strides = [1, 1]} : vector<1000x16xf32> to vector<1000x8xf32>
    %add3A_39 = arith.addf %slice3A_32, %slice3A_38 : vector<1000x8xf32>
    %add3A_40 = arith.addf %add3A_39, %exp3A : vector<1000x8xf32>
    %dot_general3A_41 = arith.constant dense<0.000000e+00> : vector<1000x128xf32>
    %dot_general3A_42 = tpu.matmul %add3A_40, %get3A_9, %dot_general3A_41 {dimension_numbers = #tpu.dot_dimension_numbers<[1], [0], [0], [1], [0, 0, 1, 1], [], []>, transpose_lhs_hint = false} : vector<1000x8xf32>, vector<8x128xf32>, vector<1000x128xf32> -> vector<1000x128xf32>
    %add3A_43 = arith.constant 1.000000e-16 : f32
    %add3A_44 = vector.broadcast %add3A_43 : f32 to vector<1000x128xf32>
    %add3A_45 = arith.addf %dot_general3A_42, %add3A_44 : vector<1000x128xf32>
    %div3A = arith.divf %add3A_26, %add3A_45 : vector<1000x128xf32>
    %get3A_46 = arith.constant 0 : index
    %get3A_47 = arith.constant 0 : index
    %get3A_48 = vector.load %arg5[%get3A_46, %get3A_47] : memref<1x128xf32, #tpu.memory_space<vmem>>, vector<1x128xf32>
    %add3A_49 = vector.broadcast %get3A_48 : vector<1x128xf32> to vector<1000x128xf32>
    %add3A_50 = arith.addf %div3A, %add3A_49 : vector<1000x128xf32>
    %max3A = arith.constant 0.000000e+00 : f32
    %max3A_51 = vector.broadcast %max3A : f32 to vector<1000x128xf32>
    %max3A_52 = arith.maximumf %add3A_50, %max3A_51 : vector<1000x128xf32>
    %get3A_53 = arith.constant 0 : index
    %get3A_54 = arith.constant 0 : index
    %get3A_55 = vector.load %arg7[%get3A_53, %get3A_54] : memref<128x256xf32, #tpu.memory_space<vmem>>, vector<128x256xf32>
    %dot_general3A_56 = arith.constant dense<0.000000e+00> : vector<1000x256xf32>
    %dot_general3A_57 = tpu.matmul %max3A_52, %get3A_55, %dot_general3A_56 {dimension_numbers = #tpu.dot_dimension_numbers<[1], [0], [0], [1], [0, 0, 1, 1], [], []>, transpose_lhs_hint = false} : vector<1000x128xf32>, vector<128x256xf32>, vector<1000x256xf32> -> vector<1000x256xf32>
    %swap3A = arith.constant 0 : index
    %swap3A_58 = arith.constant 0 : index
    %swap3A_59 = vector.load %arg10[%swap3A, %swap3A_58] : memref<1000x256xf32, #tpu.memory_space<vmem>>, vector<1000x256xf32>
    tpu.vector_store %arg10[%swap3A, %swap3A_58], %dot_general3A_57 {strides = array<i32>} : memref<1000x256xf32, #tpu.memory_space<vmem>>, vector<1000x256xf32>,
    %get3A_60 = arith.constant 0 : index
    %get3A_61 = arith.constant 0 : index
    %get3A_62 = vector.load %arg8[%get3A_60, %get3A_61] : memref<128x256xf32, #tpu.memory_space<vmem>>, vector<128x256xf32>
    %dot_general3A_63 = arith.constant dense<0.000000e+00> : vector<1000x256xf32>
    %dot_general3A_64 = tpu.matmul %max3A_52, %get3A_62, %dot_general3A_63 {dimension_numbers = #tpu.dot_dimension_numbers<[1], [0], [0], [1], [0, 0, 1, 1], [], []>, transpose_lhs_hint = false} : vector<1000x128xf32>, vector<128x256xf32>, vector<1000x256xf32> -> vector<1000x256xf32>
    %get3A_65 = arith.constant 0 : index
    %get3A_66 = arith.constant 0 : index
    %get3A_67 = vector.load %arg9[%get3A_65, %get3A_66] : memref<1x256xf32, #tpu.memory_space<vmem>>, vector<1x256xf32>
    %add3A_68 = vector.broadcast %get3A_67 : vector<1x256xf32> to vector<1000x256xf32>
    %add3A_69 = arith.addf %dot_general3A_64, %add3A_68 : vector<1000x256xf32>
    %swap3A_70 = arith.constant 0 : index
    %swap3A_71 = arith.constant 0 : index
    %swap3A_72 = vector.load %arg11[%swap3A_70, %swap3A_71] : memref<1000x256xf32, #tpu.memory_space<vmem>>, vector<1000x256xf32>
    tpu.vector_store %arg11[%swap3A_70, %swap3A_71], %add3A_69 {strides = array<i32>} : memref<1000x256xf32, #tpu.memory_space<vmem>>, vector<1000x256xf32>,
    return
  }
  func.func @transform_0(%arg0: i32) -> (i32, i32, i32) {
    %c0_i32 = arith.constant 0 : i32
    %c0_i32_0 = arith.constant 0 : i32
    %c0_i32_1 = arith.constant 0 : i32
    return %c0_i32, %arg0, %c0_i32_0 : i32, i32, i32
  }
  func.func @transform_1(%arg0: i32) -> (i32, i32, i32) {
    %c0_i32 = arith.constant 0 : i32
    %c0_i32_0 = arith.constant 0 : i32
    %c0_i32_1 = arith.constant 0 : i32
    return %c0_i32, %arg0, %c0_i32_0 : i32, i32, i32
  }
  func.func @transform_2(%arg0: i32) -> (i32, i32) {
    %c0_i32 = arith.constant 0 : i32
    %c0_i32_0 = arith.constant 0 : i32
    return %arg0, %c0_i32 : i32, i32
  }
  func.func @transform_3(%arg0: i32) -> (i32, i32) {
    %c0_i32 = arith.constant 0 : i32
    %c0_i32_0 = arith.constant 0 : i32
    return %arg0, %c0_i32 : i32, i32
  }
  func.func @transform_4(%arg0: i32) -> (i32, i32) {
    %c0_i32 = arith.constant 0 : i32
    %c0_i32_0 = arith.constant 0 : i32
    %c0_i32_1 = arith.constant 0 : i32
    return %c0_i32, %c0_i32_0 : i32, i32
  }
  func.func @transform_5(%arg0: i32) -> (i32, i32) {
    %c0_i32 = arith.constant 0 : i32
    %c0_i32_0 = arith.constant 0 : i32
    %c0_i32_1 = arith.constant 0 : i32
    return %c0_i32, %c0_i32_0 : i32, i32
  }
  func.func @transform_6(%arg0: i32) -> (i32, i32) {
    %c0_i32 = arith.constant 0 : i32
    %c0_i32_0 = arith.constant 0 : i32
    %c0_i32_1 = arith.constant 0 : i32
    return %c0_i32, %c0_i32_0 : i32, i32
  }
  func.func @transform_7(%arg0: i32) -> (i32, i32) {
    %c0_i32 = arith.constant 0 : i32
    %c0_i32_0 = arith.constant 0 : i32
    %c0_i32_1 = arith.constant 0 : i32
    return %c0_i32, %c0_i32_0 : i32, i32
  }
  func.func @transform_8(%arg0: i32) -> (i32, i32) {
    %c0_i32 = arith.constant 0 : i32
    %c0_i32_0 = arith.constant 0 : i32
    %c0_i32_1 = arith.constant 0 : i32
    return %c0_i32, %c0_i32_0 : i32, i32
  }
  func.func @transform_9(%arg0: i32) -> (i32, i32) {
    %c0_i32 = arith.constant 0 : i32
    %c0_i32_0 = arith.constant 0 : i32
    return %arg0, %c0_i32 : i32, i32
  }
  func.func @transform_10(%arg0: i32) -> (i32, i32) {
    %c0_i32 = arith.constant 0 : i32
    %c0_i32_0 = arith.constant 0 : i32
    return %arg0, %c0_i32 : i32, i32
  }
}

</mosaic_0001>

<sc_bundles>
// kernel: kernel.11.cloned.1.call-start
scs
__scs_entry_jumppad:
0x0: {  	(pc) =	sbr.rel $0x88, $3  }
0x1: {  	(tag) =	ssettag $0x0;
	lr =	simm.s32 $0x1  }
0x2: {  	[smem:$0x3F93] =	sst lr;
	_ =	strace $0xD0000000  }
0x3: {  	_ = 	snop  }
0x4: {  	_ = 	snop  }
0x5: {  	_ = 	snop  }
0x6: {  	_ = 	snop  }
0x7: {  	_ = 	snop  }
__scs_overlays_trampoline_lowered:
0x8: {  	[smem:$0x3FA2] =	sst s0  }
0x9: {  	[smem:$0x3FA3] =	sst s1  }
0xa: {  	[smem:$0x3FA4] =	sst s2  }
0xb: {  	[smem:$0x3FA5] =	sst s3  }
0xc: {  	[smem:$0x3FA6] =	sst s4  }
0xd: {  	[smem:$0x3FA7] =	sst s5  }
0xe: {  	[smem:$0x3FA8] =	sst s6  }
0xf: {  	[smem:$0x3FA9] =	sst s7  }
0x10: {  	[smem:$0x3FAA] =	sst s8  }
0x11: {  	[smem:$0x3FAB] =	sst s9;
	s0 =	simm.s32 @!p0 $0x0  }
0x12: {  	s1 =	sld [smem:$0x3F91];
	s0 =	simm.s32 @p0 $0x1  }
0x13: {  	[smem:$0x3FAC] =	sst s0;
	s0 =	simm.s32 @!p1 $0x0  }
0x14: {  	s2 =	sld [smem:$0x3F90];
	s0 =	simm.s32 @p1 $0x1  }
0x15: {  	[smem:$0x3FAD] =	sst s0;
	s0 =	simm.s32 @!p2 $0x0  }
0x16: {  	s3 =	sld [smem:$0x3FDB];
	s0 =	simm.s32 @p2 $0x1  }
0x17: {  	s4 =	simm.s32 $0x1BF5;
	[smem:$0x3FAF] =	sst s0  }
0x18: {  	s0 =	sld [smem:$0x3F92];
	_ =	swait.ge [sflag:s4], $0x0  }
0x19: {  	s7 =	sld [smem:$0x3F93]  }
0x1a: {  	s8 =	sadd.s32 $0xFFFFE003, lr  }
0x1b: {  	s9 =	sadd.s32 $0xFFFFFEF7, lr;
	s5 =	simm.s32 $0xFFFFFFFF;
	p2 =	slt.u32 s8, $0xFFFFF086  }
0x1c: {  	p1 =	slt.u32 s9, $0xF7A;
	s5 =	simm.s32 @!p2 $0x0  }
0x1d: {  	s5 =	simm.s32 @p1 $0x1;
	p0 =	seq.s32 s7, s2  }
0x1e: {  	s7 =	smul.u32 @!p0 $0xF7A, s2;
	p2 =	seq.s32 @!p0 s5, $0x0  }
0x1f: {  	s9 =	smul.u32 $0xF7A, s1;
	s8 =	simm.s32 @!p0 $0x1BF5;
	p2 =	por !p2, p0  }
0x20: {  	[sflag:s8] =	ssyncset.s32 @!p0 $0xFFFFF086;
	s6 =	sadd.s32 @!p0 s3, s7;
	s7 =	simm.s32 @!p0 $0x108  }
0x21: {  	s3 =	sadd.s32 s3, s9;
	s6 =	sadd.s32 @!p0 $0x88, s6;
	s7 =	simm.s32 @p2 $0x1082  }
0x22: {  	[simem:s7], [sflag:s8] =	dma.local @!p0 [hbm:s6], $0xF7A  }
0x23: {  	s9 =	sor.u32 $0xD0000000, s2;
	s6 =	simm.s32 $0x108;
	_ =	swait.ge @!p0 [sflag:s8], $0x0  }
0x24: {  	s3 =	sadd.s32 $0x88, s3;
	s6 =	simm.s32 @!p1 $0x1082;
	[sflag:s4] =	ssyncset.s32 $0xFFFFF086  }
0x25: {  	[simem:s6], [sflag:s4] =	dma.local [hbm:s3], $0xF7A  }
0x26: {  	[smem:$0x3F93] =	sst s1;
	(tag) =	ssettag s2;
	_ =	strace s9  }
0x27: {  	s1 =	sld [smem:$0x3FA3]  }
0x28: {  	s2 =	sld [smem:$0x3FA4]  }
0x29: {  	s4 =	sld [smem:$0x3FA6]  }
0x2a: {  	p0 =	seq.s32 s5, $0x0;
	s5 =	sld [smem:$0x3FA7]  }
0x2b: {  	s6 =	sld [smem:$0x3FA8]  }
0x2c: {  	s7 =	sld [smem:$0x3FA9]  }
0x2d: {  	s3 =	simm.s32 $0x108;
	s8 =	sld [smem:$0x3FAA]  }
0x2e: {  	s3 =	simm.s32 @!p0 $0x1082;
	s9 =	sld [smem:$0x3FAB]  }
0x2f: {  	lr =	sadd.s32 s0, s3;
	s0 =	sld [smem:$0x3FA2]  }
0x30: {  	s3 =	sld [smem:$0x3FA5]  }
0x31: {  	[smem:$0x3FAE] =	sst s10  }
0x32: {  	s10 =	sld [smem:$0x3FAC];
	_ =	sdelay $0x3  }
0x33: {  	p0 =	seq.s32 s10, $0x1;
	s10 =	sld [smem:$0x3FAE];
	_ =	sdelay $0x3  }
0x34: {  	[smem:$0x3FAE] =	sst s10  }
0x35: {  	s10 =	sld [smem:$0x3FAD];
	_ =	sdelay $0x3  }
0x36: {  	p1 =	seq.s32 s10, $0x1;
	s10 =	sld [smem:$0x3FAE];
	_ =	sdelay $0x3  }
0x37: {  	[smem:$0x3FAE] =	sst s10  }
0x38: {  	s10 =	sld [smem:$0x3FAF]  }
0x39: {  	_ = 	snop;
	(pc) =	sbr.ind lr, $3  }
0x3a: {  	_ = 	snop  }
0x3b: {  	_ = 	snop  }
0x3c: {  	p2 =	seq.s32 s10, $0x1;
	s10 =	sld [smem:$0x3FAE]  }
0x3d: {  	_ =	shalt  }
0x3e: {  	_ =	shalt  }
0x3f: {  	_ =	shalt  }
0x40: {  	_ =	shalt  }
0x41: {  	_ =	shalt  }
0x42: {  	_ =	shalt  }
0x43: {  	_ =	shalt  }
0x44: {  	_ =	shalt  }
0x45: {  	_ =	shalt  }
0x46: {  	_ =	shalt  }
0x47: {  	_ =	shalt  }
0x48: {  	_ =	shalt  }
0x49: {  	_ =	shalt  }
0x4a: {  	_ =	shalt  }
0x4b: {  	_ =	shalt  }
0x4c: {  	_ =	shalt  }
0x4d: {  	_ =	shalt  }
0x4e: {  	_ =	shalt  }
0x4f: {  	_ =	shalt  }
0x50: {  	_ =	shalt  }
0x51: {  	_ =	shalt  }
0x52: {  	_ =	shalt  }
0x53: {  	_ =	shalt  }
0x54: {  	_ =	shalt  }
0x55: {  	_ =	shalt  }
0x56: {  	_ =	shalt  }
0x57: {  	_ =	shalt  }
0x58: {  	_ =	shalt  }
0x59: {  	_ =	shalt  }
0x5a: {  	_ =	shalt  }
0x5b: {  	_ =	shalt  }
0x5c: {  	_ =	shalt  }
0x5d: {  	_ =	shalt  }
0x5e: {  	_ =	shalt  }
0x5f: {  	_ =	shalt  }
0x60: {  	_ =	shalt  }
0x61: {  	_ =	shalt  }
0x62: {  	_ =	shalt  }
0x63: {  	_ =	shalt  }
0x64: {  	_ =	shalt  }
0x65: {  	_ =	shalt  }
0x66: {  	_ =	shalt  }
0x67: {  	_ =	shalt  }
0x68: {  	_ =	shalt  }
0x69: {  	_ =	shalt  }
0x6a: {  	_ =	shalt  }
0x6b: {  	_ =	shalt  }
0x6c: {  	_ =	shalt  }
0x6d: {  	_ =	shalt  }
0x6e: {  	_ =	shalt  }
0x6f: {  	_ =	shalt  }
0x70: {  	_ =	shalt  }
0x71: {  	_ =	shalt  }
0x72: {  	_ =	shalt  }
0x73: {  	_ =	shalt  }
0x74: {  	_ =	shalt  }
0x75: {  	_ =	shalt  }
0x76: {  	_ =	shalt  }
0x77: {  	_ =	shalt  }
0x78: {  	_ =	shalt  }
0x79: {  	_ =	shalt  }
0x7a: {  	_ =	shalt  }
0x7b: {  	_ =	shalt  }
0x7c: {  	_ =	shalt  }
0x7d: {  	_ =	shalt  }
0x7e: {  	_ =	shalt  }
0x7f: {  	_ =	shalt  }
0x80: {  	_ =	shalt  }
0x81: {  	_ =	shalt  }
0x82: {  	_ =	shalt  }
0x83: {  	_ =	shalt  }
0x84: {  	_ =	shalt  }
0x85: {  	_ =	shalt  }
0x86: {  	_ =	shalt  }
0x87: {  	_ =	shalt  }
.Lfunc_end0:
.L_simem_size_0:
called_computation.1_lowered:
.L_overlay_start_0:
0x88: {  	s2 =	sld [smem:$0x3FD9]  }
0x89: {  	s3 =	sld [smem:$0x3FFE];
	_ =	sdelay $0x1  }
0x8a: {  	s1 =	srdreg.scid  }
0x8b: {  	s0 =	sand.u32 $0x1, s1  }
0x8c: {  	s17 =	sshll.u32 s0, $0xA;
	s2 =	sadd.s32 s3, s2  }
0x8d: {  	s2 =	sadd.s32 s2, s17  }
0x8e: {  	[smem:$0x3FBA] =	sst s2  }
0x8f: {  	_ = 	snop  }
0x90: {  	s2 =	sld [smem:$0x3FD0];
	(tm) =	ssettm $0x1  }
0x91: {  	s18 =	sld [smem:$0x3FFB];
	_ =	sdelay $0x3  }
0x92: {  	_ =	strace s18  }
0x93: {  	s3 =	sld [smem:$0x3FFC];
	_ =	sdelay $0x3  }
0x94: {  	_ =	strace s3  }
0x95: {  	s3 =	sld [smem:$0x3FFD];
	_ =	sdelay $0x3  }
0x96: {  	_ =	strace s3  }
0x97: {  	_ =	strace $0x8FFFFFFF  }
0x98: {  	s19 =	sld [smem:$0x3FDB];
	_ =	sdelay $0x1  }
0x99: {  	s4 =	simm.s32 $_scs_section_size  }
0x9a: {  	s5 =	simm.s32 $_size__tile_overlayer_lowered;
	s6 =	simm.s32 $_tile_overlayer_lowered  }
0x9b: {  	s22 =	simm.s32 $0x1BFF;
	s21 =	sshll.u32 s6, $0x1;
	s3 =	sadd.s32 s4, s19  }
0x9c: {  	s7 =	simm.s32 $0x0;
	s20 =	sshll.u32 s5, $0x1;
	s5 =	sadd.s32 s21, s3  }
0x9d: {  	[timem:s7], [sflag:s22] =	dma.local [hbm:s5], s20  }
0x9e: {  	_ =	swait.ge [sflag:s22], s20  }
0x9f: {  	s4 =	ssub.s32 $0x0, s20;
	[sflag:s22] =	ssyncset.done $0x0  }
0xa0: {  	[sflag:s22] =	ssyncadd.s32 s4;
	_ =	sdelay $0x1  }
0xa1: {  	s23 =	simm.s32 $0x1B8B  }
0xa2: {  	_ =	swait.ge [sflag:s23], $0x1  }
0xa3: {  	[sflag:s23] =	ssyncset.done $0x0  }
0xa4: {  	s25 =	simm.s32 $0x1B8E;
	s24 =	sld [smem:$0x3FFE];
	[sflag:s23] =	ssyncadd.s32 $0xFFFFFFFF  }
0xa5: {  	s26 =	simm.s32 $execute0_lowered;
	[smem:$0x3FD2] =	sst s25  }
0xa6: {  	s5 =	sshll.u32 s26, $0x1;
	_ =	strace $0x80000049;
	[dreg:$0x1] =	wrdreg $0xFFFFFFFF  }
0xa7: {  	s28 =	simm.s32 $_size_execute0_lowered;
	s3 =	sadd.s32 s3, s5;
	[dreg:$0x0] =	wrdreg $0x0  }
0xa8: {  	s5 =	sshll.u32 s28, $0x1;
	[dreg:$0x2] =	wrdreg s3  }
0xa9: {  	[dreg:$0x3] =	wrdreg s5  }
0xaa: {  	[dreg:$0x4] =	wrdreg $0xC0  }
0xab: {  	_ =	task [dreg:s7], $0x5FFFF  }
0xac: {  	[dreg:$0x1] =	wrdreg $0xFFFFFFFF  }
0xad: {  	[dreg:$0x0] =	wrdreg $0x60  }
0xae: {  	[dreg:$0x2] =	wrdreg s24  }
0xaf: {  	[dreg:$0x3] =	wrdreg s2  }
0xb0: {  	[dreg:$0x4] =	wrdreg $0x5FA00  }
0xb1: {  	[dreg:$0x5] =	wrdreg $0x198200  }
0xb2: {  	[dreg:$0x6] =	wrdreg $0x9  }
0xb3: {  	_ =	task.clear_ibuf [dreg:s7], $0x7FFFF;
	_ =	strace $0x90000049  }
0xb4: {  	s29 =	simm.s32 $0x9;
	_ =	strace $0x8000004B  }
0xb5: {  	_ =	swait.ge [sflag:s29], $0x1  }
0xb6: {  	[sflag:s29] =	ssyncadd.s32 $0xFFFFFFFF  }
0xb7: {  	_ =	strace $0x9000004B  }
0xb8: {  	_ =	sfence  }
0xb9: {  	s30 =	sld [smem:$0x0];
	_ =	sdelay $0x2  }
0xba: {  	s31 =	sshll.u32 s1, $0xD;
	s1 =	sshrl.u32 s1, $0x2  }
0xbb: {  	s3 =	sand.u32 $0x4000, s31;
	s1 =	sadd.s32 s1, s30  }
0xbc: {  	s0 =	sor.u32 s3, s0;
	s1 =	sshll.u32 s1, $0x11  }
0xbd: {  	s0 =	sor.u32 s1, s0  }
0xbe: {  	s0 =	sadd.s32 $0x8F2B, s0  }
0xbf: {  	[sflag:s0] =	ssyncadd.remote.s32 $0x1  }
0xc0: {  	_ =	sfence.sel $0xFFFF  }
0xc1: {  	[dreg:$0x0] =	wrdreg $0xFFFFFFFF;
	(pc) =	sbr.abs _section_cstart, $3  }
0xc2: {  	[dreg:$0x1] =	wrdreg $0xFFFFFFFF  }
0xc3: {  	_ =	task.clear_ibuf [dreg:s7], $0x2FFFF;
	_ =	strace $0x9FFFFFFF  }
0xc4: {  	(tm) =	ssettm $0x7FFFFFFF  }
0xc5: {  	_ =	shalt  }
tec
execute0_lowered:
.L_overlay_start_1:
0x0: {  	(tag) =	ssettag $0x1  }
0x1: {  	s0 =	rddreg [dreg:$0x0]  }
0x2: {  	s8 =	rddreg [dreg:$0x1]  }
0x3: {  	s1 =	rddreg [dreg:$0x2]  }
0x4: {  	s2 =	rddreg [dreg:$0x3];
	s3 =	simm.s32 $0x0  }
0x5: {  	s9 =	srdreg.scid;
	s25 =	stileid.u32;
	s28 =	simm.s32 $0xA0  }
0x6: {  	s29 =	simm.s32 $0x1;
	s30 =	simm.s32 $0x5A0;
	s31 =	simm.s32 $0xAA0  }
0x7: {  	[smem:$0x7FF] =	sst s3;
	s4 =	sadd.s32 $0x2FC00, s0;
	s5 =	sadd.s32 $0x2AC00, s0  }
0x8: {  	s6 =	sadd.s32 $0x3A00, s0;
	s7 =	sadd.s32 $0x65C00, s0;
	s10 =	sand.u32 $0x1, s9  }
0x9: {  	s9 =	sadd.s32 $0x5BE00, s0;
	s11 =	sadd.s32 $0x6FA00, s0;
	s13 =	sadd.s32 $0x96C00, s0  }
0xa: {  	s0 =	sadd.s32 $0x9BC00, s0;
	s16 =	smul.u32 $0x1900, s25;
	s17 =	sor.u32 $0x10, s25  }
0xb: {  	s15 =	sshll.u32 s25, $0x1;
	s24 =	sshll.u32 s25, $0x6;
	s19 =	smul.u32 $0xC800, s17  }
0xc: {  	p0 =	sgt.u32 s25, $0x8;
	s12 =	ssub.s32 $0x2, s10;
	s17 =	smul.u32 $0x1900, s17  }
0xd: {  	_ =	strace $0x8000004A;
	s21 =	smul.u32 $0x138800, s10;
	s14 =	sshrl.u32 s12, $0x1  }
0xe: {  	s18 =	sor.u32 s10, s15;
	s12 =	ssub.s32 s12, s14;
	s14 =	smul.u32 $0xC800, s25  }
0xf: {  	s10 =	smul.u32 $0x27100, s10;
	s22 =	sshrl.u32 s19, $0x3;
	s23 =	sshrl.u32 s17, $0x3  }
0x10: {  	s25 =	simm.s32 $0x2;
	s26 =	sshrl.u32 s14, $0x3;
	s20 =	sadd.s32 s14, s1  }
0x11: {  	[dreg:$0x5] =	wrdreg s20;
	s15 =	sadd.s32 s11, s26;
	s20 =	sshrl.u32 s16, $0x3  }
0x12: {  	s11 =	sadd.s32 s11, s22;
	s26 =	sadd.s32 s14, s21;
	[dreg:$0x6] =	wrdreg s15  }
0x13: {  	s22 =	sadd.s32 s16, s2;
	s15 =	sadd.s32 s13, s20;
	[dreg:$0x8] =	wrdreg s11  }
0x14: {  	s11 =	sadd.s32 s13, s23;
	s14 =	sshrl.u32 s26, $0x3;
	[dreg:$0xc] =	wrdreg s22  }
0x15: {  	s20 =	sadd.s32 s21, s19;
	s23 =	sadd.s32 s19, s1;
	[dreg:$0x7] =	wrdreg s15  }
0x16: {  	s26 =	sadd.s32 s17, s2;
	[dreg:$0x9] =	wrdreg s11;
	s15 =	sor.u32 $0x1C02, s24  }
0x17: {  	s11 =	sadd.s32 s0, s14;
	s21 =	sshrl.u32 s20, $0x3;
	[dreg:$0xd] =	wrdreg s23  }
0x18: {  	s24 =	sadd.s32 s16, s10;
	s10 =	sadd.s32 s10, s17;
	[dreg:$0xe] =	wrdreg s26  }
0x19: {  	s26 =	simm.s32 $0x50;
	[dreg:$0xa] =	wrdreg s11;
	s0 =	sadd.s32 s0, s21  }
0x1a: {  	v0 =	vimm.s32 $0x0;
	v1 =	vimm.s32 $0x1;
	s21 =	smul.u32 $0x2710, s18;
	s10 =	sshrl.u32 s10, $0x3;
	[dreg:$0xb] =	wrdreg s0  }
0x1b: {  	v2 =	vimm.s32 $0x2;
	v3 =	vimm.s32 $0x3;
	v4 =	vimm.s32 $0x4;
	s0 =	sshrl.u32 s24, $0x3;
	s23 =	sadd.s32 s8, s10;
	s24 =	smax.u32 s12, $0x1  }
0x1c: {  	v5 =	vimm.s32 $0x5;
	v6 =	vimm.s32 $0x6;
	v7 =	vimm.s32 $0x7;
	s22 =	sadd.s32 s8, s0;
	s0 =	simm.s32 $0x32A0;
	s8 =	simm.s32 $0x5AA0  }
.LBB2_1:
0x1d: {  	s10 =	rddreg [dreg:$0x5]  }
0x1e: {  	s11 =	rddreg [dreg:$0x6];
	s10 =	sshrl.u32 s10, $0x3  }
0x1f: {  	[spmem:s10], [sflag:s15] =	dma.local [hbm:s11], $0x1900  }
0x20: {  	_ =	swait.ge [sflag:s25], $0x1900  }
0x21: {  	[sflag:s25] =	ssyncset.done $0x0;
	s20 =	rddreg [dreg:$0xc]  }
0x22: {  	s12 =	rddreg [dreg:$0x7];
	[sflag:s25] =	ssyncadd.s32 $0xFFFFE700;
	s11 =	sshrl.u32 s20, $0x3  }
0x23: {  	[spmem:s11], [sflag:s15] =	dma.local [hbm:s12], $0x320  }
0x24: {  	_ =	swait.ge [sflag:s25], $0x320  }
0x25: {  	s14 =	simm.s32 @!p0 $0x2;
	[sflag:s25] =	ssyncset.done $0x0;
	s12 =	rddreg [dreg:$0xd]  }
0x26: {  	s13 =	rddreg [dreg:$0x8];
	[sflag:s25] =	ssyncadd.s32 $0xFFFFFCE0;
	s12 =	sshrl.u32 @!p0 s12, $0x3  }
0x27: {  	[spmem:s12], [sflag:s15] =	dma.local @!p0 [hbm:s13], $0x1900  }
0x28: {  	_ =	swait.ge @!p0 [sflag:s14], $0x1900  }
0x29: {  	[sflag:s14] =	ssyncset.done @!p0 $0x0;
	s13 =	rddreg [dreg:$0xe]  }
0x2a: {  	s16 =	rddreg [dreg:$0x9];
	[sflag:s14] =	ssyncadd.s32 @!p0 $0xFFFFE700;
	s13 =	sshrl.u32 @!p0 s13, $0x3  }
0x2b: {  	[spmem:s13], [sflag:s15] =	dma.local @!p0 [hbm:s16], $0x320  }
0x2c: {  	_ =	swait.ge @!p0 [sflag:s14], $0x320  }
0x2d: {  	[sflag:s14] =	ssyncset.done @!p0 $0x0  }
0x2e: {  	[sflag:s14] =	ssyncadd.s32 @!p0 $0xFFFFFCE0  }
0x2f: {  	s14 =	simm.s32 $0x0;
	[bflag:$0x0] =	sbarrier.arrive $0xFFFF  }
.LBB2_2:
0x30: {  	s16 =	smul.u32 $0x50, s14;
	_ =	sdelay $0x1  }
0x31: {  	s16 =	sadd.s32 s21, s16  }
0x32: {  	s16 =	sshrl.u32 s16, $0x3  }
0x33: {  	s18 =	simm.s32 $0x0;
	s17 =	sadd.s32 s7, s16  }
0x34: {  	[tilespmem:s18], [sflag:$0x2] =	stream.linear.gather [hbm4b:s17+s18], $0x50, $0x38;
	[tilespmem:$0x1BF30] =	vst v63  }
0x35: {  	_ =	swait.ge [sflag:s25], $0x50  }
0x36: {  	[sflag:s25] =	ssyncset.done $0x0  }
0x37: {  	s16 =	sadd.s32 s9, s16;
	[sflag:s25] =	ssyncadd.s32 $0xFFFFFFB0  }
0x38: {  	[tilespmem:s26], [sflag:$0x2] =	stream.linear.gather [hbm4b:s16+s18], $0x50, $0x38;
	[tilespmem:$0x1BF30] =	vst v63  }
0x39: {  	_ =	swait.ge [sflag:s25], $0x50  }
0x3a: {  	[sflag:s25] =	ssyncset.done $0x0  }
0x3b: {  	[sflag:s25] =	ssyncadd.s32 $0xFFFFFFB0  }
0x3c: {  	[tilespmem:s28], [sflag:$0x1] =	stream.indirect.gather [hbm4b:s4+s26], $0x10, s18, s26, $0xb8;
	[tilespmem:$0x1BF30] =	vst v63  }
0x3d: {  	_ =	swait.ge [sflag:s29], $0x500  }
0x3e: {  	[sflag:s29] =	ssyncset.done $0x0  }
0x3f: {  	[sflag:s29] =	ssyncadd.s32 $0xFFFFFB00  }
0x40: {  	[tilespmem:s30], [sflag:$0x1] =	stream.indirect.gather [hbm4b:s5+s26], $0x10, s26, s26, $0xb8;
	[tilespmem:$0x1BF30] =	vst v63  }
0x41: {  	_ =	swait.ge [sflag:s29], $0x500  }
0x42: {  	[sflag:s29] =	ssyncset.done $0x0  }
0x43: {  	[sflag:s29] =	ssyncadd.s32 $0xFFFFFB00  }
0x44: {  	[tilespmem:s31], [sflag:$0x1] =	stream.indirect.gather [hbm4b:s6+s26], $0x80, s18, s26, $0xb8;
	[tilespmem:$0x1BF30] =	vst v63  }
0x45: {  	_ =	swait.ge [sflag:s29], $0x2800  }
0x46: {  	[sflag:s29] =	ssyncset.done $0x0  }
0x47: {  	s20 =	simm.s32 $0x0;
	[sflag:s29] =	ssyncadd.s32 $0xFFFFD800  }
0x48: {  	v8 =	vld [tilespmem:s20+$0xA0]  }
0x49: {  	v9 =	vld [tilespmem:s20+$0x5A0];
	_ =	sdelay $0x4  }
0x4a: {  	v8 =	vadd.f32 v9, v8;
	_ =	sdelay $0x1  }
0x4b: {  	v9 =	vmul.f32 $2.000000030e-01, v8  }
0x4c: {  	vm0 =	vge.f32 v8, $0.0e+00  }
0x4d: {  	v8 =	vsel vm0, v8, v9  }
0x4e: {  	v8 =	vmul.f32 $1.442695020e+00, v8;
	_ =	sdelay $0x1  }
0x4f: {  	(erf) = vpow2.f32 v8;
	_ =	sdelay $0x8  }
0x50: {  	v8 =	vpop (erf)  }
0x51: {  	s16 =	simm.s32 $0xAE0;
	[tilespmem:s20+$0x5AA0] =	vst v8  }
0x52: {  	v9 =	vld [tilespmem:s16+$0xFFFFFFC0];
	_ =	sdelay $0x2  }
0x53: {  	v10 =	vperm.xlane v8, v0;
	_ =	sdelay $0x1  }
0x54: {  	v9 =	vmul.f32 v9, v10  }
0x55: {  	s17 =	simm.s32 $0x32E0  }
0x56: {  	[tilespmem:s17+$0xFFFFFFC0] =	vst v9  }
0x57: {  	v9 =	vld [tilespmem:s16+$0xFFFFFFD0];
	_ =	sdelay $0x2  }
0x58: {  	v10 =	vperm.xlane v8, v1;
	_ =	sdelay $0x1  }
0x59: {  	v9 =	vmul.f32 v9, v10;
	_ =	sdelay $0x1  }
0x5a: {  	[tilespmem:s17+$0xFFFFFFD0] =	vst v9  }
0x5b: {  	v9 =	vld [tilespmem:s16+$0xFFFFFFE0];
	_ =	sdelay $0x2  }
0x5c: {  	v10 =	vperm.xlane v8, v2;
	_ =	sdelay $0x1  }
0x5d: {  	v9 =	vmul.f32 v9, v10;
	_ =	sdelay $0x1  }
0x5e: {  	[tilespmem:s17+$0xFFFFFFE0] =	vst v9  }
0x5f: {  	v9 =	vld [tilespmem:s16+$0xFFFFFFF0];
	_ =	sdelay $0x2  }
0x60: {  	v10 =	vperm.xlane v8, v3;
	_ =	sdelay $0x1  }
0x61: {  	v9 =	vmul.f32 v9, v10;
	_ =	sdelay $0x1  }
0x62: {  	[tilespmem:s17+$0xFFFFFFF0] =	vst v9  }
0x63: {  	v9 =	vld [tilespmem:s16+$0x0];
	_ =	sdelay $0x2  }
0x64: {  	v10 =	vperm.xlane v8, v4;
	_ =	sdelay $0x1  }
0x65: {  	v9 =	vmul.f32 v9, v10;
	_ =	sdelay $0x1  }
0x66: {  	[tilespmem:s17+$0x0] =	vst v9  }
0x67: {  	v9 =	vld [tilespmem:s16+$0x10];
	_ =	sdelay $0x2  }
0x68: {  	v10 =	vperm.xlane v8, v5;
	_ =	sdelay $0x1  }
0x69: {  	v9 =	vmul.f32 v9, v10;
	_ =	sdelay $0x1  }
0x6a: {  	[tilespmem:s17+$0x10] =	vst v9  }
0x6b: {  	v9 =	vld [tilespmem:s16+$0x20];
	_ =	sdelay $0x2  }
0x6c: {  	v10 =	vperm.xlane v8, v6;
	_ =	sdelay $0x1  }
0x6d: {  	v9 =	vmul.f32 v9, v10;
	_ =	sdelay $0x1  }
0x6e: {  	[tilespmem:s17+$0x20] =	vst v9  }
0x6f: {  	v9 =	vld [tilespmem:s16+$0x30];
	_ =	sdelay $0x2  }
0x70: {  	v8 =	vperm.xlane v8, v7;
	_ =	sdelay $0x1  }
0x71: {  	s19 =	simm.s32 $0x32E0;
	s18 =	simm.s32 $0x40;
	v8 =	vmul.f32 v9, v8  }
.LBB2_3:
0x72: {  	p1 =	sne.s32 s18, $0x13C0;
	s17 =	sadd.s32 $0x80, s17;
	s16 =	sadd.s32 $0x80, s16  }
0x73: {  	s20 =	sshra.s32 s18, $0x2;
	s18 =	sadd.s32 $0x40, s18;
	[tilespmem:s19+$0x30] =	vst v8;
	s19 =	smov.u32 s17  }
0x74: {  	v8 =	vld [tilespmem:s20+$0xA0]  }
0x75: {  	v9 =	vld [tilespmem:s20+$0x5A0];
	_ =	sdelay $0x4  }
0x76: {  	v8 =	vadd.f32 v9, v8;
	_ =	sdelay $0x1  }
0x77: {  	vm0 =	vge.f32 v8, $0.0e+00;
	v9 =	vmul.f32 $2.000000030e-01, v8;
	_ =	sdelay $0x1  }
0x78: {  	v8 =	vsel vm0, v8, v9  }
0x79: {  	v8 =	vmul.f32 $1.442695020e+00, v8;
	_ =	sdelay $0x1  }
0x7a: {  	(erf) = vpow2.f32 v8;
	_ =	sdelay $0x8  }
0x7b: {  	v8 =	vpop (erf)  }
0x7c: {  	[tilespmem:s20+$0x5AA0] =	vst v8  }
0x7d: {  	v9 =	vld [tilespmem:s16+$0xFFFFFFC0];
	_ =	sdelay $0x1  }
0x7e: {  	v10 =	vperm.xlane v8, v0;
	_ =	sdelay $0x2  }
0x7f: {  	v9 =	vmul.f32 v9, v10;
	_ =	sdelay $0x1  }
0x80: {  	[tilespmem:s17+$0xFFFFFFC0] =	vst v9  }
0x81: {  	v9 =	vld [tilespmem:s16+$0xFFFFFFD0];
	_ =	sdelay $0x1  }
0x82: {  	v10 =	vperm.xlane v8, v1;
	_ =	sdelay $0x2  }
0x83: {  	v9 =	vmul.f32 v9, v10;
	_ =	sdelay $0x1  }
0x84: {  	[tilespmem:s17+$0xFFFFFFD0] =	vst v9  }
0x85: {  	v9 =	vld [tilespmem:s16+$0xFFFFFFE0];
	_ =	sdelay $0x1  }
0x86: {  	v10 =	vperm.xlane v8, v2;
	_ =	sdelay $0x2  }
0x87: {  	v9 =	vmul.f32 v9, v10;
	_ =	sdelay $0x1  }
0x88: {  	[tilespmem:s17+$0xFFFFFFE0] =	vst v9  }
0x89: {  	v9 =	vld [tilespmem:s16+$0xFFFFFFF0];
	_ =	sdelay $0x1  }
0x8a: {  	v10 =	vperm.xlane v8, v3;
	_ =	sdelay $0x2  }
0x8b: {  	v9 =	vmul.f32 v9, v10;
	_ =	sdelay $0x1  }
0x8c: {  	[tilespmem:s17+$0xFFFFFFF0] =	vst v9  }
0x8d: {  	v9 =	vld [tilespmem:s16+$0x0];
	_ =	sdelay $0x1  }
0x8e: {  	v10 =	vperm.xlane v8, v4;
	_ =	sdelay $0x2  }
0x8f: {  	v9 =	vmul.f32 v9, v10;
	_ =	sdelay $0x1  }
0x90: {  	[tilespmem:s17+$0x0] =	vst v9  }
0x91: {  	v9 =	vld [tilespmem:s16+$0x10];
	_ =	sdelay $0x1  }
0x92: {  	v10 =	vperm.xlane v8, v5;
	_ =	sdelay $0x2  }
0x93: {  	v9 =	vmul.f32 v9, v10;
	_ =	sdelay $0x1  }
0x94: {  	[tilespmem:s17+$0x10] =	vst v9  }
0x95: {  	v9 =	vld [tilespmem:s16+$0x20];
	_ =	sdelay $0x1  }
0x96: {  	v10 =	vperm.xlane v8, v6;
	_ =	sdelay $0x2  }
0x97: {  	v9 =	vmul.f32 v9, v10;
	_ =	sdelay $0x1  }
0x98: {  	[tilespmem:s17+$0x20] =	vst v9  }
0x99: {  	v9 =	vld [tilespmem:s16+$0x30]  }
.Ltmp0:
0x9a: {  	(pc) =	sbr.rel @p1 .LBB2_3-.Ltmp0, $2  }
0x9b: {  	v8 =	vperm.xlane v8, v7;
	_ =	sdelay $0x2  }
0x9c: {  	v8 =	vmul.f32 v9, v8  }
0x9d: {  	_ = 	snop  }
0x9e: {  	[tilespmem:s19+$0x30] =	vst v8  }
0x9f: {  	[spmem:s1] =	stream.indirect.scatter.add.f32 [tilespmem:s0], [sflag:$0x2], $0x80, s26, s26, $0xb8;
	[tilespmem:$0x1BF30] =	vst v63  }
0xa0: {  	s14 =	sadd.s32 $0x1, s14;
	_ =	swait.ge [sflag:s25], $0x2800  }
0xa1: {  	p1 =	sne.s32 s14, $0x7D;
	[sflag:s25] =	ssyncset.done $0x0  }
.Ltmp1:
0xa2: {  	[sflag:s25] =	ssyncadd.s32 $0xFFFFD800;
	(pc) =	sbr.rel @p1 .LBB2_2-.Ltmp1, $4  }
0xa3: {  	[spmem:s2] =	stream.indirect.scatter.add.f32 [tilespmem:s8], [sflag:$0x2], $0x10, s26, s26, $0xb8;
	[tilespmem:$0x1BF30] =	vst v63  }
0xa4: {  	_ =	swait.ge [sflag:s25], $0x500  }
0xa5: {  	[sflag:s25] =	ssyncset.done $0x0  }
0xa6: {  	[sflag:s25] =	ssyncadd.s32 $0xFFFFFB00  }
0xa7: {  	[bflag:$0x0] =	sbarrier.arrive $0xFFFF  }
0xa8: {  	s14 =	rddreg [dreg:$0xa]  }
0xa9: {  	[hbm:s14], [sflag:s15] =	dma.local [spmem:s10], $0x1900  }
0xaa: {  	_ =	swait.ge [sflag:s25], $0x1900  }
0xab: {  	[sflag:s25] =	ssyncset.done $0x0  }
0xac: {  	[sflag:s25] =	ssyncadd.s32 $0xFFFFE700  }
0xad: {  	[hbm:s22], [sflag:s15] =	dma.local [spmem:s11], $0x320  }
0xae: {  	_ =	swait.ge [sflag:s25], $0x320  }
0xaf: {  	[sflag:s25] =	ssyncset.done $0x0  }
0xb0: {  	s10 =	rddreg [dreg:$0xb];
	[sflag:s25] =	ssyncadd.s32 $0xFFFFFCE0  }
0xb1: {  	[hbm:s10], [sflag:s15] =	dma.local @!p0 [spmem:s12], $0x1900  }
0xb2: {  	s10 =	simm.s32 @!p0 $0x2  }
0xb3: {  	s3 =	sadd.s32 $0x1, s3;
	_ =	swait.ge @!p0 [sflag:s10], $0x1900  }
0xb4: {  	p1 =	sne.s32 s3, s24;
	[sflag:s10] =	ssyncset.done @!p0 $0x0  }
.Ltmp2:
0xb5: {  	[sflag:s10] =	ssyncadd.s32 @!p0 $0xFFFFE700;
	(pc) =	sbr.rel @p1 .LBB2_1-.Ltmp2, $4  }
0xb6: {  	[hbm:s23], [sflag:s15] =	dma.local @!p0 [spmem:s13], $0x320  }
0xb7: {  	_ =	swait.ge @!p0 [sflag:s10], $0x320  }
0xb8: {  	[sflag:s10] =	ssyncset.done @!p0 $0x0  }
0xb9: {  	[sflag:s10] =	ssyncadd.s32 @!p0 $0xFFFFFCE0  }
0xba: {  	_ =	sfence.sel $0x180000  }
0xbb: {  	[bflag:$0x0] =	sbarrier.arrive $0xFFFF  }
0xbc: {  	_ =	strace $0x9000004A  }
0xbd: {  	s0 =	stileid.u32;
	[bflag:$0x2] =	sbarrier.arrive $0xFFFF  }
0xbe: {  	p0 =	sne.s32 s0, $0x0;
	s0 =	rddreg [dreg:$0x4]  }
0xbf: {  	s0 =	sadd.s32 @!p0 $0x100000, s0  }
0xc0: {  	[sflag:s0] =	ssyncadd.tile.s32 @!p0 $0x1;
	_ =	shalt  }
.Lfunc_end2:
_tile_overlayer_lowered:
.L_overlay_start_2:
0xc1: {  	(tag) =	ssettag $0x2  }
0xc2: {  	s0 =	rddreg [dreg:$0x0];
	s2 =	stileid.u32  }
0xc3: {  	s1 =	rddreg [dreg:$0x1];
	p0 =	sne.s32 s2, $0x0  }
0xc4: {  	s3 =	rddreg [dreg:$0x2];
	[bflag:$0x3] =	sbarrier.arrive $0xFFFF;
	s2 =	simm.s32 @!p0 $0x1C02  }
0xc5: {  	[timem:s3], [sflag:s2] =	dma.local @!p0 [hbm:s0], s1  }
0xc6: {  	s0 =	simm.s32 @!p0 $0x2  }
0xc7: {  	_ =	swait.ge @!p0 [sflag:s0], s1  }
0xc8: {  	s1 =	ssub.s32 @!p0 $0x0, s1;
	[sflag:s0] =	ssyncset.done @!p0 $0x0  }
0xc9: {  	[sflag:s0] =	ssyncadd.s32 @!p0 s1  }
0xca: {  	[bflag:$0x3] =	sbarrier.arrive $0xFFFF  }
0xcb: {  	_ =	shalt  }

// kernel: kernel.14.cloned.1.call-start
scs
__scs_entry_jumppad:
0x0: {  	(pc) =	sbr.rel $0x88, $3  }
0x1: {  	(tag) =	ssettag $0x0;
	lr =	simm.s32 $0x1  }
0x2: {  	[smem:$0x3F93] =	sst lr;
	_ =	strace $0xD0000000  }
0x3: {  	_ = 	snop  }
0x4: {  	_ = 	snop  }
0x5: {  	_ = 	snop  }
0x6: {  	_ = 	snop  }
0x7: {  	_ = 	snop  }
__scs_overlays_trampoline_lowered:
0x8: {  	[smem:$0x3FA2] =	sst s0  }
0x9: {  	[smem:$0x3FA3] =	sst s1  }
0xa: {  	[smem:$0x3FA4] =	sst s2  }
0xb: {  	[smem:$0x3FA5] =	sst s3  }
0xc: {  	[smem:$0x3FA6] =	sst s4  }
0xd: {  	[smem:$0x3FA7] =	sst s5  }
0xe: {  	[smem:$0x3FA8] =	sst s6  }
0xf: {  	[smem:$0x3FA9] =	sst s7  }
0x10: {  	[smem:$0x3FAA] =	sst s8  }
0x11: {  	[smem:$0x3FAB] =	sst s9;
	s0 =	simm.s32 @!p0 $0x0  }
0x12: {  	s1 =	sld [smem:$0x3F91];
	s0 =	simm.s32 @p0 $0x1  }
0x13: {  	[smem:$0x3FAC] =	sst s0;
	s0 =	simm.s32 @!p1 $0x0  }
0x14: {  	s2 =	sld [smem:$0x3F90];
	s0 =	simm.s32 @p1 $0x1  }
0x15: {  	[smem:$0x3FAD] =	sst s0;
	s0 =	simm.s32 @!p2 $0x0  }
0x16: {  	s3 =	sld [smem:$0x3FDB];
	s0 =	simm.s32 @p2 $0x1  }
0x17: {  	s4 =	simm.s32 $0x1BF5;
	[smem:$0x3FAF] =	sst s0  }
0x18: {  	s0 =	sld [smem:$0x3F92];
	_ =	swait.ge [sflag:s4], $0x0  }
0x19: {  	s7 =	sld [smem:$0x3F93]  }
0x1a: {  	s8 =	sadd.s32 $0xFFFFE003, lr  }
0x1b: {  	s9 =	sadd.s32 $0xFFFFFEF7, lr;
	s5 =	simm.s32 $0xFFFFFFFF;
	p2 =	slt.u32 s8, $0xFFFFF086  }
0x1c: {  	p1 =	slt.u32 s9, $0xF7A;
	s5 =	simm.s32 @!p2 $0x0  }
0x1d: {  	s5 =	simm.s32 @p1 $0x1;
	p0 =	seq.s32 s7, s2  }
0x1e: {  	s7 =	smul.u32 @!p0 $0xF7A, s2;
	p2 =	seq.s32 @!p0 s5, $0x0  }
0x1f: {  	s9 =	smul.u32 $0xF7A, s1;
	s8 =	simm.s32 @!p0 $0x1BF5;
	p2 =	por !p2, p0  }
0x20: {  	[sflag:s8] =	ssyncset.s32 @!p0 $0xFFFFF086;
	s6 =	sadd.s32 @!p0 s3, s7;
	s7 =	simm.s32 @!p0 $0x108  }
0x21: {  	s3 =	sadd.s32 s3, s9;
	s6 =	sadd.s32 @!p0 $0x88, s6;
	s7 =	simm.s32 @p2 $0x1082  }
0x22: {  	[simem:s7], [sflag:s8] =	dma.local @!p0 [hbm:s6], $0xF7A  }
0x23: {  	s9 =	sor.u32 $0xD0000000, s2;
	s6 =	simm.s32 $0x108;
	_ =	swait.ge @!p0 [sflag:s8], $0x0  }
0x24: {  	s3 =	sadd.s32 $0x88, s3;
	s6 =	simm.s32 @!p1 $0x1082;
	[sflag:s4] =	ssyncset.s32 $0xFFFFF086  }
0x25: {  	[simem:s6], [sflag:s4] =	dma.local [hbm:s3], $0xF7A  }
0x26: {  	[smem:$0x3F93] =	sst s1;
	(tag) =	ssettag s2;
	_ =	strace s9  }
0x27: {  	s1 =	sld [smem:$0x3FA3]  }
0x28: {  	s2 =	sld [smem:$0x3FA4]  }
0x29: {  	s4 =	sld [smem:$0x3FA6]  }
0x2a: {  	p0 =	seq.s32 s5, $0x0;
	s5 =	sld [smem:$0x3FA7]  }
0x2b: {  	s6 =	sld [smem:$0x3FA8]  }
0x2c: {  	s7 =	sld [smem:$0x3FA9]  }
0x2d: {  	s3 =	simm.s32 $0x108;
	s8 =	sld [smem:$0x3FAA]  }
0x2e: {  	s3 =	simm.s32 @!p0 $0x1082;
	s9 =	sld [smem:$0x3FAB]  }
0x2f: {  	lr =	sadd.s32 s0, s3;
	s0 =	sld [smem:$0x3FA2]  }
0x30: {  	s3 =	sld [smem:$0x3FA5]  }
0x31: {  	[smem:$0x3FAE] =	sst s10  }
0x32: {  	s10 =	sld [smem:$0x3FAC];
	_ =	sdelay $0x3  }
0x33: {  	p0 =	seq.s32 s10, $0x1;
	s10 =	sld [smem:$0x3FAE];
	_ =	sdelay $0x3  }
0x34: {  	[smem:$0x3FAE] =	sst s10  }
0x35: {  	s10 =	sld [smem:$0x3FAD];
	_ =	sdelay $0x3  }
0x36: {  	p1 =	seq.s32 s10, $0x1;
	s10 =	sld [smem:$0x3FAE];
	_ =	sdelay $0x3  }
0x37: {  	[smem:$0x3FAE] =	sst s10  }
0x38: {  	s10 =	sld [smem:$0x3FAF]  }
0x39: {  	_ = 	snop;
	(pc) =	sbr.ind lr, $3  }
0x3a: {  	_ = 	snop  }
0x3b: {  	_ = 	snop  }
0x3c: {  	p2 =	seq.s32 s10, $0x1;
	s10 =	sld [smem:$0x3FAE]  }
0x3d: {  	_ =	shalt  }
0x3e: {  	_ =	shalt  }
0x3f: {  	_ =	shalt  }
0x40: {  	_ =	shalt  }
0x41: {  	_ =	shalt  }
0x42: {  	_ =	shalt  }
0x43: {  	_ =	shalt  }
0x44: {  	_ =	shalt  }
0x45: {  	_ =	shalt  }
0x46: {  	_ =	shalt  }
0x47: {  	_ =	shalt  }
0x48: {  	_ =	shalt  }
0x49: {  	_ =	shalt  }
0x4a: {  	_ =	shalt  }
0x4b: {  	_ =	shalt  }
0x4c: {  	_ =	shalt  }
0x4d: {  	_ =	shalt  }
0x4e: {  	_ =	shalt  }
0x4f: {  	_ =	shalt  }
0x50: {  	_ =	shalt  }
0x51: {  	_ =	shalt  }
0x52: {  	_ =	shalt  }
0x53: {  	_ =	shalt  }
0x54: {  	_ =	shalt  }
0x55: {  	_ =	shalt  }
0x56: {  	_ =	shalt  }
0x57: {  	_ =	shalt  }
0x58: {  	_ =	shalt  }
0x59: {  	_ =	shalt  }
0x5a: {  	_ =	shalt  }
0x5b: {  	_ =	shalt  }
0x5c: {  	_ =	shalt  }
0x5d: {  	_ =	shalt  }
0x5e: {  	_ =	shalt  }
0x5f: {  	_ =	shalt  }
0x60: {  	_ =	shalt  }
0x61: {  	_ =	shalt  }
0x62: {  	_ =	shalt  }
0x63: {  	_ =	shalt  }
0x64: {  	_ =	shalt  }
0x65: {  	_ =	shalt  }
0x66: {  	_ =	shalt  }
0x67: {  	_ =	shalt  }
0x68: {  	_ =	shalt  }
0x69: {  	_ =	shalt  }
0x6a: {  	_ =	shalt  }
0x6b: {  	_ =	shalt  }
0x6c: {  	_ =	shalt  }
0x6d: {  	_ =	shalt  }
0x6e: {  	_ =	shalt  }
0x6f: {  	_ =	shalt  }
0x70: {  	_ =	shalt  }
0x71: {  	_ =	shalt  }
0x72: {  	_ =	shalt  }
0x73: {  	_ =	shalt  }
0x74: {  	_ =	shalt  }
0x75: {  	_ =	shalt  }
0x76: {  	_ =	shalt  }
0x77: {  	_ =	shalt  }
0x78: {  	_ =	shalt  }
0x79: {  	_ =	shalt  }
0x7a: {  	_ =	shalt  }
0x7b: {  	_ =	shalt  }
0x7c: {  	_ =	shalt  }
0x7d: {  	_ =	shalt  }
0x7e: {  	_ =	shalt  }
0x7f: {  	_ =	shalt  }
0x80: {  	_ =	shalt  }
0x81: {  	_ =	shalt  }
0x82: {  	_ =	shalt  }
0x83: {  	_ =	shalt  }
0x84: {  	_ =	shalt  }
0x85: {  	_ =	shalt  }
0x86: {  	_ =	shalt  }
0x87: {  	_ =	shalt  }
.Lfunc_end0:
.L_simem_size_0:
called_computation.2_lowered:
.L_overlay_start_0:
0x88: {  	s2 =	sld [smem:$0x3FD9]  }
0x89: {  	s3 =	sld [smem:$0x3FFE];
	_ =	sdelay $0x1  }
0x8a: {  	s1 =	srdreg.scid  }
0x8b: {  	s0 =	sand.u32 $0x1, s1  }
0x8c: {  	s17 =	sshll.u32 s0, $0xA;
	s2 =	sadd.s32 s3, s2  }
0x8d: {  	s2 =	sadd.s32 s2, s17  }
0x8e: {  	[smem:$0x3FBA] =	sst s2  }
0x8f: {  	_ = 	snop  }
0x90: {  	s2 =	sld [smem:$0x3FBD]  }
0x91: {  	s18 =	sld [smem:$0x3FD0];
	(tm) =	ssettm $0x1  }
0x92: {  	s4 =	sld [smem:$0x3FFB];
	_ =	sdelay $0x3  }
0x93: {  	_ =	strace s4  }
0x94: {  	s4 =	sld [smem:$0x3FFC];
	_ =	sdelay $0x3  }
0x95: {  	_ =	strace s4  }
0x96: {  	s4 =	sld [smem:$0x3FFD];
	_ =	sdelay $0x3  }
0x97: {  	_ =	strace s4  }
0x98: {  	_ =	strace $0x8FFFFFFF  }
0x99: {  	s19 =	sld [smem:$0x3FDB];
	_ =	sdelay $0x1  }
0x9a: {  	s5 =	simm.s32 $_scs_section_size  }
0x9b: {  	s6 =	simm.s32 $_size__tile_overlayer_lowered;
	s7 =	simm.s32 $_tile_overlayer_lowered  }
0x9c: {  	s22 =	simm.s32 $0x1BFF;
	s21 =	sshll.u32 s7, $0x1;
	s4 =	sadd.s32 s5, s19  }
0x9d: {  	s8 =	simm.s32 $0x0;
	s20 =	sshll.u32 s6, $0x1;
	s6 =	sadd.s32 s21, s4  }
0x9e: {  	[timem:s8], [sflag:s22] =	dma.local [hbm:s6], s20  }
0x9f: {  	_ =	swait.ge [sflag:s22], s20  }
0xa0: {  	s5 =	ssub.s32 $0x0, s20;
	[sflag:s22] =	ssyncset.done $0x0  }
0xa1: {  	[sflag:s22] =	ssyncadd.s32 s5;
	_ =	sdelay $0x1  }
0xa2: {  	s23 =	simm.s32 $0x1B8B  }
0xa3: {  	_ =	swait.ge [sflag:s23], $0x1  }
0xa4: {  	[sflag:s23] =	ssyncset.done $0x0  }
0xa5: {  	s25 =	simm.s32 $0x1B8E;
	s24 =	sld [smem:$0x3FFE];
	[sflag:s23] =	ssyncadd.s32 $0xFFFFFFFF  }
0xa6: {  	s26 =	simm.s32 $execute0_lowered;
	[smem:$0x3FD2] =	sst s25  }
0xa7: {  	s6 =	sshll.u32 s26, $0x1;
	_ =	strace $0x8000004C;
	[dreg:$0x1] =	wrdreg $0xFFFFFFFF  }
0xa8: {  	s28 =	simm.s32 $_size_execute0_lowered;
	s4 =	sadd.s32 s4, s6;
	[dreg:$0x0] =	wrdreg $0x0  }
0xa9: {  	s6 =	sshll.u32 s28, $0x1;
	[dreg:$0x2] =	wrdreg s4  }
0xaa: {  	[dreg:$0x3] =	wrdreg s6  }
0xab: {  	[dreg:$0x4] =	wrdreg $0xC0  }
0xac: {  	_ =	task [dreg:s8], $0x5FFFF  }
0xad: {  	[dreg:$0x1] =	wrdreg $0xFFFFFFFF  }
0xae: {  	[dreg:$0x0] =	wrdreg $0x60  }
0xaf: {  	[dreg:$0x2] =	wrdreg s24  }
0xb0: {  	[dreg:$0x3] =	wrdreg s2  }
0xb1: {  	[dreg:$0x4] =	wrdreg s18  }
0xb2: {  	[dreg:$0x5] =	wrdreg $0x9  }
0xb3: {  	_ =	task.clear_ibuf [dreg:s8], $0x6FFFF;
	_ =	strace $0x9000004C  }
0xb4: {  	s29 =	simm.s32 $0x9;
	_ =	strace $0x8000004E  }
0xb5: {  	_ =	swait.ge [sflag:s29], $0x1  }
0xb6: {  	[sflag:s29] =	ssyncadd.s32 $0xFFFFFFFF  }
0xb7: {  	_ =	strace $0x9000004E  }
0xb8: {  	_ =	sfence  }
0xb9: {  	s30 =	sld [smem:$0x0];
	_ =	sdelay $0x2  }
0xba: {  	s31 =	sshll.u32 s1, $0xD;
	s1 =	sshrl.u32 s1, $0x2  }
0xbb: {  	s3 =	sand.u32 $0x4000, s31;
	s1 =	sadd.s32 s1, s30  }
0xbc: {  	s0 =	sor.u32 s3, s0;
	s1 =	sshll.u32 s1, $0x11  }
0xbd: {  	s0 =	sor.u32 s1, s0  }
0xbe: {  	s0 =	sadd.s32 $0x8F2B, s0  }
0xbf: {  	[sflag:s0] =	ssyncadd.remote.s32 $0x1  }
0xc0: {  	_ =	sfence.sel $0xFFFF  }
0xc1: {  	[dreg:$0x0] =	wrdreg $0xFFFFFFFF;
	(pc) =	sbr.abs _section_cstart, $3  }
0xc2: {  	[dreg:$0x1] =	wrdreg $0xFFFFFFFF  }
0xc3: {  	_ =	task.clear_ibuf [dreg:s8], $0x2FFFF;
	_ =	strace $0x9FFFFFFF  }
0xc4: {  	(tm) =	ssettm $0x7FFFFFFF  }
0xc5: {  	_ =	shalt  }
tec
execute0_lowered:
.L_overlay_start_1:
0x0: {  	(tag) =	ssettag $0x1  }
0x1: {  	s0 =	rddreg [dreg:$0x0];
	s1 =	simm.s32 $0x0;
	s25 =	srdreg.scid;
	v0 =	vimm.s32 $0xFEDCBA98;
	v1 =	vimm.s32 $0x76543210;
	v2 =	vimm.s32 $0xBA98FEDC  }
0x2: {  	s4 =	stileid.u32;
	v3 =	vimm.s32 $0x32107654;
	s21 =	simm.s32 $0x2;
	v5 =	vimm.s32 $0x54761032;
	s29 =	simm.s32 $0x5900;
	v0 =	vunpack.c.l.s4.s8 v0  }
0x3: {  	v6 =	vimm.s32 $0xEFCDAB89;
	s30 =	simm.s32 $0x6100;
	s31 =	simm.s32 $0x6900;
	s12 =	simm.s32 $0x8900;
	v1 =	vunpack.c.l.s4.s8 v1  }
0x4: {  	v7 =	vimm.s32 $0x67452301;
	vm0 =	vmmov $0xffff;
	s13 =	simm.s32 $0x9100;
	s9 =	simm.s32 $0x9900;
	s11 =	simm.s32 $0xA280;
	v0 =	vunpack.c.0.s8.s32 v0  }
0x5: {  	s28 =	simm.s32 $0x0;
	s15 =	simm.s32 $0x0;
	[smem:$0x7FF] =	sst s1;
	v2 =	vunpack.c.l.s4.s8 v2;
	v3 =	vunpack.c.l.s4.s8 v3;
	v1 =	vunpack.c.0.s8.s32 v1  }
0x6: {  	s5 =	sadd.s32 $0x6FA00, s0;
	s1 =	sand.u32 $0x1, s25;
	s6 =	sadd.s32 $0x138000, s0;
	v5 =	vunpack.c.l.s4.s8 v5;
	v6 =	vunpack.c.l.s4.s8 v6;
	v4 =	vand.u32 $0xF, v0  }
0x7: {  	s7 =	sadd.s32 $0x65C00, s0;
	s4 =	sshll.u32 s4, $0x1;
	s8 =	sadd.s32 $0x5BE00, s0;
	v7 =	vunpack.c.l.s4.s8 v7;
	v1 =	vcombine.low v4, v1;
	v4 =	vimm.s32 $0xDCFE98BA  }
0x8: {  	s0 =	sadd.s32 $0x34E00, s0;
	_ =	strace $0x8000004D;
	s2 =	ssub.s32 $0x2, s1;
	v2 =	vunpack.c.0.s8.s32 v2;
	v3 =	vunpack.c.0.s8.s32 v3;
	v4 =	vunpack.c.l.s4.s8 v4  }
0x9: {  	s1 =	sor.u32 s1, s4;
	[dreg:$0x4] =	wrdreg s0;
	s3 =	sshrl.u32 s2, $0x1;
	v5 =	vunpack.c.0.s8.s32 v5;
	v10 =	vunpack.c.0.s8.s32 v6;
	v7 =	vunpack.c.0.s8.s32 v7  }
0xa: {  	s0 =	simm.s32 $0x7100;
	s4 =	simm.s32 $0x7900;
	s2 =	ssub.s32 s2, s3;
	v0 =	vlaneseq.u32;
	v2 =	vcombine.low v3, v2;
	v9 =	vunpack.c.0.s8.s32 v4  }
0xb: {  	s10 =	smul.u32 $0x2710, s1;
	s1 =	simm.s32 $0x8100;
	s26 =	smax.u32 s2, $0x1;
	v7 =	vcombine.low v7, v10;
	v8 =	vshrl.u32 v0, $0x3;
	v3 =	vand.u32 $0x7, v0  }
0xc: {  	s3 =	simm.s32 $0x0;
	[dreg:$0x5] =	wrdreg s26;
	s26 =	simm.s32 $0x1;
	v6 =	vor.u32 $0x8, v0;
	v4 =	vmul.u32 $0x8, v8;
	v5 =	vcombine.low v5, v9  }
.LBB2_1:
0xd: {  	[dreg:$0x6] =	wrdreg s3  }
0xe: {  	s2 =	rddreg [dreg:$0x1];
	s23 =	simm.s32 $0x0;
	s14 =	simm.s32 $0xA100  }
0xf: {  	[tilespmem:s14], [sflag:$0x2] =	stream.linear.gather [hbm4b:s2+s23], $0x100, $0x38;
	[tilespmem:$0xA300] =	vst v63  }
0x10: {  	_ =	swait.ge [sflag:s21], $0x100  }
0x11: {  	[sflag:s21] =	ssyncset.done $0x0  }
0x12: {  	s25 =	simm.s32 $0xA200;
	s24 =	rddreg [dreg:$0x4];
	[sflag:s21] =	ssyncadd.s32 $0xFFFFFF00  }
0x13: {  	[tilespmem:s25], [sflag:$0x2] =	stream.linear.gather [hbm4b:s24+s23], $0x80, $0x38;
	[tilespmem:$0xA300] =	vst v63  }
0x14: {  	_ =	swait.ge [sflag:s21], $0x80  }
0x15: {  	[sflag:s21] =	ssyncset.done $0x0  }
0x16: {  	s2 =	simm.s32 $0x0;
	[sflag:s21] =	ssyncadd.s32 $0xFFFFFF80  }
.LBB2_2:
0x17: {  	s3 =	smul.u32 $0x50, s2;
	_ =	sdelay $0x1  }
0x18: {  	s3 =	sadd.s32 s10, s3  }
0x19: {  	s14 =	sshrl.u32 s3, $0x3  }
0x1a: {  	s3 =	sadd.s32 s7, s14  }
0x1b: {  	[tilespmem:s15], [sflag:$0x2] =	stream.linear.gather [hbm4b:s3+s15], $0x50, $0x38;
	[tilespmem:$0xA300] =	vst v63  }
0x1c: {  	_ =	swait.ge [sflag:s21], $0x50  }
0x1d: {  	[sflag:s21] =	ssyncset.done $0x0  }
0x1e: {  	s16 =	simm.s32 $0x80;
	s23 =	sadd.s32 s8, s14;
	[sflag:s21] =	ssyncadd.s32 $0xFFFFFFB0  }
0x1f: {  	[tilespmem:s16], [sflag:$0x2] =	stream.linear.gather [hbm4b:s23+s15], $0x50, $0x38;
	[tilespmem:$0xA300] =	vst v63  }
0x20: {  	_ =	swait.ge [sflag:s21], $0x50  }
0x21: {  	[sflag:s21] =	ssyncset.done $0x0  }
0x22: {  	[sflag:s21] =	ssyncadd.s32 $0xFFFFFFB0  }
0x23: {  	v8 =	vld [tilespmem:$0x0];
	_ =	sdelay $0x4  }
0x24: {  	v9 =	vshll.u32 v8, $0x1  }
0x25: {  	v8 =	vand.u32 $0x7, v8;
	v9 =	vand.u32 $0xFFFFFFF0, v9  }
0x26: {  	v8 =	vor.u32 v8, v9  }
0x27: {  	v9 =	vperm.xlane v8, v3;
	_ =	sdelay $0x1  }
0x28: {  	v8 =	vperm.xlane v8, v6;
	v9 =	vadd.s32 v4, v9;
	_ =	sdelay $0x1  }
0x29: {  	v8 =	vadd.s32 v4, v8;
	_ =	sdelay $0x1  }
0x2a: {  	s24 =	simm.s32 $0x100  }
0x2b: {  	[tilespmem:s24], [sflag:$0x1] =	stream.indirect_vreg.gather [hbm4b:s5+s15], $0x80, v9, vm0, $0xb8;
	[tilespmem:$0xA300] =	vst v63  }
0x2c: {  	s25 =	simm.s32 $0x900  }
0x2d: {  	[tilespmem:s25], [sflag:$0x1] =	stream.indirect_vreg.gather [hbm4b:s5+s15], $0x80, v8, vm0, $0xb8;
	[tilespmem:$0xA300] =	vst v63  }
0x2e: {  	v8 =	vld [tilespmem:$0x10];
	_ =	sdelay $0x4  }
0x2f: {  	v55 =	vshll.u32 v8, $0x1  }
0x30: {  	v8 =	vand.u32 $0x7, v8;
	v9 =	vand.u32 $0xFFFFFFF0, v55  }
0x31: {  	v8 =	vor.u32 v8, v9  }
0x32: {  	v9 =	vperm.xlane v8, v3;
	_ =	sdelay $0x1  }
0x33: {  	v8 =	vperm.xlane v8, v6;
	v9 =	vadd.s32 v4, v9;
	_ =	sdelay $0x1  }
0x34: {  	v8 =	vadd.s32 v4, v8;
	_ =	sdelay $0x1  }
0x35: {  	s16 =	simm.s32 $0x1100  }
0x36: {  	[tilespmem:s16], [sflag:$0x1] =	stream.indirect_vreg.gather [hbm4b:s5+s15], $0x80, v9, vm0, $0xb8;
	[tilespmem:$0xA300] =	vst v63  }
0x37: {  	s17 =	simm.s32 $0x1900  }
0x38: {  	[tilespmem:s17], [sflag:$0x1] =	stream.indirect_vreg.gather [hbm4b:s5+s15], $0x80, v8, vm0, $0xb8;
	[tilespmem:$0xA300] =	vst v63  }
0x39: {  	v8 =	vld [tilespmem:$0x20];
	_ =	sdelay $0x4  }
0x3a: {  	v56 =	vshll.u32 v8, $0x1  }
0x3b: {  	v8 =	vand.u32 $0x7, v8;
	v9 =	vand.u32 $0xFFFFFFF0, v56  }
0x3c: {  	v8 =	vor.u32 v8, v9  }
0x3d: {  	v9 =	vperm.xlane v8, v3;
	_ =	sdelay $0x1  }
0x3e: {  	v8 =	vperm.xlane v8, v6;
	v9 =	vadd.s32 v4, v9;
	_ =	sdelay $0x1  }
0x3f: {  	v8 =	vadd.s32 v4, v8;
	_ =	sdelay $0x1  }
0x40: {  	s18 =	simm.s32 $0x2100  }
0x41: {  	[tilespmem:s18], [sflag:$0x1] =	stream.indirect_vreg.gather [hbm4b:s5+s15], $0x80, v9, vm0, $0xb8;
	[tilespmem:$0xA300] =	vst v63  }
0x42: {  	s19 =	simm.s32 $0x2900  }
0x43: {  	[tilespmem:s19], [sflag:$0x1] =	stream.indirect_vreg.gather [hbm4b:s5+s15], $0x80, v8, vm0, $0xb8;
	[tilespmem:$0xA300] =	vst v63  }
0x44: {  	v8 =	vld [tilespmem:$0x30];
	_ =	sdelay $0x4  }
0x45: {  	v57 =	vshll.u32 v8, $0x1  }
0x46: {  	v8 =	vand.u32 $0x7, v8;
	v9 =	vand.u32 $0xFFFFFFF0, v57  }
0x47: {  	v8 =	vor.u32 v8, v9  }
0x48: {  	v9 =	vperm.xlane v8, v3;
	_ =	sdelay $0x1  }
0x49: {  	v8 =	vperm.xlane v8, v6;
	v9 =	vadd.s32 v4, v9;
	_ =	sdelay $0x1  }
0x4a: {  	v8 =	vadd.s32 v4, v8;
	_ =	sdelay $0x1  }
0x4b: {  	s20 =	simm.s32 $0x3100  }
0x4c: {  	[tilespmem:s20], [sflag:$0x1] =	stream.indirect_vreg.gather [hbm4b:s5+s15], $0x80, v9, vm0, $0xb8;
	[tilespmem:$0xA300] =	vst v63  }
0x4d: {  	s22 =	simm.s32 $0x3900  }
0x4e: {  	[tilespmem:s22], [sflag:$0x1] =	stream.indirect_vreg.gather [hbm4b:s5+s15], $0x80, v8, vm0, $0xb8;
	[tilespmem:$0xA300] =	vst v63  }
0x4f: {  	v8 =	vld [tilespmem:$0x40];
	_ =	sdelay $0x4  }
0x50: {  	v58 =	vshll.u32 v8, $0x1  }
0x51: {  	v8 =	vand.u32 $0x7, v8;
	v9 =	vand.u32 $0xFFFFFFF0, v58  }
0x52: {  	v8 =	vor.u32 v8, v9  }
0x53: {  	v9 =	vperm.xlane v8, v3;
	_ =	sdelay $0x1  }
0x54: {  	v8 =	vperm.xlane v8, v6;
	v9 =	vadd.s32 v4, v9;
	_ =	sdelay $0x1  }
0x55: {  	v8 =	vadd.s32 v4, v8;
	_ =	sdelay $0x1  }
0x56: {  	s23 =	simm.s32 $0x4100  }
0x57: {  	[tilespmem:s23], [sflag:$0x1] =	stream.indirect_vreg.gather [hbm4b:s5+s15], $0x80, v9, vm0, $0xb8;
	[tilespmem:$0xA300] =	vst v63  }
0x58: {  	s24 =	simm.s32 $0x4900  }
0x59: {  	[tilespmem:s24], [sflag:$0x1] =	stream.indirect_vreg.gather [hbm4b:s5+s15], $0x80, v8, vm0, $0xb8;
	[tilespmem:$0xA300] =	vst v63  }
0x5a: {  	_ =	swait.ge [sflag:s26], $0x5000  }
0x5b: {  	[sflag:s26] =	ssyncset.done $0x0  }
0x5c: {  	[sflag:s26] =	ssyncadd.s32 $0xFFFFB000  }
0x5d: {  	v8 =	vld [tilespmem:$0x80];
	_ =	sdelay $0x4  }
0x5e: {  	v59 =	vshll.u32 v8, $0x1  }
0x5f: {  	v8 =	vand.u32 $0x7, v8;
	v9 =	vand.u32 $0xFFFFFFF0, v59  }
0x60: {  	v8 =	vor.u32 v8, v9  }
0x61: {  	v9 =	vperm.xlane v8, v3;
	_ =	sdelay $0x1  }
0x62: {  	v8 =	vperm.xlane v8, v6;
	v9 =	vadd.s32 v4, v9;
	_ =	sdelay $0x1  }
0x63: {  	v8 =	vadd.s32 v4, v8;
	_ =	sdelay $0x1  }
0x64: {  	s25 =	simm.s32 $0x5100  }
0x65: {  	[tilespmem:s25], [sflag:$0x1] =	stream.indirect_vreg.gather [hbm4b:s6+s15], $0x80, v9, vm0, $0xb8;
	[tilespmem:$0xA300] =	vst v63  }
0x66: {  	_ = 	snop  }
0x67: {  	[tilespmem:s29], [sflag:$0x1] =	stream.indirect_vreg.gather [hbm4b:s6+s15], $0x80, v8, vm0, $0xb8;
	[tilespmem:$0xA300] =	vst v63  }
0x68: {  	v8 =	vld [tilespmem:$0x90];
	_ =	sdelay $0x4  }
0x69: {  	v60 =	vshll.u32 v8, $0x1  }
0x6a: {  	v8 =	vand.u32 $0x7, v8;
	v9 =	vand.u32 $0xFFFFFFF0, v60  }
0x6b: {  	v8 =	vor.u32 v8, v9  }
0x6c: {  	v9 =	vperm.xlane v8, v3;
	_ =	sdelay $0x1  }
0x6d: {  	v8 =	vperm.xlane v8, v6;
	v9 =	vadd.s32 v4, v9;
	_ =	sdelay $0x1  }
0x6e: {  	v8 =	vadd.s32 v4, v8;
	_ =	sdelay $0x2  }
0x6f: {  	[tilespmem:s30], [sflag:$0x1] =	stream.indirect_vreg.gather [hbm4b:s6+s15], $0x80, v9, vm0, $0xb8;
	[tilespmem:$0xA300] =	vst v63  }
0x70: {  	_ = 	snop  }
0x71: {  	[tilespmem:s31], [sflag:$0x1] =	stream.indirect_vreg.gather [hbm4b:s6+s15], $0x80, v8, vm0, $0xb8;
	[tilespmem:$0xA300] =	vst v63  }
0x72: {  	v8 =	vld [tilespmem:$0xA0];
	_ =	sdelay $0x4  }
0x73: {  	v61 =	vshll.u32 v8, $0x1  }
0x74: {  	v8 =	vand.u32 $0x7, v8;
	v9 =	vand.u32 $0xFFFFFFF0, v61  }
0x75: {  	v8 =	vor.u32 v8, v9  }
0x76: {  	v9 =	vperm.xlane v8, v3;
	_ =	sdelay $0x1  }
0x77: {  	v8 =	vperm.xlane v8, v6;
	v9 =	vadd.s32 v4, v9;
	_ =	sdelay $0x1  }
0x78: {  	v8 =	vadd.s32 v4, v8;
	_ =	sdelay $0x2  }
0x79: {  	[tilespmem:s0], [sflag:$0x1] =	stream.indirect_vreg.gather [hbm4b:s6+s15], $0x80, v9, vm0, $0xb8;
	[tilespmem:$0xA300] =	vst v63  }
0x7a: {  	_ = 	snop  }
0x7b: {  	[tilespmem:s4], [sflag:$0x1] =	stream.indirect_vreg.gather [hbm4b:s6+s15], $0x80, v8, vm0, $0xb8;
	[tilespmem:$0xA300] =	vst v63  }
0x7c: {  	v8 =	vld [tilespmem:$0xB0];
	_ =	sdelay $0x4  }
0x7d: {  	v62 =	vshll.u32 v8, $0x1  }
0x7e: {  	v8 =	vand.u32 $0x7, v8;
	v9 =	vand.u32 $0xFFFFFFF0, v62  }
0x7f: {  	v8 =	vor.u32 v8, v9  }
0x80: {  	v9 =	vperm.xlane v8, v3;
	_ =	sdelay $0x1  }
0x81: {  	v8 =	vperm.xlane v8, v6;
	v9 =	vadd.s32 v4, v9;
	_ =	sdelay $0x1  }
0x82: {  	v8 =	vadd.s32 v4, v8;
	_ =	sdelay $0x2  }
0x83: {  	[tilespmem:s1], [sflag:$0x1] =	stream.indirect_vreg.gather [hbm4b:s6+s15], $0x80, v9, vm0, $0xb8;
	[tilespmem:$0xA300] =	vst v63  }
0x84: {  	_ = 	snop  }
0x85: {  	[tilespmem:s12], [sflag:$0x1] =	stream.indirect_vreg.gather [hbm4b:s6+s15], $0x80, v8, vm0, $0xb8;
	[tilespmem:$0xA300] =	vst v63  }
0x86: {  	v8 =	vld [tilespmem:$0xC0];
	_ =	sdelay $0x4  }
0x87: {  	v63 =	vshll.u32 v8, $0x1  }
0x88: {  	v8 =	vand.u32 $0x7, v8;
	v9 =	vand.u32 $0xFFFFFFF0, v63  }
0x89: {  	v8 =	vor.u32 v8, v9  }
0x8a: {  	v9 =	vperm.xlane v8, v3;
	_ =	sdelay $0x1  }
0x8b: {  	v8 =	vperm.xlane v8, v6;
	v9 =	vadd.s32 v4, v9;
	_ =	sdelay $0x1  }
0x8c: {  	v8 =	vadd.s32 v4, v8;
	_ =	sdelay $0x2  }
0x8d: {  	[tilespmem:s13], [sflag:$0x1] =	stream.indirect_vreg.gather [hbm4b:s6+s15], $0x80, v9, vm0, $0xb8;
	[tilespmem:$0xA300] =	vst v63  }
0x8e: {  	_ = 	snop  }
0x8f: {  	[tilespmem:s9], [sflag:$0x1] =	stream.indirect_vreg.gather [hbm4b:s6+s15], $0x80, v8, vm0, $0xb8;
	[tilespmem:$0xA300] =	vst v63  }
0x90: {  	_ =	swait.ge [sflag:s26], $0x5000  }
0x91: {  	[sflag:s26] =	ssyncset.done $0x0  }
0x92: {  	s16 =	simm.s32 $0x0;
	[sflag:s26] =	ssyncadd.s32 $0xFFFFB000  }
.LBB2_3:
0x93: {  	v24 =	vld [tilespmem:$0xA100]  }
0x94: {  	v23 =	vld [tilespmem:$0xA110]  }
0x95: {  	v22 =	vld [tilespmem:$0xA120]  }
0x96: {  	v21 =	vld [tilespmem:$0xA130]  }
0x97: {  	v20 =	vld [tilespmem:$0xA140]  }
0x98: {  	v19 =	vld [tilespmem:$0xA150]  }
0x99: {  	v17 =	vld [tilespmem:$0xA160]  }
0x9a: {  	v16 =	vld [tilespmem:$0xA170]  }
0x9b: {  	v15 =	vld [tilespmem:$0xA180]  }
0x9c: {  	v14 =	vld [tilespmem:$0xA190]  }
0x9d: {  	v13 =	vld [tilespmem:$0xA1A0]  }
0x9e: {  	v12 =	vld [tilespmem:$0xA1B0]  }
0x9f: {  	v11 =	vld [tilespmem:$0xA1C0]  }
0xa0: {  	s19 =	sshll.u32 s16, $0xC;
	v10 =	vld [tilespmem:$0xA1D0];
	s3 =	sand.u32 $0x800, s15  }
0xa1: {  	v9 =	vld [tilespmem:$0xA1E0];
	s17 =	sand.u32 $0x380, s15;
	s3 =	sor.u32 s19, s3  }
0xa2: {  	v8 =	vld [tilespmem:$0xA1F0];
	s3 =	sor.u32 s17, s3  }
0xa3: {  	v18 =	vld [tilespmem:s3+$0x100]  }
0xa4: {  	v25 =	vld [tilespmem:s3+$0x5100]  }
0xa5: {  	v26 =	vld [tilespmem:s3+$0x110]  }
0xa6: {  	v27 =	vld [tilespmem:s3+$0x5110]  }
0xa7: {  	v28 =	vld [tilespmem:s3+$0x120]  }
0xa8: {  	v29 =	vld [tilespmem:s3+$0x5120]  }
0xa9: {  	v30 =	vld [tilespmem:s3+$0x5130];
	v18 =	vadd.f32 v25, v18  }
0xaa: {  	v25 =	vld [tilespmem:s3+$0x130]  }
0xab: {  	v31 =	vld [tilespmem:s3+$0x5140];
	v26 =	vadd.f32 v27, v26;
	v18 =	vmax.f32 v18, $0.0e+00  }
0xac: {  	v27 =	vld [tilespmem:s3+$0x140];
	v18 =	vmul.f32 v18, v24  }
0xad: {  	v32 =	vld [tilespmem:s3+$0x5150];
	v28 =	vadd.f32 v29, v28;
	v26 =	vmax.f32 v26, $0.0e+00  }
0xae: {  	v29 =	vld [tilespmem:s3+$0x150];
	v26 =	vmul.f32 v26, v23;
	v18 =	vadd.f32 $0.0e+00, v18  }
0xaf: {  	v28 =	vmax.f32 v28, $0.0e+00;
	v25 =	vadd.f32 v30, v25;
	v30 =	vld [tilespmem:s3+$0x160]  }
0xb0: {  	v18 =	vadd.f32 v26, v18;
	v26 =	vmul.f32 v28, v22;
	v28 =	vld [tilespmem:s3+$0x5160]  }
0xb1: {  	v27 =	vadd.f32 v31, v27;
	v31 =	vld [tilespmem:s3+$0x170];
	v25 =	vmax.f32 v25, $0.0e+00  }
0xb2: {  	v25 =	vmul.f32 v25, v21;
	v18 =	vadd.f32 v26, v18;
	v26 =	vld [tilespmem:s3+$0x5170]  }
0xb3: {  	v61 =	vld [tilespmem:s3+$0x500];
	v29 =	vadd.f32 v32, v29;
	v27 =	vmax.f32 v27, $0.0e+00  }
0xb4: {  	v18 =	vadd.f32 v25, v18;
	v25 =	vmul.f32 v27, v20;
	v27 =	vld [tilespmem:s3+$0x5500]  }
0xb5: {  	v29 =	vmax.f32 v29, $0.0e+00;
	v28 =	vadd.f32 v28, v30;
	v30 =	vld [tilespmem:s3+$0x510]  }
0xb6: {  	v18 =	vadd.f32 v25, v18;
	v25 =	vmul.f32 v29, v19;
	v29 =	vld [tilespmem:s3+$0x5510]  }
0xb7: {  	v28 =	vmax.f32 v28, $0.0e+00;
	v26 =	vadd.f32 v26, v31;
	v31 =	vld [tilespmem:s3+$0x520]  }
0xb8: {  	v18 =	vadd.f32 v25, v18;
	v25 =	vmul.f32 v28, v17;
	v28 =	vld [tilespmem:s3+$0x5520]  }
0xb9: {  	v62 =	vld [tilespmem:s3+$0x530];
	v26 =	vmax.f32 v26, $0.0e+00;
	v27 =	vadd.f32 v27, v61  }
0xba: {  	v18 =	vadd.f32 v25, v18;
	v25 =	vmul.f32 v26, v16;
	v26 =	vld [tilespmem:s3+$0x5530]  }
0xbb: {  	v34 =	vld [tilespmem:s3+$0x540];
	v27 =	vmax.f32 v27, $0.0e+00;
	v29 =	vadd.f32 v29, v30  }
0xbc: {  	v35 =	vld [tilespmem:s3+$0x5540];
	v18 =	vadd.f32 v25, v18;
	v25 =	vmul.f32 v27, v15  }
0xbd: {  	v27 =	vld [tilespmem:s3+$0x550];
	v29 =	vmax.f32 v29, $0.0e+00;
	v28 =	vadd.f32 v28, v31  }
0xbe: {  	v30 =	vadd.f32 v25, v18;
	v31 =	vmul.f32 v29, v14;
	v29 =	vld [tilespmem:s3+$0x5550]  }
0xbf: {  	s20 =	simm.s32 $0x100;
	s22 =	simm.s32 $0x80;
	v25 =	vld [tilespmem:s3+$0x560];
	v26 =	vadd.f32 v26, v62;
	v63 =	vmax.f32 v28, $0.0e+00  }
0xc0: {  	s23 =	simm.s32 $0x2;
	s18 =	sand.u32 $0x800, s20;
	s25 =	sand.u32 $0x380, s22;
	v28 =	vld [tilespmem:s3+$0x5560];
	v30 =	vadd.f32 v31, v30;
	v32 =	vmul.f32 v63, v13  }
0xc1: {  	s17 =	simm.s32 $0x1;
	s24 =	sor.u32 s19, s18;
	s18 =	simm.s32 $0x0;
	v18 =	vimm.f32 $0.0e+00;
	v31 =	vadd.f32 v35, v34;
	v33 =	vmax.f32 v26, $0.0e+00;
	v26 =	vld [tilespmem:s3+$0x570]  }
.LBB2_4:
0xc2: {  	p0 =	sne.s32 s23, $0xF;
	v30 =	vadd.f32 v32, v30;
	v32 =	vmul.f32 v33, v12;
	v33 =	vld [tilespmem:s3+$0x5570];
	s3 =	sor.u32 s25, s24  }
0xc3: {  	v34 =	vld [tilespmem:s3+$0x100];
	v31 =	vmax.f32 v31, $0.0e+00;
	v27 =	vadd.f32 v29, v27  }
0xc4: {  	v29 =	vld [tilespmem:s3+$0x5100];
	v30 =	vadd.f32 v32, v30;
	v31 =	vmul.f32 v31, v11  }
0xc5: {  	v32 =	vld [tilespmem:s3+$0x110];
	v27 =	vmax.f32 v27, $0.0e+00;
	v25 =	vadd.f32 v28, v25  }
0xc6: {  	v28 =	vld [tilespmem:s3+$0x5110];
	v30 =	vadd.f32 v31, v30;
	v27 =	vmul.f32 v27, v10  }
0xc7: {  	v31 =	vld [tilespmem:s3+$0x120];
	v25 =	vmax.f32 v25, $0.0e+00;
	v26 =	vadd.f32 v33, v26  }
0xc8: {  	v33 =	vld [tilespmem:s3+$0x5120];
	v27 =	vadd.f32 v27, v30;
	v25 =	vmul.f32 v25, v9  }
0xc9: {  	v29 =	vadd.f32 v29, v34;
	v30 =	vld [tilespmem:s3+$0x130];
	v26 =	vmax.f32 v26, $0.0e+00  }
0xca: {  	v34 =	vld [tilespmem:s3+$0x5130];
	v25 =	vadd.f32 v25, v27;
	v26 =	vmul.f32 v26, v8  }
0xcb: {  	v27 =	vmax.f32 v29, $0.0e+00;
	v28 =	vadd.f32 v28, v32;
	v29 =	vld [tilespmem:s3+$0x140]  }
0xcc: {  	v27 =	vmul.f32 v27, v24;
	v32 =	vld [tilespmem:s3+$0x5140];
	v25 =	vadd.f32 v26, v25  }
0xcd: {  	v26 =	vmax.f32 v28, $0.0e+00;
	v28 =	vadd.f32 v33, v31;
	v31 =	vld [tilespmem:s3+$0x150]  }
0xce: {  	v27 =	vadd.f32 $0.0e+00, v27;
	v26 =	vmul.f32 v26, v23;
	v33 =	vld [tilespmem:s3+$0x5150];
	v35 =	vperm.xlane v25, v1  }
0xcf: {  	v28 =	vmax.f32 v28, $0.0e+00;
	v30 =	vadd.f32 v34, v30;
	v34 =	vld [tilespmem:s3+$0x160]  }
0xd0: {  	v26 =	vadd.f32 v26, v27;
	v27 =	vmul.f32 v28, v22;
	v28 =	vld [tilespmem:s3+$0x5160];
	v25 =	vadd.f32 v25, v35  }
0xd1: {  	v30 =	vmax.f32 v30, $0.0e+00;
	v29 =	vadd.f32 v32, v29;
	v32 =	vld [tilespmem:s3+$0x170]  }
0xd2: {  	v26 =	vadd.f32 v27, v26;
	v27 =	vmul.f32 v30, v21;
	v30 =	vld [tilespmem:s3+$0x5170];
	v35 =	vperm.xlane v25, v2  }
0xd3: {  	v29 =	vmax.f32 v29, $0.0e+00;
	v31 =	vadd.f32 v33, v31;
	v33 =	vld [tilespmem:s3+$0x500]  }
0xd4: {  	v26 =	vadd.f32 v27, v26;
	v27 =	vmul.f32 v29, v20;
	v29 =	vld [tilespmem:s3+$0x5500];
	v25 =	vadd.f32 v25, v35  }
0xd5: {  	v31 =	vmax.f32 v31, $0.0e+00;
	v28 =	vadd.f32 v28, v34;
	v34 =	vld [tilespmem:s3+$0x510]  }
0xd6: {  	v26 =	vadd.f32 v27, v26;
	v27 =	vmul.f32 v31, v19;
	v31 =	vld [tilespmem:s3+$0x5510];
	v35 =	vperm.xlane v25, v5  }
0xd7: {  	v28 =	vmax.f32 v28, $0.0e+00;
	v30 =	vadd.f32 v30, v32;
	v32 =	vld [tilespmem:s3+$0x520]  }
0xd8: {  	v26 =	vadd.f32 v27, v26;
	v27 =	vmul.f32 v28, v17;
	v28 =	vld [tilespmem:s3+$0x5520];
	v25 =	vadd.f32 v25, v35  }
0xd9: {  	v30 =	vmax.f32 v30, $0.0e+00;
	v29 =	vadd.f32 v29, v33;
	v33 =	vld [tilespmem:s3+$0x530]  }
0xda: {  	v26 =	vadd.f32 v27, v26;
	v27 =	vmul.f32 v30, v16;
	v30 =	vld [tilespmem:s3+$0x5530];
	v35 =	vperm.xlane v25, v7  }
0xdb: {  	v36 =	vmov s18;
	s18 =	smov.u32 s17;
	s17 =	smov.u32 s23;
	v29 =	vmax.f32 v29, $0.0e+00;
	v31 =	vadd.f32 v31, v34;
	v34 =	vld [tilespmem:s3+$0x540]  }
0xdc: {  	v26 =	vadd.f32 v27, v26;
	v29 =	vmul.f32 v29, v15;
	v37 =	vld [tilespmem:s3+$0x5540];
	v25 =	vadd.f32 v25, v35  }
.Ltmp0:
0xdd: {  	vm1 =	veq.s32 v36, v0;
	v31 =	vmax.f32 v31, $0.0e+00;
	v28 =	vadd.f32 v28, v32;
	v27 =	vld [tilespmem:s3+$0x550];
	(pc) =	sbr.rel @p0 .LBB2_4-.Ltmp0, $4  }
0xde: {  	v26 =	vadd.f32 v29, v26;
	v31 =	vmul.f32 v31, v14;
	v29 =	vld [tilespmem:s3+$0x5550];
	v18 =	vsel vm1, v25, v18  }
0xdf: {  	s20 =	sadd.s32 $0x100, s20;
	v28 =	vmax.f32 v28, $0.0e+00;
	v33 =	vadd.f32 v30, v33;
	v25 =	vld [tilespmem:s3+$0x560]  }
0xe0: {  	s22 =	sadd.s32 $0x80, s22;
	s24 =	sand.u32 $0x800, s20;
	v30 =	vadd.f32 v31, v26;
	v32 =	vmul.f32 v28, v13;
	v28 =	vld [tilespmem:s3+$0x5560]  }
0xe1: {  	s23 =	sadd.s32 $0x1, s23;
	s25 =	sand.u32 $0x380, s22;
	s24 =	sor.u32 s19, s24;
	v33 =	vmax.f32 v33, $0.0e+00;
	v31 =	vadd.f32 v37, v34;
	v26 =	vld [tilespmem:s3+$0x570]  }
0xe2: {  	s19 =	sor.u32 s25, s24;
	v34 =	vld [tilespmem:s3+$0x5570]  }
0xe3: {  	v35 =	vld [tilespmem:s19+$0x100]  }
0xe4: {  	v36 =	vld [tilespmem:s19+$0x5100]  }
0xe5: {  	v37 =	vld [tilespmem:s19+$0x110]  }
0xe6: {  	v38 =	vld [tilespmem:s19+$0x5110]  }
0xe7: {  	v39 =	vld [tilespmem:s19+$0x120]  }
0xe8: {  	v40 =	vld [tilespmem:s19+$0x5120]  }
0xe9: {  	v44 =	vld [tilespmem:s19+$0x130];
	v35 =	vadd.f32 v36, v35  }
0xea: {  	v41 =	vld [tilespmem:s19+$0x5130]  }
0xeb: {  	v45 =	vld [tilespmem:s19+$0x140];
	v37 =	vadd.f32 v38, v37;
	v35 =	vmax.f32 v35, $0.0e+00  }
0xec: {  	v46 =	vld [tilespmem:s19+$0x5140];
	v24 =	vmul.f32 v35, v24  }
0xed: {  	v47 =	vld [tilespmem:s19+$0x150];
	v39 =	vadd.f32 v40, v39;
	v37 =	vmax.f32 v37, $0.0e+00  }
0xee: {  	v48 =	vld [tilespmem:s19+$0x5150];
	v23 =	vmul.f32 v37, v23;
	v24 =	vadd.f32 $0.0e+00, v24  }
0xef: {  	v49 =	vld [tilespmem:s19+$0x160];
	v36 =	vadd.f32 v41, v44;
	v39 =	vmax.f32 v39, $0.0e+00  }
0xf0: {  	v50 =	vld [tilespmem:s19+$0x5160];
	v22 =	vmul.f32 v39, v22;
	v23 =	vadd.f32 v23, v24  }
0xf1: {  	v51 =	vld [tilespmem:s19+$0x170];
	v36 =	vmax.f32 v36, $0.0e+00;
	v35 =	vadd.f32 v46, v45  }
0xf2: {  	v52 =	vld [tilespmem:s19+$0x5170];
	v21 =	vmul.f32 v36, v21;
	v22 =	vadd.f32 v22, v23  }
0xf3: {  	v54 =	vld [tilespmem:s19+$0x500];
	v53 =	vadd.f32 v48, v47;
	v35 =	vmax.f32 v35, $0.0e+00  }
0xf4: {  	v55 =	vld [tilespmem:s19+$0x5500];
	v20 =	vmul.f32 v35, v20;
	v21 =	vadd.f32 v21, v22  }
0xf5: {  	v57 =	vld [tilespmem:s19+$0x510];
	v56 =	vmax.f32 v53, $0.0e+00;
	v24 =	vadd.f32 v50, v49  }
0xf6: {  	v58 =	vld [tilespmem:s19+$0x5510];
	v19 =	vmul.f32 v56, v19;
	v20 =	vadd.f32 v20, v21  }
0xf7: {  	v59 =	vld [tilespmem:s19+$0x520];
	v24 =	vmax.f32 v24, $0.0e+00;
	v23 =	vadd.f32 v52, v51  }
0xf8: {  	v60 =	vld [tilespmem:s19+$0x5520];
	v17 =	vmul.f32 v24, v17;
	v19 =	vadd.f32 v19, v20  }
0xf9: {  	v61 =	vld [tilespmem:s19+$0x530];
	v23 =	vmax.f32 v23, $0.0e+00;
	v22 =	vadd.f32 v55, v54  }
0xfa: {  	v30 =	vadd.f32 v32, v30;
	v62 =	vld [tilespmem:s19+$0x5530];
	v16 =	vmul.f32 v23, v16;
	v17 =	vadd.f32 v17, v19  }
0xfb: {  	v63 =	vmul.f32 v33, v12;
	v36 =	vld [tilespmem:s19+$0x540];
	v22 =	vmax.f32 v22, $0.0e+00;
	v21 =	vadd.f32 v58, v57  }
0xfc: {  	v31 =	vmax.f32 v31, $0.0e+00;
	v37 =	vld [tilespmem:s19+$0x5540];
	v15 =	vmul.f32 v22, v15;
	v16 =	vadd.f32 v16, v17  }
0xfd: {  	v38 =	vadd.f32 v29, v27;
	v40 =	vld [tilespmem:s19+$0x5550];
	v21 =	vmax.f32 v21, $0.0e+00;
	v20 =	vadd.f32 v60, v59  }
0xfe: {  	v41 =	vmul.f32 v31, v11;
	v39 =	vld [tilespmem:s19+$0x550];
	v14 =	vmul.f32 v21, v14;
	v15 =	vadd.f32 v15, v16  }
0xff: {  	v42 =	vld [tilespmem:s19+$0x560];
	v44 =	vadd.f32 v28, v25;
	v20 =	vmax.f32 v20, $0.0e+00;
	v19 =	vadd.f32 v62, v61  }
0x100: {  	v43 =	vld [tilespmem:s19+$0x5560];
	v50 =	vadd.f32 v34, v26;
	v13 =	vmul.f32 v20, v13;
	v14 =	vadd.f32 v14, v15  }
0x101: {  	v47 =	vld [tilespmem:s19+$0x5570];
	v23 =	vadd.f32 v63, v30;
	v19 =	vmax.f32 v19, $0.0e+00;
	v17 =	vadd.f32 v37, v36  }
0x102: {  	v45 =	vld [tilespmem:s19+$0x570];
	v22 =	vmax.f32 v38, $0.0e+00;
	v46 =	vmul.f32 v19, v12;
	v13 =	vadd.f32 v13, v14  }
0x103: {  	v48 =	vmul.f32 v22, v10;
	v17 =	vmax.f32 v17, $0.0e+00;
	v16 =	vadd.f32 v40, v39  }
0x104: {  	v21 =	vadd.f32 v41, v23;
	v49 =	vmul.f32 v17, v11;
	v12 =	vadd.f32 v46, v13  }
0x105: {  	v20 =	vmax.f32 v44, $0.0e+00;
	v16 =	vmax.f32 v16, $0.0e+00;
	v15 =	vadd.f32 v43, v42  }
0x106: {  	v51 =	vadd.f32 v48, v21;
	v52 =	vmul.f32 v16, v10;
	v11 =	vadd.f32 v49, v12  }
0x107: {  	v53 =	vmul.f32 v20, v9;
	v15 =	vmax.f32 v15, $0.0e+00;
	v14 =	vadd.f32 v47, v45  }
0x108: {  	v54 =	vmul.f32 v15, v9;
	v13 =	vmax.f32 v50, $0.0e+00;
	v10 =	vadd.f32 v52, v11  }
0x109: {  	v55 =	vadd.f32 v53, v51;
	v57 =	vmax.f32 v14, $0.0e+00;
	v56 =	vmul.f32 v13, v8  }
0x10a: {  	v8 =	vmul.f32 v57, v8;
	v9 =	vadd.f32 v54, v10  }
0x10b: {  	v58 =	vadd.f32 v56, v55  }
0x10c: {  	v8 =	vadd.f32 v8, v9  }
0x10d: {  	v59 =	vperm.xlane v58, v1  }
0x10e: {  	v60 =	vperm.xlane v8, v1  }
0x10f: {  	v9 =	vadd.f32 v58, v59  }
0x110: {  	v8 =	vadd.f32 v8, v60  }
0x111: {  	v10 =	vperm.xlane v9, v2  }
0x112: {  	v11 =	vperm.xlane v8, v2  }
0x113: {  	v9 =	vadd.f32 v9, v10  }
0x114: {  	v8 =	vadd.f32 v8, v11  }
0x115: {  	v10 =	vperm.xlane v9, v5  }
0x116: {  	v11 =	vperm.xlane v8, v5  }
0x117: {  	v9 =	vadd.f32 v9, v10  }
0x118: {  	v8 =	vadd.f32 v8, v11  }
0x119: {  	v10 =	vperm.xlane v9, v7  }
0x11a: {  	v61 =	vld [tilespmem:$0xA200];
	v11 =	vperm.xlane v8, v7  }
0x11b: {  	s25 =	sshll.u32 s16, $0x4;
	s16 =	sadd.s32 $0x1, s16;
	v62 =	vmov s18;
	v9 =	vadd.f32 v9, v10  }
0x11c: {  	p0 =	sne.s32 s16, $0x5;
	v63 =	vmov s17;
	vm1 =	veq.s32 v62, v0;
	v8 =	vadd.f32 v8, v11  }
.Ltmp1:
0x11d: {  	v9 =	vsel vm1, v9, v18;
	vm1 =	veq.s32 v63, v0;
	(pc) =	sbr.rel @p0 .LBB2_3-.Ltmp1, $4  }
0x11e: {  	v8 =	vsel vm1, v8, v9  }
0x11f: {  	v8 =	vadd.f32 v61, v8  }
0x120: {  	s3 =	sand.u32 $0x3FFFFFF0, s25  }
0x121: {  	[tilespmem:s3+$0xA280] =	vst v8  }
0x122: {  	s2 =	sadd.s32 $0x1, s2  }
0x123: {  	s3 =	rddreg [dreg:$0x2];
	p0 =	sne.s32 s2, $0x7D  }
.Ltmp2:
0x124: {  	s3 =	sadd.s32 s3, s14;
	(pc) =	sbr.rel @p0 .LBB2_2-.Ltmp2, $4  }
0x125: {  	[hbm4b:s3+s28] =	stream.linear.scatter [tilespmem:s11], [sflag:$0x2], $0x50, $0x38;
	[tilespmem:$0xA300] =	vst v63  }
0x126: {  	_ =	swait.ge [sflag:s21], $0x50  }
0x127: {  	[sflag:s21] =	ssyncset.done $0x0  }
0x128: {  	[sflag:s21] =	ssyncadd.s32 $0xFFFFFFB0  }
0x129: {  	s3 =	rddreg [dreg:$0x6]  }
0x12a: {  	s2 =	rddreg [dreg:$0x5];
	s3 =	sadd.s32 $0x1, s3  }
0x12b: {  	p0 =	sne.s32 s3, s2  }
.Ltmp3:
0x12c: {  	_ = 	snop;
	(pc) =	sbr.rel @p0 .LBB2_1-.Ltmp3, $1  }
0x12d: {  	_ =	sdelay $0x3  }
0x12e: {  	_ =	sfence.sel $0x180000  }
0x12f: {  	[bflag:$0x0] =	sbarrier.arrive $0xFFFF  }
0x130: {  	_ =	strace $0x9000004D  }
0x131: {  	s0 =	stileid.u32;
	[bflag:$0x2] =	sbarrier.arrive $0xFFFF  }
0x132: {  	p0 =	sne.s32 s0, $0x0;
	s0 =	rddreg [dreg:$0x3]  }
0x133: {  	s0 =	sadd.s32 @!p0 $0x100000, s0  }
0x134: {  	[sflag:s0] =	ssyncadd.tile.s32 @!p0 $0x1;
	_ =	shalt  }
.Lfunc_end2:
_tile_overlayer_lowered:
.L_overlay_start_2:
0x135: {  	(tag) =	ssettag $0x2  }
0x136: {  	s0 =	rddreg [dreg:$0x0];
	s2 =	stileid.u32  }
0x137: {  	s1 =	rddreg [dreg:$0x1];
	p0 =	sne.s32 s2, $0x0  }
0x138: {  	s3 =	rddreg [dreg:$0x2];
	[bflag:$0x3] =	sbarrier.arrive $0xFFFF;
	s2 =	simm.s32 @!p0 $0x1C02  }
0x139: {  	[timem:s3], [sflag:s2] =	dma.local @!p0 [hbm:s0], s1  }
0x13a: {  	s0 =	simm.s32 @!p0 $0x2  }
0x13b: {  	_ =	swait.ge @!p0 [sflag:s0], s1  }
0x13c: {  	s1 =	ssub.s32 @!p0 $0x0, s1;
	[sflag:s0] =	ssyncset.done @!p0 $0x0  }
0x13d: {  	[sflag:s0] =	ssyncadd.s32 @!p0 s1  }
0x13e: {  	[bflag:$0x3] =	sbarrier.arrive $0xFFFF  }
0x13f: {  	_ =	shalt  }

// kernel: kernel.8.cloned.1.call-start
scs
__scs_entry_jumppad:
0x0: {  	(pc) =	sbr.rel $0x88, $3  }
0x1: {  	(tag) =	ssettag $0x0;
	lr =	simm.s32 $0x1  }
0x2: {  	[smem:$0x3F93] =	sst lr;
	_ =	strace $0xD0000000  }
0x3: {  	_ = 	snop  }
0x4: {  	_ = 	snop  }
0x5: {  	_ = 	snop  }
0x6: {  	_ = 	snop  }
0x7: {  	_ = 	snop  }
__scs_overlays_trampoline_lowered:
0x8: {  	[smem:$0x3FA2] =	sst s0  }
0x9: {  	[smem:$0x3FA3] =	sst s1  }
0xa: {  	[smem:$0x3FA4] =	sst s2  }
0xb: {  	[smem:$0x3FA5] =	sst s3  }
0xc: {  	[smem:$0x3FA6] =	sst s4  }
0xd: {  	[smem:$0x3FA7] =	sst s5  }
0xe: {  	[smem:$0x3FA8] =	sst s6  }
0xf: {  	[smem:$0x3FA9] =	sst s7  }
0x10: {  	[smem:$0x3FAA] =	sst s8  }
0x11: {  	[smem:$0x3FAB] =	sst s9;
	s0 =	simm.s32 @!p0 $0x0  }
0x12: {  	s1 =	sld [smem:$0x3F91];
	s0 =	simm.s32 @p0 $0x1  }
0x13: {  	[smem:$0x3FAC] =	sst s0;
	s0 =	simm.s32 @!p1 $0x0  }
0x14: {  	s2 =	sld [smem:$0x3F90];
	s0 =	simm.s32 @p1 $0x1  }
0x15: {  	[smem:$0x3FAD] =	sst s0;
	s0 =	simm.s32 @!p2 $0x0  }
0x16: {  	s3 =	sld [smem:$0x3FDB];
	s0 =	simm.s32 @p2 $0x1  }
0x17: {  	s4 =	simm.s32 $0x1BF5;
	[smem:$0x3FAF] =	sst s0  }
0x18: {  	s0 =	sld [smem:$0x3F92];
	_ =	swait.ge [sflag:s4], $0x0  }
0x19: {  	s7 =	sld [smem:$0x3F93]  }
0x1a: {  	s8 =	sadd.s32 $0xFFFFE003, lr  }
0x1b: {  	s9 =	sadd.s32 $0xFFFFFEF7, lr;
	s5 =	simm.s32 $0xFFFFFFFF;
	p2 =	slt.u32 s8, $0xFFFFF086  }
0x1c: {  	p1 =	slt.u32 s9, $0xF7A;
	s5 =	simm.s32 @!p2 $0x0  }
0x1d: {  	s5 =	simm.s32 @p1 $0x1;
	p0 =	seq.s32 s7, s2  }
0x1e: {  	s7 =	smul.u32 @!p0 $0xF7A, s2;
	p2 =	seq.s32 @!p0 s5, $0x0  }
0x1f: {  	s9 =	smul.u32 $0xF7A, s1;
	s8 =	simm.s32 @!p0 $0x1BF5;
	p2 =	por !p2, p0  }
0x20: {  	[sflag:s8] =	ssyncset.s32 @!p0 $0xFFFFF086;
	s6 =	sadd.s32 @!p0 s3, s7;
	s7 =	simm.s32 @!p0 $0x108  }
0x21: {  	s3 =	sadd.s32 s3, s9;
	s6 =	sadd.s32 @!p0 $0x88, s6;
	s7 =	simm.s32 @p2 $0x1082  }
0x22: {  	[simem:s7], [sflag:s8] =	dma.local @!p0 [hbm:s6], $0xF7A  }
0x23: {  	s9 =	sor.u32 $0xD0000000, s2;
	s6 =	simm.s32 $0x108;
	_ =	swait.ge @!p0 [sflag:s8], $0x0  }
0x24: {  	s3 =	sadd.s32 $0x88, s3;
	s6 =	simm.s32 @!p1 $0x1082;
	[sflag:s4] =	ssyncset.s32 $0xFFFFF086  }
0x25: {  	[simem:s6], [sflag:s4] =	dma.local [hbm:s3], $0xF7A  }
0x26: {  	[smem:$0x3F93] =	sst s1;
	(tag) =	ssettag s2;
	_ =	strace s9  }
0x27: {  	s1 =	sld [smem:$0x3FA3]  }
0x28: {  	s2 =	sld [smem:$0x3FA4]  }
0x29: {  	s4 =	sld [smem:$0x3FA6]  }
0x2a: {  	p0 =	seq.s32 s5, $0x0;
	s5 =	sld [smem:$0x3FA7]  }
0x2b: {  	s6 =	sld [smem:$0x3FA8]  }
0x2c: {  	s7 =	sld [smem:$0x3FA9]  }
0x2d: {  	s3 =	simm.s32 $0x108;
	s8 =	sld [smem:$0x3FAA]  }
0x2e: {  	s3 =	simm.s32 @!p0 $0x1082;
	s9 =	sld [smem:$0x3FAB]  }
0x2f: {  	lr =	sadd.s32 s0, s3;
	s0 =	sld [smem:$0x3FA2]  }
0x30: {  	s3 =	sld [smem:$0x3FA5]  }
0x31: {  	[smem:$0x3FAE] =	sst s10  }
0x32: {  	s10 =	sld [smem:$0x3FAC];
	_ =	sdelay $0x3  }
0x33: {  	p0 =	seq.s32 s10, $0x1;
	s10 =	sld [smem:$0x3FAE];
	_ =	sdelay $0x3  }
0x34: {  	[smem:$0x3FAE] =	sst s10  }
0x35: {  	s10 =	sld [smem:$0x3FAD];
	_ =	sdelay $0x3  }
0x36: {  	p1 =	seq.s32 s10, $0x1;
	s10 =	sld [smem:$0x3FAE];
	_ =	sdelay $0x3  }
0x37: {  	[smem:$0x3FAE] =	sst s10  }
0x38: {  	s10 =	sld [smem:$0x3FAF]  }
0x39: {  	_ = 	snop;
	(pc) =	sbr.ind lr, $3  }
0x3a: {  	_ = 	snop  }
0x3b: {  	_ = 	snop  }
0x3c: {  	p2 =	seq.s32 s10, $0x1;
	s10 =	sld [smem:$0x3FAE]  }
0x3d: {  	_ =	shalt  }
0x3e: {  	_ =	shalt  }
0x3f: {  	_ =	shalt  }
0x40: {  	_ =	shalt  }
0x41: {  	_ =	shalt  }
0x42: {  	_ =	shalt  }
0x43: {  	_ =	shalt  }
0x44: {  	_ =	shalt  }
0x45: {  	_ =	shalt  }
0x46: {  	_ =	shalt  }
0x47: {  	_ =	shalt  }
0x48: {  	_ =	shalt  }
0x49: {  	_ =	shalt  }
0x4a: {  	_ =	shalt  }
0x4b: {  	_ =	shalt  }
0x4c: {  	_ =	shalt  }
0x4d: {  	_ =	shalt  }
0x4e: {  	_ =	shalt  }
0x4f: {  	_ =	shalt  }
0x50: {  	_ =	shalt  }
0x51: {  	_ =	shalt  }
0x52: {  	_ =	shalt  }
0x53: {  	_ =	shalt  }
0x54: {  	_ =	shalt  }
0x55: {  	_ =	shalt  }
0x56: {  	_ =	shalt  }
0x57: {  	_ =	shalt  }
0x58: {  	_ =	shalt  }
0x59: {  	_ =	shalt  }
0x5a: {  	_ =	shalt  }
0x5b: {  	_ =	shalt  }
0x5c: {  	_ =	shalt  }
0x5d: {  	_ =	shalt  }
0x5e: {  	_ =	shalt  }
0x5f: {  	_ =	shalt  }
0x60: {  	_ =	shalt  }
0x61: {  	_ =	shalt  }
0x62: {  	_ =	shalt  }
0x63: {  	_ =	shalt  }
0x64: {  	_ =	shalt  }
0x65: {  	_ =	shalt  }
0x66: {  	_ =	shalt  }
0x67: {  	_ =	shalt  }
0x68: {  	_ =	shalt  }
0x69: {  	_ =	shalt  }
0x6a: {  	_ =	shalt  }
0x6b: {  	_ =	shalt  }
0x6c: {  	_ =	shalt  }
0x6d: {  	_ =	shalt  }
0x6e: {  	_ =	shalt  }
0x6f: {  	_ =	shalt  }
0x70: {  	_ =	shalt  }
0x71: {  	_ =	shalt  }
0x72: {  	_ =	shalt  }
0x73: {  	_ =	shalt  }
0x74: {  	_ =	shalt  }
0x75: {  	_ =	shalt  }
0x76: {  	_ =	shalt  }
0x77: {  	_ =	shalt  }
0x78: {  	_ =	shalt  }
0x79: {  	_ =	shalt  }
0x7a: {  	_ =	shalt  }
0x7b: {  	_ =	shalt  }
0x7c: {  	_ =	shalt  }
0x7d: {  	_ =	shalt  }
0x7e: {  	_ =	shalt  }
0x7f: {  	_ =	shalt  }
0x80: {  	_ =	shalt  }
0x81: {  	_ =	shalt  }
0x82: {  	_ =	shalt  }
0x83: {  	_ =	shalt  }
0x84: {  	_ =	shalt  }
0x85: {  	_ =	shalt  }
0x86: {  	_ =	shalt  }
0x87: {  	_ =	shalt  }
.Lfunc_end0:
.L_simem_size_0:
called_computation_lowered:
.L_overlay_start_0:
0x88: {  	s2 =	sld [smem:$0x3FD9]  }
0x89: {  	s3 =	sld [smem:$0x3FFE];
	_ =	sdelay $0x1  }
0x8a: {  	s1 =	srdreg.scid  }
0x8b: {  	s0 =	sand.u32 $0x1, s1  }
0x8c: {  	s17 =	sshll.u32 s0, $0xA;
	s2 =	sadd.s32 s3, s2  }
0x8d: {  	s2 =	sadd.s32 s2, s17  }
0x8e: {  	[smem:$0x3FBA] =	sst s2  }
0x8f: {  	_ = 	snop  }
0x90: {  	s2 =	sld [smem:$0x3FD0];
	(tm) =	ssettm $0x1  }
0x91: {  	s18 =	sld [smem:$0x3FFB];
	_ =	sdelay $0x3  }
0x92: {  	_ =	strace s18  }
0x93: {  	s3 =	sld [smem:$0x3FFC];
	_ =	sdelay $0x3  }
0x94: {  	_ =	strace s3  }
0x95: {  	s3 =	sld [smem:$0x3FFD];
	_ =	sdelay $0x3  }
0x96: {  	_ =	strace s3  }
0x97: {  	_ =	strace $0x8FFFFFFF  }
0x98: {  	s19 =	sld [smem:$0x3FDB];
	_ =	sdelay $0x1  }
0x99: {  	s4 =	simm.s32 $_scs_section_size  }
0x9a: {  	s5 =	simm.s32 $_size__tile_overlayer_lowered;
	s6 =	simm.s32 $_tile_overlayer_lowered  }
0x9b: {  	s22 =	simm.s32 $0x1BFF;
	s21 =	sshll.u32 s6, $0x1;
	s3 =	sadd.s32 s4, s19  }
0x9c: {  	s7 =	simm.s32 $0x0;
	s20 =	sshll.u32 s5, $0x1;
	s5 =	sadd.s32 s21, s3  }
0x9d: {  	[timem:s7], [sflag:s22] =	dma.local [hbm:s5], s20  }
0x9e: {  	_ =	swait.ge [sflag:s22], s20  }
0x9f: {  	s4 =	ssub.s32 $0x0, s20;
	[sflag:s22] =	ssyncset.done $0x0  }
0xa0: {  	[sflag:s22] =	ssyncadd.s32 s4;
	_ =	sdelay $0x1  }
0xa1: {  	s23 =	simm.s32 $0x1B8B  }
0xa2: {  	_ =	swait.ge [sflag:s23], $0x1  }
0xa3: {  	[sflag:s23] =	ssyncset.done $0x0  }
0xa4: {  	s25 =	simm.s32 $0x1B8E;
	s24 =	sld [smem:$0x3FFE];
	[sflag:s23] =	ssyncadd.s32 $0xFFFFFFFF  }
0xa5: {  	s26 =	simm.s32 $execute0_lowered;
	[smem:$0x3FD2] =	sst s25  }
0xa6: {  	s5 =	sshll.u32 s26, $0x1;
	_ =	strace $0x80000046;
	[dreg:$0x1] =	wrdreg $0xFFFFFFFF  }
0xa7: {  	s28 =	simm.s32 $_size_execute0_lowered;
	s3 =	sadd.s32 s3, s5;
	[dreg:$0x0] =	wrdreg $0x0  }
0xa8: {  	s5 =	sshll.u32 s28, $0x1;
	[dreg:$0x2] =	wrdreg s3  }
0xa9: {  	[dreg:$0x3] =	wrdreg s5  }
0xaa: {  	[dreg:$0x4] =	wrdreg $0xC0  }
0xab: {  	_ =	task [dreg:s7], $0x5FFFF  }
0xac: {  	[dreg:$0x1] =	wrdreg $0xFFFFFFFF  }
0xad: {  	[dreg:$0x0] =	wrdreg $0x60  }
0xae: {  	[dreg:$0x2] =	wrdreg s24  }
0xaf: {  	[dreg:$0x3] =	wrdreg s2  }
0xb0: {  	[dreg:$0x4] =	wrdreg $0x5FA00  }
0xb1: {  	[dreg:$0x5] =	wrdreg $0x198200  }
0xb2: {  	[dreg:$0x6] =	wrdreg $0x9  }
0xb3: {  	_ =	task.clear_ibuf [dreg:s7], $0x7FFFF;
	_ =	strace $0x90000046  }
0xb4: {  	s29 =	simm.s32 $0x9;
	_ =	strace $0x80000048  }
0xb5: {  	_ =	swait.ge [sflag:s29], $0x1  }
0xb6: {  	[sflag:s29] =	ssyncadd.s32 $0xFFFFFFFF  }
0xb7: {  	_ =	strace $0x90000048  }
0xb8: {  	_ =	sfence  }
0xb9: {  	s30 =	sld [smem:$0x0];
	_ =	sdelay $0x2  }
0xba: {  	s31 =	sshll.u32 s1, $0xD;
	s1 =	sshrl.u32 s1, $0x2  }
0xbb: {  	s3 =	sand.u32 $0x4000, s31;
	s1 =	sadd.s32 s1, s30  }
0xbc: {  	s0 =	sor.u32 s3, s0;
	s1 =	sshll.u32 s1, $0x11  }
0xbd: {  	s0 =	sor.u32 s1, s0  }
0xbe: {  	s0 =	sadd.s32 $0x8F2B, s0  }
0xbf: {  	[sflag:s0] =	ssyncadd.remote.s32 $0x1  }
0xc0: {  	_ =	sfence.sel $0xFFFF  }
0xc1: {  	[dreg:$0x0] =	wrdreg $0xFFFFFFFF;
	(pc) =	sbr.abs _section_cstart, $3  }
0xc2: {  	[dreg:$0x1] =	wrdreg $0xFFFFFFFF  }
0xc3: {  	_ =	task.clear_ibuf [dreg:s7], $0x2FFFF;
	_ =	strace $0x9FFFFFFF  }
0xc4: {  	(tm) =	ssettm $0x7FFFFFFF  }
0xc5: {  	_ =	shalt  }
tec
execute0_lowered:
.L_overlay_start_1:
0x0: {  	(tag) =	ssettag $0x1  }
0x1: {  	s0 =	rddreg [dreg:$0x0]  }
0x2: {  	s8 =	rddreg [dreg:$0x1]  }
0x3: {  	s1 =	rddreg [dreg:$0x2]  }
0x4: {  	s2 =	rddreg [dreg:$0x3];
	s3 =	simm.s32 $0x0  }
0x5: {  	s9 =	srdreg.scid;
	s25 =	stileid.u32;
	s28 =	simm.s32 $0xA0  }
0x6: {  	s29 =	simm.s32 $0x1;
	s30 =	simm.s32 $0x5A0;
	s31 =	simm.s32 $0xAA0  }
0x7: {  	[smem:$0x7FF] =	sst s3;
	s4 =	sadd.s32 $0x51E00, s0;
	s5 =	sadd.s32 $0x56E00, s0  }
0x8: {  	s6 =	sadd.s32 $0x3A00, s0;
	s7 =	sadd.s32 $0x65C00, s0;
	s10 =	sand.u32 $0x1, s9  }
0x9: {  	s9 =	sadd.s32 $0x5BE00, s0;
	s11 =	sadd.s32 $0x6FA00, s0;
	s13 =	sadd.s32 $0x96C00, s0  }
0xa: {  	s0 =	sadd.s32 $0x9BC00, s0;
	s16 =	smul.u32 $0x1900, s25;
	s17 =	sor.u32 $0x10, s25  }
0xb: {  	s15 =	sshll.u32 s25, $0x1;
	s24 =	sshll.u32 s25, $0x6;
	s19 =	smul.u32 $0xC800, s17  }
0xc: {  	p0 =	sgt.u32 s25, $0x8;
	s12 =	ssub.s32 $0x2, s10;
	s17 =	smul.u32 $0x1900, s17  }
0xd: {  	_ =	strace $0x80000047;
	s21 =	smul.u32 $0x138800, s10;
	s14 =	sshrl.u32 s12, $0x1  }
0xe: {  	s18 =	sor.u32 s10, s15;
	s12 =	ssub.s32 s12, s14;
	s14 =	smul.u32 $0xC800, s25  }
0xf: {  	s10 =	smul.u32 $0x27100, s10;
	s22 =	sshrl.u32 s19, $0x3;
	s23 =	sshrl.u32 s17, $0x3  }
0x10: {  	s25 =	simm.s32 $0x2;
	s26 =	sshrl.u32 s14, $0x3;
	s20 =	sadd.s32 s14, s1  }
0x11: {  	[dreg:$0x5] =	wrdreg s20;
	s15 =	sadd.s32 s11, s26;
	s20 =	sshrl.u32 s16, $0x3  }
0x12: {  	s11 =	sadd.s32 s11, s22;
	s26 =	sadd.s32 s14, s21;
	[dreg:$0x6] =	wrdreg s15  }
0x13: {  	s22 =	sadd.s32 s16, s2;
	s15 =	sadd.s32 s13, s20;
	[dreg:$0x8] =	wrdreg s11  }
0x14: {  	s11 =	sadd.s32 s13, s23;
	s14 =	sshrl.u32 s26, $0x3;
	[dreg:$0xc] =	wrdreg s22  }
0x15: {  	s20 =	sadd.s32 s21, s19;
	s23 =	sadd.s32 s19, s1;
	[dreg:$0x7] =	wrdreg s15  }
0x16: {  	s26 =	sadd.s32 s17, s2;
	[dreg:$0x9] =	wrdreg s11;
	s15 =	sor.u32 $0x1C02, s24  }
0x17: {  	s11 =	sadd.s32 s0, s14;
	s21 =	sshrl.u32 s20, $0x3;
	[dreg:$0xd] =	wrdreg s23  }
0x18: {  	s24 =	sadd.s32 s16, s10;
	s10 =	sadd.s32 s10, s17;
	[dreg:$0xe] =	wrdreg s26  }
0x19: {  	s26 =	simm.s32 $0x50;
	[dreg:$0xa] =	wrdreg s11;
	s0 =	sadd.s32 s0, s21  }
0x1a: {  	v0 =	vimm.s32 $0x0;
	v1 =	vimm.s32 $0x1;
	s21 =	smul.u32 $0x2710, s18;
	s10 =	sshrl.u32 s10, $0x3;
	[dreg:$0xb] =	wrdreg s0  }
0x1b: {  	v2 =	vimm.s32 $0x2;
	v3 =	vimm.s32 $0x3;
	v4 =	vimm.s32 $0x4;
	s0 =	sshrl.u32 s24, $0x3;
	s23 =	sadd.s32 s8, s10;
	s24 =	smax.u32 s12, $0x1  }
0x1c: {  	v5 =	vimm.s32 $0x5;
	v6 =	vimm.s32 $0x6;
	v7 =	vimm.s32 $0x7;
	s22 =	sadd.s32 s8, s0;
	s0 =	simm.s32 $0x32A0;
	s8 =	simm.s32 $0x5AA0  }
.LBB2_1:
0x1d: {  	s10 =	rddreg [dreg:$0x5]  }
0x1e: {  	s11 =	rddreg [dreg:$0x6];
	s10 =	sshrl.u32 s10, $0x3  }
0x1f: {  	[spmem:s10], [sflag:s15] =	dma.local [hbm:s11], $0x1900  }
0x20: {  	_ =	swait.ge [sflag:s25], $0x1900  }
0x21: {  	[sflag:s25] =	ssyncset.done $0x0;
	s20 =	rddreg [dreg:$0xc]  }
0x22: {  	s12 =	rddreg [dreg:$0x7];
	[sflag:s25] =	ssyncadd.s32 $0xFFFFE700;
	s11 =	sshrl.u32 s20, $0x3  }
0x23: {  	[spmem:s11], [sflag:s15] =	dma.local [hbm:s12], $0x320  }
0x24: {  	_ =	swait.ge [sflag:s25], $0x320  }
0x25: {  	s14 =	simm.s32 @!p0 $0x2;
	[sflag:s25] =	ssyncset.done $0x0;
	s12 =	rddreg [dreg:$0xd]  }
0x26: {  	s13 =	rddreg [dreg:$0x8];
	[sflag:s25] =	ssyncadd.s32 $0xFFFFFCE0;
	s12 =	sshrl.u32 @!p0 s12, $0x3  }
0x27: {  	[spmem:s12], [sflag:s15] =	dma.local @!p0 [hbm:s13], $0x1900  }
0x28: {  	_ =	swait.ge @!p0 [sflag:s14], $0x1900  }
0x29: {  	[sflag:s14] =	ssyncset.done @!p0 $0x0;
	s13 =	rddreg [dreg:$0xe]  }
0x2a: {  	s16 =	rddreg [dreg:$0x9];
	[sflag:s14] =	ssyncadd.s32 @!p0 $0xFFFFE700;
	s13 =	sshrl.u32 @!p0 s13, $0x3  }
0x2b: {  	[spmem:s13], [sflag:s15] =	dma.local @!p0 [hbm:s16], $0x320  }
0x2c: {  	_ =	swait.ge @!p0 [sflag:s14], $0x320  }
0x2d: {  	[sflag:s14] =	ssyncset.done @!p0 $0x0  }
0x2e: {  	[sflag:s14] =	ssyncadd.s32 @!p0 $0xFFFFFCE0  }
0x2f: {  	s14 =	simm.s32 $0x0;
	[bflag:$0x0] =	sbarrier.arrive $0xFFFF  }
.LBB2_2:
0x30: {  	s16 =	smul.u32 $0x50, s14;
	_ =	sdelay $0x1  }
0x31: {  	s16 =	sadd.s32 s21, s16  }
0x32: {  	s16 =	sshrl.u32 s16, $0x3  }
0x33: {  	s18 =	simm.s32 $0x0;
	s17 =	sadd.s32 s7, s16  }
0x34: {  	[tilespmem:s18], [sflag:$0x2] =	stream.linear.gather [hbm4b:s17+s18], $0x50, $0x38;
	[tilespmem:$0x1BF30] =	vst v63  }
0x35: {  	_ =	swait.ge [sflag:s25], $0x50  }
0x36: {  	[sflag:s25] =	ssyncset.done $0x0  }
0x37: {  	s16 =	sadd.s32 s9, s16;
	[sflag:s25] =	ssyncadd.s32 $0xFFFFFFB0  }
0x38: {  	[tilespmem:s26], [sflag:$0x2] =	stream.linear.gather [hbm4b:s16+s18], $0x50, $0x38;
	[tilespmem:$0x1BF30] =	vst v63  }
0x39: {  	_ =	swait.ge [sflag:s25], $0x50  }
0x3a: {  	[sflag:s25] =	ssyncset.done $0x0  }
0x3b: {  	[sflag:s25] =	ssyncadd.s32 $0xFFFFFFB0  }
0x3c: {  	[tilespmem:s28], [sflag:$0x1] =	stream.indirect.gather [hbm4b:s4+s26], $0x10, s18, s26, $0xb8;
	[tilespmem:$0x1BF30] =	vst v63  }
0x3d: {  	_ =	swait.ge [sflag:s29], $0x500  }
0x3e: {  	[sflag:s29] =	ssyncset.done $0x0  }
0x3f: {  	[sflag:s29] =	ssyncadd.s32 $0xFFFFFB00  }
0x40: {  	[tilespmem:s30], [sflag:$0x1] =	stream.indirect.gather [hbm4b:s5+s26], $0x10, s26, s26, $0xb8;
	[tilespmem:$0x1BF30] =	vst v63  }
0x41: {  	_ =	swait.ge [sflag:s29], $0x500  }
0x42: {  	[sflag:s29] =	ssyncset.done $0x0  }
0x43: {  	[sflag:s29] =	ssyncadd.s32 $0xFFFFFB00  }
0x44: {  	[tilespmem:s31], [sflag:$0x1] =	stream.indirect.gather [hbm4b:s6+s26], $0x80, s18, s26, $0xb8;
	[tilespmem:$0x1BF30] =	vst v63  }
0x45: {  	_ =	swait.ge [sflag:s29], $0x2800  }
0x46: {  	[sflag:s29] =	ssyncset.done $0x0  }
0x47: {  	s20 =	simm.s32 $0x0;
	[sflag:s29] =	ssyncadd.s32 $0xFFFFD800  }
0x48: {  	v8 =	vld [tilespmem:s20+$0xA0]  }
0x49: {  	v9 =	vld [tilespmem:s20+$0x5A0];
	_ =	sdelay $0x4  }
0x4a: {  	v8 =	vadd.f32 v9, v8;
	_ =	sdelay $0x1  }
0x4b: {  	v9 =	vmul.f32 $2.000000030e-01, v8  }
0x4c: {  	vm0 =	vge.f32 v8, $0.0e+00  }
0x4d: {  	v8 =	vsel vm0, v8, v9  }
0x4e: {  	v8 =	vmul.f32 $1.442695020e+00, v8;
	_ =	sdelay $0x1  }
0x4f: {  	(erf) = vpow2.f32 v8;
	_ =	sdelay $0x8  }
0x50: {  	v8 =	vpop (erf)  }
0x51: {  	s16 =	simm.s32 $0xAE0;
	[tilespmem:s20+$0x5AA0] =	vst v8  }
0x52: {  	v9 =	vld [tilespmem:s16+$0xFFFFFFC0];
	_ =	sdelay $0x2  }
0x53: {  	v10 =	vperm.xlane v8, v0;
	_ =	sdelay $0x1  }
0x54: {  	v9 =	vmul.f32 v9, v10  }
0x55: {  	s17 =	simm.s32 $0x32E0  }
0x56: {  	[tilespmem:s17+$0xFFFFFFC0] =	vst v9  }
0x57: {  	v9 =	vld [tilespmem:s16+$0xFFFFFFD0];
	_ =	sdelay $0x2  }
0x58: {  	v10 =	vperm.xlane v8, v1;
	_ =	sdelay $0x1  }
0x59: {  	v9 =	vmul.f32 v9, v10;
	_ =	sdelay $0x1  }
0x5a: {  	[tilespmem:s17+$0xFFFFFFD0] =	vst v9  }
0x5b: {  	v9 =	vld [tilespmem:s16+$0xFFFFFFE0];
	_ =	sdelay $0x2  }
0x5c: {  	v10 =	vperm.xlane v8, v2;
	_ =	sdelay $0x1  }
0x5d: {  	v9 =	vmul.f32 v9, v10;
	_ =	sdelay $0x1  }
0x5e: {  	[tilespmem:s17+$0xFFFFFFE0] =	vst v9  }
0x5f: {  	v9 =	vld [tilespmem:s16+$0xFFFFFFF0];
	_ =	sdelay $0x2  }
0x60: {  	v10 =	vperm.xlane v8, v3;
	_ =	sdelay $0x1  }
0x61: {  	v9 =	vmul.f32 v9, v10;
	_ =	sdelay $0x1  }
0x62: {  	[tilespmem:s17+$0xFFFFFFF0] =	vst v9  }
0x63: {  	v9 =	vld [tilespmem:s16+$0x0];
	_ =	sdelay $0x2  }
0x64: {  	v10 =	vperm.xlane v8, v4;
	_ =	sdelay $0x1  }
0x65: {  	v9 =	vmul.f32 v9, v10;
	_ =	sdelay $0x1  }
0x66: {  	[tilespmem:s17+$0x0] =	vst v9  }
0x67: {  	v9 =	vld [tilespmem:s16+$0x10];
	_ =	sdelay $0x2  }
0x68: {  	v10 =	vperm.xlane v8, v5;
	_ =	sdelay $0x1  }
0x69: {  	v9 =	vmul.f32 v9, v10;
	_ =	sdelay $0x1  }
0x6a: {  	[tilespmem:s17+$0x10] =	vst v9  }
0x6b: {  	v9 =	vld [tilespmem:s16+$0x20];
	_ =	sdelay $0x2  }
0x6c: {  	v10 =	vperm.xlane v8, v6;
	_ =	sdelay $0x1  }
0x6d: {  	v9 =	vmul.f32 v9, v10;
	_ =	sdelay $0x1  }
0x6e: {  	[tilespmem:s17+$0x20] =	vst v9  }
0x6f: {  	v9 =	vld [tilespmem:s16+$0x30];
	_ =	sdelay $0x2  }
0x70: {  	v8 =	vperm.xlane v8, v7;
	_ =	sdelay $0x1  }
0x71: {  	s19 =	simm.s32 $0x32E0;
	s18 =	simm.s32 $0x40;
	v8 =	vmul.f32 v9, v8  }
.LBB2_3:
0x72: {  	p1 =	sne.s32 s18, $0x13C0;
	s17 =	sadd.s32 $0x80, s17;
	s16 =	sadd.s32 $0x80, s16  }
0x73: {  	s20 =	sshra.s32 s18, $0x2;
	s18 =	sadd.s32 $0x40, s18;
	[tilespmem:s19+$0x30] =	vst v8;
	s19 =	smov.u32 s17  }
0x74: {  	v8 =	vld [tilespmem:s20+$0xA0]  }
0x75: {  	v9 =	vld [tilespmem:s20+$0x5A0];
	_ =	sdelay $0x4  }
0x76: {  	v8 =	vadd.f32 v9, v8;
	_ =	sdelay $0x1  }
0x77: {  	vm0 =	vge.f32 v8, $0.0e+00;
	v9 =	vmul.f32 $2.000000030e-01, v8;
	_ =	sdelay $0x1  }
0x78: {  	v8 =	vsel vm0, v8, v9  }
0x79: {  	v8 =	vmul.f32 $1.442695020e+00, v8;
	_ =	sdelay $0x1  }
0x7a: {  	(erf) = vpow2.f32 v8;
	_ =	sdelay $0x8  }
0x7b: {  	v8 =	vpop (erf)  }
0x7c: {  	[tilespmem:s20+$0x5AA0] =	vst v8  }
0x7d: {  	v9 =	vld [tilespmem:s16+$0xFFFFFFC0];
	_ =	sdelay $0x1  }
0x7e: {  	v10 =	vperm.xlane v8, v0;
	_ =	sdelay $0x2  }
0x7f: {  	v9 =	vmul.f32 v9, v10;
	_ =	sdelay $0x1  }
0x80: {  	[tilespmem:s17+$0xFFFFFFC0] =	vst v9  }
0x81: {  	v9 =	vld [tilespmem:s16+$0xFFFFFFD0];
	_ =	sdelay $0x1  }
0x82: {  	v10 =	vperm.xlane v8, v1;
	_ =	sdelay $0x2  }
0x83: {  	v9 =	vmul.f32 v9, v10;
	_ =	sdelay $0x1  }
0x84: {  	[tilespmem:s17+$0xFFFFFFD0] =	vst v9  }
0x85: {  	v9 =	vld [tilespmem:s16+$0xFFFFFFE0];
	_ =	sdelay $0x1  }
0x86: {  	v10 =	vperm.xlane v8, v2;
	_ =	sdelay $0x2  }
0x87: {  	v9 =	vmul.f32 v9, v10;
	_ =	sdelay $0x1  }
0x88: {  	[tilespmem:s17+$0xFFFFFFE0] =	vst v9  }
0x89: {  	v9 =	vld [tilespmem:s16+$0xFFFFFFF0];
	_ =	sdelay $0x1  }
0x8a: {  	v10 =	vperm.xlane v8, v3;
	_ =	sdelay $0x2  }
0x8b: {  	v9 =	vmul.f32 v9, v10;
	_ =	sdelay $0x1  }
0x8c: {  	[tilespmem:s17+$0xFFFFFFF0] =	vst v9  }
0x8d: {  	v9 =	vld [tilespmem:s16+$0x0];
	_ =	sdelay $0x1  }
0x8e: {  	v10 =	vperm.xlane v8, v4;
	_ =	sdelay $0x2  }
0x8f: {  	v9 =	vmul.f32 v9, v10;
	_ =	sdelay $0x1  }
0x90: {  	[tilespmem:s17+$0x0] =	vst v9  }
0x91: {  	v9 =	vld [tilespmem:s16+$0x10];
	_ =	sdelay $0x1  }
0x92: {  	v10 =	vperm.xlane v8, v5;
	_ =	sdelay $0x2  }
0x93: {  	v9 =	vmul.f32 v9, v10;
	_ =	sdelay $0x1  }
0x94: {  	[tilespmem:s17+$0x10] =	vst v9  }
0x95: {  	v9 =	vld [tilespmem:s16+$0x20];
	_ =	sdelay $0x1  }
0x96: {  	v10 =	vperm.xlane v8, v6;
	_ =	sdelay $0x2  }
0x97: {  	v9 =	vmul.f32 v9, v10;
	_ =	sdelay $0x1  }
0x98: {  	[tilespmem:s17+$0x20] =	vst v9  }
0x99: {  	v9 =	vld [tilespmem:s16+$0x30]  }
.Ltmp0:
0x9a: {  	(pc) =	sbr.rel @p1 .LBB2_3-.Ltmp0, $2  }
0x9b: {  	v8 =	vperm.xlane v8, v7;
	_ =	sdelay $0x2  }
0x9c: {  	v8 =	vmul.f32 v9, v8  }
0x9d: {  	_ = 	snop  }
0x9e: {  	[tilespmem:s19+$0x30] =	vst v8  }
0x9f: {  	[spmem:s1] =	stream.indirect.scatter.add.f32 [tilespmem:s0], [sflag:$0x2], $0x80, s26, s26, $0xb8;
	[tilespmem:$0x1BF30] =	vst v63  }
0xa0: {  	s14 =	sadd.s32 $0x1, s14;
	_ =	swait.ge [sflag:s25], $0x2800  }
0xa1: {  	p1 =	sne.s32 s14, $0x7D;
	[sflag:s25] =	ssyncset.done $0x0  }
.Ltmp1:
0xa2: {  	[sflag:s25] =	ssyncadd.s32 $0xFFFFD800;
	(pc) =	sbr.rel @p1 .LBB2_2-.Ltmp1, $4  }
0xa3: {  	[spmem:s2] =	stream.indirect.scatter.add.f32 [tilespmem:s8], [sflag:$0x2], $0x10, s26, s26, $0xb8;
	[tilespmem:$0x1BF30] =	vst v63  }
0xa4: {  	_ =	swait.ge [sflag:s25], $0x500  }
0xa5: {  	[sflag:s25] =	ssyncset.done $0x0  }
0xa6: {  	[sflag:s25] =	ssyncadd.s32 $0xFFFFFB00  }
0xa7: {  	[bflag:$0x0] =	sbarrier.arrive $0xFFFF  }
0xa8: {  	s14 =	rddreg [dreg:$0xa]  }
0xa9: {  	[hbm:s14], [sflag:s15] =	dma.local [spmem:s10], $0x1900  }
0xaa: {  	_ =	swait.ge [sflag:s25], $0x1900  }
0xab: {  	[sflag:s25] =	ssyncset.done $0x0  }
0xac: {  	[sflag:s25] =	ssyncadd.s32 $0xFFFFE700  }
0xad: {  	[hbm:s22], [sflag:s15] =	dma.local [spmem:s11], $0x320  }
0xae: {  	_ =	swait.ge [sflag:s25], $0x320  }
0xaf: {  	[sflag:s25] =	ssyncset.done $0x0  }
0xb0: {  	s10 =	rddreg [dreg:$0xb];
	[sflag:s25] =	ssyncadd.s32 $0xFFFFFCE0  }
0xb1: {  	[hbm:s10], [sflag:s15] =	dma.local @!p0 [spmem:s12], $0x1900  }
0xb2: {  	s10 =	simm.s32 @!p0 $0x2  }
0xb3: {  	s3 =	sadd.s32 $0x1, s3;
	_ =	swait.ge @!p0 [sflag:s10], $0x1900  }
0xb4: {  	p1 =	sne.s32 s3, s24;
	[sflag:s10] =	ssyncset.done @!p0 $0x0  }
.Ltmp2:
0xb5: {  	[sflag:s10] =	ssyncadd.s32 @!p0 $0xFFFFE700;
	(pc) =	sbr.rel @p1 .LBB2_1-.Ltmp2, $4  }
0xb6: {  	[hbm:s23], [sflag:s15] =	dma.local @!p0 [spmem:s13], $0x320  }
0xb7: {  	_ =	swait.ge @!p0 [sflag:s10], $0x320  }
0xb8: {  	[sflag:s10] =	ssyncset.done @!p0 $0x0  }
0xb9: {  	[sflag:s10] =	ssyncadd.s32 @!p0 $0xFFFFFCE0  }
0xba: {  	_ =	sfence.sel $0x180000  }
0xbb: {  	[bflag:$0x0] =	sbarrier.arrive $0xFFFF  }
0xbc: {  	_ =	strace $0x90000047  }
0xbd: {  	s0 =	stileid.u32;
	[bflag:$0x2] =	sbarrier.arrive $0xFFFF  }
0xbe: {  	p0 =	sne.s32 s0, $0x0;
	s0 =	rddreg [dreg:$0x4]  }
0xbf: {  	s0 =	sadd.s32 @!p0 $0x100000, s0  }
0xc0: {  	[sflag:s0] =	ssyncadd.tile.s32 @!p0 $0x1;
	_ =	shalt  }
.Lfunc_end2:
_tile_overlayer_lowered:
.L_overlay_start_2:
0xc1: {  	(tag) =	ssettag $0x2  }
0xc2: {  	s0 =	rddreg [dreg:$0x0];
	s2 =	stileid.u32  }
0xc3: {  	s1 =	rddreg [dreg:$0x1];
	p0 =	sne.s32 s2, $0x0  }
0xc4: {  	s3 =	rddreg [dreg:$0x2];
	[bflag:$0x3] =	sbarrier.arrive $0xFFFF;
	s2 =	simm.s32 @!p0 $0x1C02  }
0xc5: {  	[timem:s3], [sflag:s2] =	dma.local @!p0 [hbm:s0], s1  }
0xc6: {  	s0 =	simm.s32 @!p0 $0x2  }
0xc7: {  	_ =	swait.ge @!p0 [sflag:s0], s1  }
0xc8: {  	s1 =	ssub.s32 @!p0 $0x0, s1;
	[sflag:s0] =	ssyncset.done @!p0 $0x0  }
0xc9: {  	[sflag:s0] =	ssyncadd.s32 @!p0 s1  }
0xca: {  	[bflag:$0x3] =	sbarrier.arrive $0xFFFF  }
0xcb: {  	_ =	shalt  }

</sc_bundles>
